<compile_context>
chip_gen: v7x
topology: tpu7x:2x2x1
jax: 0.10.2.dev20260603
libtpu: 0.0.44.dev20260713+nightly
codegen_flags: <defaults>
</compile_context>

<pallas_src>
import functools

import jax
import jax.numpy as jnp
from jax import lax
from jax.experimental import pallas as pl
from jax.experimental.pallas import tpu as pltpu
from jax.experimental.pallas import tpu_sc as plsc

REG = 16
N_TOTAL = 16 * 3 * 4 * 80 * 80

_C14_M_HALF = (REG - 2) * 0.9740769841801067 - 0.5
_H0 = 2.104071226635497 + _C14_M_HALF
_H1 = -0.02402309880798868
_G0 = 0.24487346816720584
_G1 = -0.055733447453613
_A0 = -5.486106260475798e-05
_A1 = 0.2510418728673606
_A2 = -0.004242685861432626
_A3 = -0.015749358576915774

_B_TC = 14
_NW = 32
_NSLAB = (16 - _B_TC) * 12


def _vec_loss(p, t):
    reg = jnp.float32(REG - 1)
    vp = p * reg
    vip = vp.astype(jnp.int32)
    fp = vp - vip.astype(jnp.float32)
    vt = t * reg
    vit = vt.astype(jnp.int32)
    ft = vt - vit.astype(jnp.float32)
    d = vit - vip

    w = fp - 0.5
    w2 = w * w
    hv = jnp.float32(_H1) * w2 + jnp.float32(_H0)
    g = jnp.float32(_G1) * w2 + jnp.float32(_G0)
    qa = ((jnp.float32(_A3) * fp + jnp.float32(_A2)) * fp
          + jnp.float32(_A1)) * fp + jnp.float32(_A0)
    qb = g - qa

    a = ft * qa
    b = ft * qb
    t0 = (a - b) + qb
    t2 = qa - a
    delta = jnp.where(d == 0, t0,
                      jnp.where(d == 1, b,
                                jnp.where(d == -1, t2, 0.0)))
    return hv - delta


def _sc_kernel(pred_hbm, target_hbm, mask_hbm, out_hbm,
               pbuf, tbuf, mbuf, obuf):
    wid = lax.axis_index("s") * 2 + lax.axis_index("c")

    zero = jnp.zeros((16,), jnp.float32)
    obuf[...] = zero

    nper = (_NSLAB + _NW - 1) // _NW
    for k in range(nper):
        s = wid + _NW * k

        @pl.when(s < _NSLAB)
        def _():
            b = _B_TC + s // 12
            j = s - (s // 12) * 12
            a = j // 4
            pltpu.sync_copy(pred_hbm.at[b, j], pbuf)
            pltpu.sync_copy(target_hbm.at[b, j], tbuf)
            pltpu.sync_copy(mask_hbm.at[b, a], mbuf)

            def row_body(r, accs):
                out = []
                for v in range(5):
                    pv = pbuf[r, pl.ds(16 * v, 16)]
                    tv = tbuf[r, pl.ds(16 * v, 16)]
                    mv = mbuf[r, pl.ds(16 * v, 16)]
                    sv = _vec_loss(pv, tv)
                    out.append(accs[v] + sv * mv)
                return tuple(out)

            accs = lax.fori_loop(0, 80, row_body,
                                 (zero, zero, zero, zero, zero))
            obuf[...] += accs[0] + accs[1] + accs[2] + accs[3] + accs[4]

    pltpu.sync_copy(obuf, out_hbm.at[wid])


def _slab_loss_tc(p, t):
    reg = jnp.float32(REG - 1)
    vp = p * reg
    vip = jnp.floor(vp)
    fp = vp - vip
    vt = t * reg
    vit = jnp.floor(vt)
    ft = vt - vit
    d = vit - vip

    w = fp - 0.5
    w2 = w * w
    hv = jnp.float32(_H1) * w2 + jnp.float32(_H0)
    g = jnp.float32(_G1) * w2 + jnp.float32(_G0)
    qa = ((jnp.float32(_A3) * fp + jnp.float32(_A2)) * fp
          + jnp.float32(_A1)) * fp + jnp.float32(_A0)
    qb = g - qa

    a = ft * qa
    b = ft * qb
    t0 = (a - b) + qb
    t2 = qa - a
    delta = jnp.where(d == 0.0, t0,
                      jnp.where(d == 1.0, b,
                                jnp.where(d == -1.0, t2, 0.0)))
    return hv - delta


def _tc_kernel(pred_ref, target_ref, mask_ref, out_ref, acc_ref):
    i = pl.program_id(0)
    nsteps = pl.num_programs(0)
    blk = pred_ref.shape[0]

    zacc = None
    for bb in range(blk):
        for anchor in range(3):
            ssum = None
            for c in range(4):
                j = anchor * 4 + c
                s = _slab_loss_tc(pred_ref[bb, j], target_ref[bb, j])
                ssum = s if ssum is None else ssum + s
            z = ssum * mask_ref[bb, anchor]
            zacc = z if zacc is None else zacc + z

    @pl.when(i == 0)
    def _():
        acc_ref[...] = zacc

    @pl.when(i > 0)
    def _():
        acc_ref[...] += zacc

    @pl.when(i == nsteps - 1)
    def _():
        out_ref[0, 0] = jnp.sum(acc_ref[...])


@jax.jit
def kernel(pred, target, obj_mask):
    p = pred.reshape(16, 12, 80, 80)
    t = target.reshape(16, 12, 80, 80)
    m = obj_mask.reshape(16, 3, 80, 80)

    mesh = plsc.VectorSubcoreMesh(core_axis_name="c", subcore_axis_name="s")
    sc_out = pl.kernel(
        _sc_kernel,
        mesh=mesh,
        out_type=jax.ShapeDtypeStruct((_NW, 16), jnp.float32),
        scratch_types=[
            pltpu.VMEM((80, 80), jnp.float32),
            pltpu.VMEM((80, 80), jnp.float32),
            pltpu.VMEM((80, 80), jnp.float32),
            pltpu.VMEM((16,), jnp.float32),
        ],
    )(p, t, m)

    blk = 2
    tc_out = pl.pallas_call(
        _tc_kernel,
        grid=(_B_TC // blk,),
        in_specs=[
            pl.BlockSpec((blk, 12, 80, 80), lambda i: (i, 0, 0, 0)),
            pl.BlockSpec((blk, 12, 80, 80), lambda i: (i, 0, 0, 0)),
            pl.BlockSpec((blk, 3, 80, 80), lambda i: (i, 0, 0, 0)),
        ],
        out_specs=pl.BlockSpec(
            (1, 1), lambda i: (0, 0), memory_space=pltpu.SMEM
        ),
        out_shape=jax.ShapeDtypeStruct((1, 1), jnp.float32),
        scratch_shapes=[pltpu.VMEM((80, 80), jnp.float32)],
    )(p, t, m)

    return (tc_out[0, 0] + jnp.sum(sc_out)) / jnp.float32(N_TOTAL * REG)

# --- scband reference (transcript-rebuilt; emitter-appended) ---
"""Pipeline reference for scband-distribution-focal-loss-6743098654956 (READ-ONLY COPY).

The authoritative reference and input builder live on the scoring server;
editing this copy changes nothing except your own understanding.
"""

import jax, jax.numpy as jnp
import numpy as np

REG_MAX = 16


def setup_inputs(seed: int = 0) -> dict:
    key = jax.random.key(seed)
    k1, k2, k3 = jax.random.split(key, 3)
    pred = jax.random.uniform(k1, (16, 3, 4, 80, 80), dtype=jnp.float32)
    target = jax.random.uniform(k2, (16, 3, 4, 80, 80), dtype=jnp.float32)
    obj_mask = jax.random.uniform(k3, (16, 3, 1, 80, 80), dtype=jnp.float32)
    return {"pred": pred, "target": target, "obj_mask": obj_mask}


def _bce_with_logits(x, t):
    # elementwise BCEWithLogitsLoss(reduction='none'):
    # -t*log(sigmoid(x)) - (1-t)*log(1-sigmoid(x))
    return (1.0 - t) * jax.nn.softplus(x) + t * jax.nn.softplus(-x)


def _make_dist(v, reg_max):
    # v: [B, A, 4, H, W] in [0, 1]
    v = v * (reg_max - 1)
    v = jnp.clip(v, 0.0, reg_max - 1)
    v_int = jnp.floor(v)
    v_frac = v - v_int  # grad w.r.t. v is 1 (floor is non-diff / zero grad)
    v_int = jnp.clip(v_int, 0.0, reg_max - 2)
    v_right = jnp.clip(v_int + 1.0, 0.0, reg_max - 1)
    # v_int and v_right are always distinct, so the two torch scatter_ calls
    # into a zeros tensor are equivalent to a sum of one-hot writes.
    oh_l = jax.nn.one_hot(v_int.astype(jnp.int32), reg_max, axis=3, dtype=v.dtype)
    oh_r = jax.nn.one_hot(v_right.astype(jnp.int32), reg_max, axis=3, dtype=v.dtype)
    frac = v_frac[:, :, :, None, :, :]
    return oh_l * frac + oh_r * (1.0 - frac)  # [B, A, 4, reg_max, H, W]


def reference(pred, target, obj_mask):
    reg_max = REG_MAX
    pred_dist = _make_dist(pred, reg_max)
    target_dist = _make_dist(target, reg_max)
    # use_sigmoid=True: the original applies sigmoid to pred_dist and then
    # feeds it (as logits) into BCEWithLogitsLoss; replicated faithfully.
    pred_dist = jax.nn.sigmoid(pred_dist)
    loss = _bce_with_logits(pred_dist, target_dist)
    loss = loss.mean(axis=3)  # [B, A, 4, H, W]
    m = jnp.squeeze(obj_mask, axis=2)  # [B, A, H, W]
    m = m[:, :, None, :, :]  # [B, A, 1, H, W]
    m = jnp.broadcast_to(m, loss.shape)  # expand to [B, A, 4, H, W]
    loss = loss * m
    return loss.mean()

if __name__ == "__main__":
    import jax
    _d = setup_inputs()
    print(jax.jit(kernel)(*tuple(_d.values())))

</pallas_src>

<mosaic_0001>
#map = affine_map<(d0, d1) -> (0, 0, 0, 0)>
#map1 = affine_map<(d0, d1) -> (0, 0)>
module attributes {stable_mosaic.version = 14 : i64} {
  func.func @_sc_kernel(%arg0: i32, %arg1: i32, %arg2: memref<16x12x80x80xf32, #tpu.memory_space<hbm>>, %arg3: memref<16x12x80x80xf32, #tpu.memory_space<hbm>>, %arg4: memref<16x3x80x80xf32, #tpu.memory_space<hbm>>, %arg5: memref<32x16xf32, #tpu.memory_space<hbm>>, %arg6: memref<80x80xf32, #tpu.memory_space<vmem>>, %arg7: memref<80x80xf32, #tpu.memory_space<vmem>>, %arg8: memref<80x80xf32, #tpu.memory_space<vmem>>, %arg9: memref<16xf32, #tpu.memory_space<vmem>>) attributes {dimension_semantics = [#tpu.dimension_semantics<core_parallel>, #tpu.dimension_semantics<subcore_parallel>], iteration_bounds = array<i64: 2, 16>, scalar_prefetch = 0 : i64, scratch_operands = 4 : i64, tpu.core_type = #tpu.core_type<sc_vector_subcore>, window_params = [{transform_indices = #map}, {transform_indices = #map}, {transform_indices = #map}, {transform_indices = #map1}]} {
    %mul3A = arith.constant 2 : i32
    %mul3A_0 = arith.muli %arg1, %mul3A : i32
    %add3A = arith.addi %mul3A_0, %arg0 : i32
    %broadcast_in_dim3A = arith.constant 0.000000e+00 : f32
    %broadcast_in_dim3A_1 = vector.broadcast %broadcast_in_dim3A : f32 to vector<16xf32>
    %swap3A = arith.constant 0 : index
    %swap3A_2 = tpu.vector_load %arg9[%swap3A] {strides = array<i32>} : memref<16xf32, #tpu.memory_space<vmem>>, vector<16xf32>,
    %swap3A_3 = vector.shape_cast %swap3A_2 : vector<16xf32> to vector<16xf32>
    %swap3A_4 = vector.shape_cast %broadcast_in_dim3A_1 : vector<16xf32> to vector<16xf32>
    tpu.vector_store %arg9[%swap3A], %swap3A_4 {strides = array<i32>} : memref<16xf32, #tpu.memory_space<vmem>>, vector<16xf32>,
    %add3A_5 = arith.constant 0 : i32
    %add3A_6 = arith.addi %add3A, %add3A_5 : i32
    %lt3A = arith.constant 24 : i32
    %lt3A_7 = arith.cmpi slt, %add3A_6, %lt3A : i32
    %convert_element_type3A = arith.extui %lt3A_7 : i1 to i32
    %cond3A = arith.constant 0 : i32
    %cond3A_8 = arith.cmpi ne, %convert_element_type3A, %cond3A : i32
    scf.if %cond3A_8 {
      %jit3A = arith.constant 12 : i32
      %div3A = arith.divsi %add3A_6, %jit3A : i32
      %sign3A = arith.constant 0 : i32
      %sign3A_9 = arith.cmpi sgt, %add3A_6, %sign3A : i32
      %sign3A_10 = arith.extui %sign3A_9 : i1 to i32
      %sign3A_11 = arith.constant 0 : i32
      %sign3A_12 = arith.cmpi slt, %add3A_6, %sign3A_11 : i32
      %sign3A_13 = arith.extui %sign3A_12 : i1 to i32
      %sign3A_14 = arith.subi %sign3A_10, %sign3A_13 : i32
      %sign3A_15 = arith.constant 0 : i32
      %sign3A_16 = arith.cmpi sgt, %jit3A, %sign3A_15 : i32
      %sign3A_17 = arith.extui %sign3A_16 : i1 to i32
      %sign3A_18 = arith.constant 0 : i32
      %sign3A_19 = arith.cmpi slt, %jit3A, %sign3A_18 : i32
      %sign3A_20 = arith.extui %sign3A_19 : i1 to i32
      %sign3A_21 = arith.subi %sign3A_17, %sign3A_20 : i32
      %ne3A = arith.cmpi ne, %sign3A_14, %sign3A_21 : i32
      %rem3A = arith.remsi %add3A_6, %jit3A : i32
      %ne3A_22 = arith.constant 0 : i32
      %ne3A_23 = arith.cmpi ne, %rem3A, %ne3A_22 : i32
      %and3A = arith.andi %ne3A, %ne3A_23 : i1
      %sub3A = arith.constant 1 : i32
      %sub3A_24 = arith.subi %div3A, %sub3A : i32
      %select_n3A = arith.select %and3A, %sub3A_24, %div3A : i32
      %add3A_25 = arith.constant 14 : i32
      %add3A_26 = arith.addi %add3A_25, %select_n3A : i32
      %jit3A_27 = arith.constant 12 : i32
      %div3A_28 = arith.divsi %add3A_6, %jit3A_27 : i32
      %sign3A_29 = arith.constant 0 : i32
      %sign3A_30 = arith.cmpi sgt, %add3A_6, %sign3A_29 : i32
      %sign3A_31 = arith.extui %sign3A_30 : i1 to i32
      %sign3A_32 = arith.constant 0 : i32
      %sign3A_33 = arith.cmpi slt, %add3A_6, %sign3A_32 : i32
      %sign3A_34 = arith.extui %sign3A_33 : i1 to i32
      %sign3A_35 = arith.subi %sign3A_31, %sign3A_34 : i32
      %sign3A_36 = arith.constant 0 : i32
      %sign3A_37 = arith.cmpi sgt, %jit3A_27, %sign3A_36 : i32
      %sign3A_38 = arith.extui %sign3A_37 : i1 to i32
      %sign3A_39 = arith.constant 0 : i32
      %sign3A_40 = arith.cmpi slt, %jit3A_27, %sign3A_39 : i32
      %sign3A_41 = arith.extui %sign3A_40 : i1 to i32
      %sign3A_42 = arith.subi %sign3A_38, %sign3A_41 : i32
      %ne3A_43 = arith.cmpi ne, %sign3A_35, %sign3A_42 : i32
      %rem3A_44 = arith.remsi %add3A_6, %jit3A_27 : i32
      %ne3A_45 = arith.constant 0 : i32
      %ne3A_46 = arith.cmpi ne, %rem3A_44, %ne3A_45 : i32
      %and3A_47 = arith.andi %ne3A_43, %ne3A_46 : i1
      %sub3A_48 = arith.constant 1 : i32
      %sub3A_49 = arith.subi %div3A_28, %sub3A_48 : i32
      %select_n3A_50 = arith.select %and3A_47, %sub3A_49, %div3A_28 : i32
      %mul3A_51 = arith.constant 12 : i32
      %mul3A_52 = arith.muli %select_n3A_50, %mul3A_51 : i32
      %sub3A_53 = arith.subi %add3A_6, %mul3A_52 : i32
      %jit3A_54 = arith.constant 4 : i32
      %div3A_55 = arith.divsi %sub3A_53, %jit3A_54 : i32
      %sign3A_56 = arith.constant 0 : i32
      %sign3A_57 = arith.cmpi sgt, %sub3A_53, %sign3A_56 : i32
      %sign3A_58 = arith.extui %sign3A_57 : i1 to i32
      %sign3A_59 = arith.constant 0 : i32
      %sign3A_60 = arith.cmpi slt, %sub3A_53, %sign3A_59 : i32
      %sign3A_61 = arith.extui %sign3A_60 : i1 to i32
      %sign3A_62 = arith.subi %sign3A_58, %sign3A_61 : i32
      %sign3A_63 = arith.constant 0 : i32
      %sign3A_64 = arith.cmpi sgt, %jit3A_54, %sign3A_63 : i32
      %sign3A_65 = arith.extui %sign3A_64 : i1 to i32
      %sign3A_66 = arith.constant 0 : i32
      %sign3A_67 = arith.cmpi slt, %jit3A_54, %sign3A_66 : i32
      %sign3A_68 = arith.extui %sign3A_67 : i1 to i32
      %sign3A_69 = arith.subi %sign3A_65, %sign3A_68 : i32
      %ne3A_70 = arith.cmpi ne, %sign3A_62, %sign3A_69 : i32
      %rem3A_71 = arith.remsi %sub3A_53, %jit3A_54 : i32
      %ne3A_72 = arith.constant 0 : i32
      %ne3A_73 = arith.cmpi ne, %rem3A_71, %ne3A_72 : i32
      %and3A_74 = arith.andi %ne3A_70, %ne3A_73 : i1
      %sub3A_75 = arith.constant 1 : i32
      %sub3A_76 = arith.subi %div3A_55, %sub3A_75 : i32
      %select_n3A_77 = arith.select %and3A_74, %sub3A_76, %div3A_55 : i32
      "tpu.region"() ({
        %run_scoped3A = tpu.sem_alloc : memref<!tpu.dma_semaphore, #tpu.memory_space<semaphore_mem>>
        %dma_start3A = arith.constant 0 : i32
        %dma_start3A_94 = arith.constant 0 : i32
        %dma_start3A_95 = tpu.memref_slice %arg2[%add3A_26, %sub3A_53, %dma_start3A, %dma_start3A_94] : memref<16x12x80x80xf32, #tpu.memory_space<hbm>> -> memref<1x1x80x80xf32, #tpu.memory_space<hbm>>
        %dma_start3A_96 = tpu.memref_squeeze %dma_start3A_95 : memref<1x1x80x80xf32, #tpu.memory_space<hbm>> -> memref<80x80xf32, #tpu.memory_space<hbm>>
        %dma_start3A_97 = arith.constant 0 : i32
        %dma_start3A_98 = arith.constant 0 : i32
        %dma_start3A_99 = tpu.memref_slice %arg2[%add3A_26, %sub3A_53, %dma_start3A_97, %dma_start3A_98] : memref<16x12x80x80xf32, #tpu.memory_space<hbm>> -> memref<1x1x80x80xf32, #tpu.memory_space<hbm>>
        %dma_start3A_100 = tpu.memref_squeeze %dma_start3A_99 : memref<1x1x80x80xf32, #tpu.memory_space<hbm>> -> memref<80x80xf32, #tpu.memory_space<hbm>>
        tpu.enqueue_dma source(%dma_start3A_100 : memref<80x80xf32, #tpu.memory_space<hbm>>) target(%arg6 : memref<80x80xf32, #tpu.memory_space<vmem>>) target_semaphore(%run_scoped3A : memref<!tpu.dma_semaphore, #tpu.memory_space<semaphore_mem>>)
        %dma_wait3A = arith.constant 0 : i32
        %dma_wait3A_101 = arith.constant 0 : i32
        %dma_wait3A_102 = tpu.memref_slice %arg2[%add3A_26, %sub3A_53, %dma_wait3A, %dma_wait3A_101] : memref<16x12x80x80xf32, #tpu.memory_space<hbm>> -> memref<1x1x80x80xf32, #tpu.memory_space<hbm>>
        %dma_wait3A_103 = tpu.memref_squeeze %dma_wait3A_102 : memref<1x1x80x80xf32, #tpu.memory_space<hbm>> -> memref<80x80xf32, #tpu.memory_space<hbm>>
        %dma_wait3A_104 = arith.constant 0 : i32
        %dma_wait3A_105 = arith.constant 0 : i32
        %dma_wait3A_106 = tpu.memref_slice %arg2[%add3A_26, %sub3A_53, %dma_wait3A_104, %dma_wait3A_105] : memref<16x12x80x80xf32, #tpu.memory_space<hbm>> -> memref<1x1x80x80xf32, #tpu.memory_space<hbm>>
        %dma_wait3A_107 = tpu.memref_squeeze %dma_wait3A_106 : memref<1x1x80x80xf32, #tpu.memory_space<hbm>> -> memref<80x80xf32, #tpu.memory_space<hbm>>
        tpu.wait_dma2 semaphore(%run_scoped3A : memref<!tpu.dma_semaphore, #tpu.memory_space<semaphore_mem>>) src(%dma_wait3A_107 : memref<80x80xf32, #tpu.memory_space<hbm>>) dst(%arg6 : memref<80x80xf32, #tpu.memory_space<vmem>>)
        tpu.yield
      }) : () -> ()
      "tpu.region"() ({
        %run_scoped3A = tpu.sem_alloc : memref<!tpu.dma_semaphore, #tpu.memory_space<semaphore_mem>>
        %dma_start3A = arith.constant 0 : i32
        %dma_start3A_94 = arith.constant 0 : i32
        %dma_start3A_95 = tpu.memref_slice %arg3[%add3A_26, %sub3A_53, %dma_start3A, %dma_start3A_94] : memref<16x12x80x80xf32, #tpu.memory_space<hbm>> -> memref<1x1x80x80xf32, #tpu.memory_space<hbm>>
        %dma_start3A_96 = tpu.memref_squeeze %dma_start3A_95 : memref<1x1x80x80xf32, #tpu.memory_space<hbm>> -> memref<80x80xf32, #tpu.memory_space<hbm>>
        %dma_start3A_97 = arith.constant 0 : i32
        %dma_start3A_98 = arith.constant 0 : i32
        %dma_start3A_99 = tpu.memref_slice %arg3[%add3A_26, %sub3A_53, %dma_start3A_97, %dma_start3A_98] : memref<16x12x80x80xf32, #tpu.memory_space<hbm>> -> memref<1x1x80x80xf32, #tpu.memory_space<hbm>>
        %dma_start3A_100 = tpu.memref_squeeze %dma_start3A_99 : memref<1x1x80x80xf32, #tpu.memory_space<hbm>> -> memref<80x80xf32, #tpu.memory_space<hbm>>
        tpu.enqueue_dma source(%dma_start3A_100 : memref<80x80xf32, #tpu.memory_space<hbm>>) target(%arg7 : memref<80x80xf32, #tpu.memory_space<vmem>>) target_semaphore(%run_scoped3A : memref<!tpu.dma_semaphore, #tpu.memory_space<semaphore_mem>>)
        %dma_wait3A = arith.constant 0 : i32
        %dma_wait3A_101 = arith.constant 0 : i32
        %dma_wait3A_102 = tpu.memref_slice %arg3[%add3A_26, %sub3A_53, %dma_wait3A, %dma_wait3A_101] : memref<16x12x80x80xf32, #tpu.memory_space<hbm>> -> memref<1x1x80x80xf32, #tpu.memory_space<hbm>>
        %dma_wait3A_103 = tpu.memref_squeeze %dma_wait3A_102 : memref<1x1x80x80xf32, #tpu.memory_space<hbm>> -> memref<80x80xf32, #tpu.memory_space<hbm>>
        %dma_wait3A_104 = arith.constant 0 : i32
        %dma_wait3A_105 = arith.constant 0 : i32
        %dma_wait3A_106 = tpu.memref_slice %arg3[%add3A_26, %sub3A_53, %dma_wait3A_104, %dma_wait3A_105] : memref<16x12x80x80xf32, #tpu.memory_space<hbm>> -> memref<1x1x80x80xf32, #tpu.memory_space<hbm>>
        %dma_wait3A_107 = tpu.memref_squeeze %dma_wait3A_106 : memref<1x1x80x80xf32, #tpu.memory_space<hbm>> -> memref<80x80xf32, #tpu.memory_space<hbm>>
        tpu.wait_dma2 semaphore(%run_scoped3A : memref<!tpu.dma_semaphore, #tpu.memory_space<semaphore_mem>>) src(%dma_wait3A_107 : memref<80x80xf32, #tpu.memory_space<hbm>>) dst(%arg7 : memref<80x80xf32, #tpu.memory_space<vmem>>)
        tpu.yield
      }) : () -> ()
      "tpu.region"() ({
        %run_scoped3A = tpu.sem_alloc : memref<!tpu.dma_semaphore, #tpu.memory_space<semaphore_mem>>
        %dma_start3A = arith.constant 0 : i32
        %dma_start3A_94 = arith.constant 0 : i32
        %dma_start3A_95 = tpu.memref_slice %arg4[%add3A_26, %select_n3A_77, %dma_start3A, %dma_start3A_94] : memref<16x3x80x80xf32, #tpu.memory_space<hbm>> -> memref<1x1x80x80xf32, #tpu.memory_space<hbm>>
        %dma_start3A_96 = tpu.memref_squeeze %dma_start3A_95 : memref<1x1x80x80xf32, #tpu.memory_space<hbm>> -> memref<80x80xf32, #tpu.memory_space<hbm>>
        %dma_start3A_97 = arith.constant 0 : i32
        %dma_start3A_98 = arith.constant 0 : i32
        %dma_start3A_99 = tpu.memref_slice %arg4[%add3A_26, %select_n3A_77, %dma_start3A_97, %dma_start3A_98] : memref<16x3x80x80xf32, #tpu.memory_space<hbm>> -> memref<1x1x80x80xf32, #tpu.memory_space<hbm>>
        %dma_start3A_100 = tpu.memref_squeeze %dma_start3A_99 : memref<1x1x80x80xf32, #tpu.memory_space<hbm>> -> memref<80x80xf32, #tpu.memory_space<hbm>>
        tpu.enqueue_dma source(%dma_start3A_100 : memref<80x80xf32, #tpu.memory_space<hbm>>) target(%arg8 : memref<80x80xf32, #tpu.memory_space<vmem>>) target_semaphore(%run_scoped3A : memref<!tpu.dma_semaphore, #tpu.memory_space<semaphore_mem>>)
        %dma_wait3A = arith.constant 0 : i32
        %dma_wait3A_101 = arith.constant 0 : i32
        %dma_wait3A_102 = tpu.memref_slice %arg4[%add3A_26, %select_n3A_77, %dma_wait3A, %dma_wait3A_101] : memref<16x3x80x80xf32, #tpu.memory_space<hbm>> -> memref<1x1x80x80xf32, #tpu.memory_space<hbm>>
        %dma_wait3A_103 = tpu.memref_squeeze %dma_wait3A_102 : memref<1x1x80x80xf32, #tpu.memory_space<hbm>> -> memref<80x80xf32, #tpu.memory_space<hbm>>
        %dma_wait3A_104 = arith.constant 0 : i32
        %dma_wait3A_105 = arith.constant 0 : i32
        %dma_wait3A_106 = tpu.memref_slice %arg4[%add3A_26, %select_n3A_77, %dma_wait3A_104, %dma_wait3A_105] : memref<16x3x80x80xf32, #tpu.memory_space<hbm>> -> memref<1x1x80x80xf32, #tpu.memory_space<hbm>>
        %dma_wait3A_107 = tpu.memref_squeeze %dma_wait3A_106 : memref<1x1x80x80xf32, #tpu.memory_space<hbm>> -> memref<80x80xf32, #tpu.memory_space<hbm>>
        tpu.wait_dma2 semaphore(%run_scoped3A : memref<!tpu.dma_semaphore, #tpu.memory_space<semaphore_mem>>) src(%dma_wait3A_107 : memref<80x80xf32, #tpu.memory_space<hbm>>) dst(%arg8 : memref<80x80xf32, #tpu.memory_space<vmem>>)
        tpu.yield
      }) : () -> ()
      %scan3A = arith.constant 0 : i32
      %scan3A_78 = arith.constant 80 : i32
      %scan3A_79 = arith.addi %scan3A, %scan3A_78 : i32
      %scan3A_80 = arith.constant 1 : i32
      %scan3A_81:5 = scf.for %scan3A_94 = %scan3A to %scan3A_79 step %scan3A_80 iter_args(%scan3A_95 = %broadcast_in_dim3A_1, %scan3A_96 = %broadcast_in_dim3A_1, %scan3A_97 = %broadcast_in_dim3A_1, %scan3A_98 = %broadcast_in_dim3A_1, %scan3A_99 = %broadcast_in_dim3A_1) -> (vector<16xf32>, vector<16xf32>, vector<16xf32>, vector<16xf32>, vector<16xf32>)  : i32 {
        %get3A_100 = arith.index_cast %scan3A_94 : i32 to index
        %get3A_101 = arith.constant 0 : index
        %get3A_102 = tpu.vector_load %arg6[%get3A_100, %get3A_101] {strides = array<i32>} : memref<80x80xf32, #tpu.memory_space<vmem>>, vector<1x16xf32>,
        %get3A_103 = vector.shape_cast %get3A_102 : vector<1x16xf32> to vector<16xf32>
        %get3A_104 = arith.index_cast %scan3A_94 : i32 to index
        %get3A_105 = arith.constant 0 : index
        %get3A_106 = tpu.vector_load %arg7[%get3A_104, %get3A_105] {strides = array<i32>} : memref<80x80xf32, #tpu.memory_space<vmem>>, vector<1x16xf32>,
        %get3A_107 = vector.shape_cast %get3A_106 : vector<1x16xf32> to vector<16xf32>
        %get3A_108 = arith.index_cast %scan3A_94 : i32 to index
        %get3A_109 = arith.constant 0 : index
        %get3A_110 = tpu.vector_load %arg8[%get3A_108, %get3A_109] {strides = array<i32>} : memref<80x80xf32, #tpu.memory_space<vmem>>, vector<1x16xf32>,
        %get3A_111 = vector.shape_cast %get3A_110 : vector<1x16xf32> to vector<16xf32>
        %mul3A_112 = arith.constant 1.500000e+01 : f32
        %mul3A_113 = vector.broadcast %mul3A_112 : f32 to vector<16xf32>
        %mul3A_114 = arith.mulf %get3A_103, %mul3A_113 : vector<16xf32>
        %convert_element_type3A_115 = arith.fptosi %mul3A_114 : vector<16xf32> to vector<16xi32>
        %convert_element_type3A_116 = arith.sitofp %convert_element_type3A_115 : vector<16xi32> to vector<16xf32>
        %sub3A_117 = arith.subf %mul3A_114, %convert_element_type3A_116 : vector<16xf32>
        %mul3A_118 = arith.constant 1.500000e+01 : f32
        %mul3A_119 = vector.broadcast %mul3A_118 : f32 to vector<16xf32>
        %mul3A_120 = arith.mulf %get3A_107, %mul3A_119 : vector<16xf32>
        %convert_element_type3A_121 = arith.fptosi %mul3A_120 : vector<16xf32> to vector<16xi32>
        %convert_element_type3A_122 = arith.sitofp %convert_element_type3A_121 : vector<16xi32> to vector<16xf32>
        %sub3A_123 = arith.subf %mul3A_120, %convert_element_type3A_122 : vector<16xf32>
        %sub3A_124 = arith.subi %convert_element_type3A_121, %convert_element_type3A_115 : vector<16xi32>
        %sub3A_125 = arith.constant 5.000000e-01 : f32
        %sub3A_126 = vector.broadcast %sub3A_125 : f32 to vector<16xf32>
        %sub3A_127 = arith.subf %sub3A_117, %sub3A_126 : vector<16xf32>
        %mul3A_128 = arith.mulf %sub3A_127, %sub3A_127 : vector<16xf32>
        %mul3A_129 = arith.constant -0.0240230989 : f32
        %mul3A_130 = vector.broadcast %mul3A_129 : f32 to vector<16xf32>
        %mul3A_131 = arith.mulf %mul3A_130, %mul3A_128 : vector<16xf32>
        %add3A_132 = arith.constant 15.2411489 : f32
        %add3A_133 = vector.broadcast %add3A_132 : f32 to vector<16xf32>
        %add3A_134 = arith.addf %mul3A_131, %add3A_133 : vector<16xf32>
        %mul3A_135 = arith.constant -0.055733446 : f32
        %mul3A_136 = vector.broadcast %mul3A_135 : f32 to vector<16xf32>
        %mul3A_137 = arith.mulf %mul3A_136, %mul3A_128 : vector<16xf32>
        %add3A_138 = arith.constant 0.244873464 : f32
        %add3A_139 = vector.broadcast %add3A_138 : f32 to vector<16xf32>
        %add3A_140 = arith.addf %mul3A_137, %add3A_139 : vector<16xf32>
        %mul3A_141 = arith.constant -0.0157493595 : f32
        %mul3A_142 = vector.broadcast %mul3A_141 : f32 to vector<16xf32>
        %mul3A_143 = arith.mulf %mul3A_142, %sub3A_117 : vector<16xf32>
        %add3A_144 = arith.constant -0.00424268609 : f32
        %add3A_145 = vector.broadcast %add3A_144 : f32 to vector<16xf32>
        %add3A_146 = arith.addf %mul3A_143, %add3A_145 : vector<16xf32>
        %mul3A_147 = arith.mulf %add3A_146, %sub3A_117 : vector<16xf32>
        %add3A_148 = arith.constant 0.251041859 : f32
        %add3A_149 = vector.broadcast %add3A_148 : f32 to vector<16xf32>
        %add3A_150 = arith.addf %mul3A_147, %add3A_149 : vector<16xf32>
        %mul3A_151 = arith.mulf %add3A_150, %sub3A_117 : vector<16xf32>
        %add3A_152 = arith.constant -5.48610624E-5 : f32
        %add3A_153 = vector.broadcast %add3A_152 : f32 to vector<16xf32>
        %add3A_154 = arith.addf %mul3A_151, %add3A_153 : vector<16xf32>
        %sub3A_155 = arith.subf %add3A_140, %add3A_154 : vector<16xf32>
        %mul3A_156 = arith.mulf %sub3A_123, %add3A_154 : vector<16xf32>
        %mul3A_157 = arith.mulf %sub3A_123, %sub3A_155 : vector<16xf32>
        %sub3A_158 = arith.subf %mul3A_156, %mul3A_157 : vector<16xf32>
        %add3A_159 = arith.addf %sub3A_158, %sub3A_155 : vector<16xf32>
        %sub3A_160 = arith.subf %add3A_154, %mul3A_156 : vector<16xf32>
        %eq3A = arith.constant 0 : i32
        %eq3A_161 = vector.broadcast %eq3A : i32 to vector<16xi32>
        %eq3A_162 = arith.cmpi eq, %sub3A_124, %eq3A_161 : vector<16xi32>
        %eq3A_163 = arith.constant 1 : i32
        %eq3A_164 = vector.broadcast %eq3A_163 : i32 to vector<16xi32>
        %eq3A_165 = arith.cmpi eq, %sub3A_124, %eq3A_164 : vector<16xi32>
        %eq3A_166 = arith.constant -1 : i32
        %eq3A_167 = vector.broadcast %eq3A_166 : i32 to vector<16xi32>
        %eq3A_168 = arith.cmpi eq, %sub3A_124, %eq3A_167 : vector<16xi32>
        %jit3A_169 = arith.constant 0.000000e+00 : f32
        %broadcast_in_dim3A_170 = vector.broadcast %jit3A_169 : f32 to vector<16xf32>
        %select_n3A_171 = arith.select %eq3A_168, %sub3A_160, %broadcast_in_dim3A_170 : vector<16xi1>, vector<16xf32>
        %select_n3A_172 = arith.select %eq3A_165, %mul3A_157, %select_n3A_171 : vector<16xi1>, vector<16xf32>
        %select_n3A_173 = arith.select %eq3A_162, %add3A_159, %select_n3A_172 : vector<16xi1>, vector<16xf32>
        %sub3A_174 = arith.subf %add3A_134, %select_n3A_173 : vector<16xf32>
        %mul3A_175 = arith.mulf %sub3A_174, %get3A_111 : vector<16xf32>
        %add3A_176 = arith.addf %scan3A_95, %mul3A_175 : vector<16xf32>
        %get3A_177 = arith.index_cast %scan3A_94 : i32 to index
        %get3A_178 = arith.constant 16 : index
        %get3A_179 = tpu.vector_load %arg6[%get3A_177, %get3A_178] {strides = array<i32>} : memref<80x80xf32, #tpu.memory_space<vmem>>, vector<1x16xf32>,
        %get3A_180 = vector.shape_cast %get3A_179 : vector<1x16xf32> to vector<16xf32>
        %get3A_181 = arith.index_cast %scan3A_94 : i32 to index
        %get3A_182 = arith.constant 16 : index
        %get3A_183 = tpu.vector_load %arg7[%get3A_181, %get3A_182] {strides = array<i32>} : memref<80x80xf32, #tpu.memory_space<vmem>>, vector<1x16xf32>,
        %get3A_184 = vector.shape_cast %get3A_183 : vector<1x16xf32> to vector<16xf32>
        %get3A_185 = arith.index_cast %scan3A_94 : i32 to index
        %get3A_186 = arith.constant 16 : index
        %get3A_187 = tpu.vector_load %arg8[%get3A_185, %get3A_186] {strides = array<i32>} : memref<80x80xf32, #tpu.memory_space<vmem>>, vector<1x16xf32>,
        %get3A_188 = vector.shape_cast %get3A_187 : vector<1x16xf32> to vector<16xf32>
        %mul3A_189 = arith.constant 1.500000e+01 : f32
        %mul3A_190 = vector.broadcast %mul3A_189 : f32 to vector<16xf32>
        %mul3A_191 = arith.mulf %get3A_180, %mul3A_190 : vector<16xf32>
        %convert_element_type3A_192 = arith.fptosi %mul3A_191 : vector<16xf32> to vector<16xi32>
        %convert_element_type3A_193 = arith.sitofp %convert_element_type3A_192 : vector<16xi32> to vector<16xf32>
        %sub3A_194 = arith.subf %mul3A_191, %convert_element_type3A_193 : vector<16xf32>
        %mul3A_195 = arith.constant 1.500000e+01 : f32
        %mul3A_196 = vector.broadcast %mul3A_195 : f32 to vector<16xf32>
        %mul3A_197 = arith.mulf %get3A_184, %mul3A_196 : vector<16xf32>
        %convert_element_type3A_198 = arith.fptosi %mul3A_197 : vector<16xf32> to vector<16xi32>
        %convert_element_type3A_199 = arith.sitofp %convert_element_type3A_198 : vector<16xi32> to vector<16xf32>
        %sub3A_200 = arith.subf %mul3A_197, %convert_element_type3A_199 : vector<16xf32>
        %sub3A_201 = arith.subi %convert_element_type3A_198, %convert_element_type3A_192 : vector<16xi32>
        %sub3A_202 = arith.constant 5.000000e-01 : f32
        %sub3A_203 = vector.broadcast %sub3A_202 : f32 to vector<16xf32>
        %sub3A_204 = arith.subf %sub3A_194, %sub3A_203 : vector<16xf32>
        %mul3A_205 = arith.mulf %sub3A_204, %sub3A_204 : vector<16xf32>
        %mul3A_206 = arith.constant -0.0240230989 : f32
        %mul3A_207 = vector.broadcast %mul3A_206 : f32 to vector<16xf32>
        %mul3A_208 = arith.mulf %mul3A_207, %mul3A_205 : vector<16xf32>
        %add3A_209 = arith.constant 15.2411489 : f32
        %add3A_210 = vector.broadcast %add3A_209 : f32 to vector<16xf32>
        %add3A_211 = arith.addf %mul3A_208, %add3A_210 : vector<16xf32>
        %mul3A_212 = arith.constant -0.055733446 : f32
        %mul3A_213 = vector.broadcast %mul3A_212 : f32 to vector<16xf32>
        %mul3A_214 = arith.mulf %mul3A_213, %mul3A_205 : vector<16xf32>
        %add3A_215 = arith.constant 0.244873464 : f32
        %add3A_216 = vector.broadcast %add3A_215 : f32 to vector<16xf32>
        %add3A_217 = arith.addf %mul3A_214, %add3A_216 : vector<16xf32>
        %mul3A_218 = arith.constant -0.0157493595 : f32
        %mul3A_219 = vector.broadcast %mul3A_218 : f32 to vector<16xf32>
        %mul3A_220 = arith.mulf %mul3A_219, %sub3A_194 : vector<16xf32>
        %add3A_221 = arith.constant -0.00424268609 : f32
        %add3A_222 = vector.broadcast %add3A_221 : f32 to vector<16xf32>
        %add3A_223 = arith.addf %mul3A_220, %add3A_222 : vector<16xf32>
        %mul3A_224 = arith.mulf %add3A_223, %sub3A_194 : vector<16xf32>
        %add3A_225 = arith.constant 0.251041859 : f32
        %add3A_226 = vector.broadcast %add3A_225 : f32 to vector<16xf32>
        %add3A_227 = arith.addf %mul3A_224, %add3A_226 : vector<16xf32>
        %mul3A_228 = arith.mulf %add3A_227, %sub3A_194 : vector<16xf32>
        %add3A_229 = arith.constant -5.48610624E-5 : f32
        %add3A_230 = vector.broadcast %add3A_229 : f32 to vector<16xf32>
        %add3A_231 = arith.addf %mul3A_228, %add3A_230 : vector<16xf32>
        %sub3A_232 = arith.subf %add3A_217, %add3A_231 : vector<16xf32>
        %mul3A_233 = arith.mulf %sub3A_200, %add3A_231 : vector<16xf32>
        %mul3A_234 = arith.mulf %sub3A_200, %sub3A_232 : vector<16xf32>
        %sub3A_235 = arith.subf %mul3A_233, %mul3A_234 : vector<16xf32>
        %add3A_236 = arith.addf %sub3A_235, %sub3A_232 : vector<16xf32>
        %sub3A_237 = arith.subf %add3A_231, %mul3A_233 : vector<16xf32>
        %eq3A_238 = arith.constant 0 : i32
        %eq3A_239 = vector.broadcast %eq3A_238 : i32 to vector<16xi32>
        %eq3A_240 = arith.cmpi eq, %sub3A_201, %eq3A_239 : vector<16xi32>
        %eq3A_241 = arith.constant 1 : i32
        %eq3A_242 = vector.broadcast %eq3A_241 : i32 to vector<16xi32>
        %eq3A_243 = arith.cmpi eq, %sub3A_201, %eq3A_242 : vector<16xi32>
        %eq3A_244 = arith.constant -1 : i32
        %eq3A_245 = vector.broadcast %eq3A_244 : i32 to vector<16xi32>
        %eq3A_246 = arith.cmpi eq, %sub3A_201, %eq3A_245 : vector<16xi32>
        %jit3A_247 = arith.constant 0.000000e+00 : f32
        %broadcast_in_dim3A_248 = vector.broadcast %jit3A_247 : f32 to vector<16xf32>
        %select_n3A_249 = arith.select %eq3A_246, %sub3A_237, %broadcast_in_dim3A_248 : vector<16xi1>, vector<16xf32>
        %select_n3A_250 = arith.select %eq3A_243, %mul3A_234, %select_n3A_249 : vector<16xi1>, vector<16xf32>
        %select_n3A_251 = arith.select %eq3A_240, %add3A_236, %select_n3A_250 : vector<16xi1>, vector<16xf32>
        %sub3A_252 = arith.subf %add3A_211, %select_n3A_251 : vector<16xf32>
        %mul3A_253 = arith.mulf %sub3A_252, %get3A_188 : vector<16xf32>
        %add3A_254 = arith.addf %scan3A_96, %mul3A_253 : vector<16xf32>
        %get3A_255 = arith.index_cast %scan3A_94 : i32 to index
        %get3A_256 = arith.constant 32 : index
        %get3A_257 = tpu.vector_load %arg6[%get3A_255, %get3A_256] {strides = array<i32>} : memref<80x80xf32, #tpu.memory_space<vmem>>, vector<1x16xf32>,
        %get3A_258 = vector.shape_cast %get3A_257 : vector<1x16xf32> to vector<16xf32>
        %get3A_259 = arith.index_cast %scan3A_94 : i32 to index
        %get3A_260 = arith.constant 32 : index
        %get3A_261 = tpu.vector_load %arg7[%get3A_259, %get3A_260] {strides = array<i32>} : memref<80x80xf32, #tpu.memory_space<vmem>>, vector<1x16xf32>,
        %get3A_262 = vector.shape_cast %get3A_261 : vector<1x16xf32> to vector<16xf32>
        %get3A_263 = arith.index_cast %scan3A_94 : i32 to index
        %get3A_264 = arith.constant 32 : index
        %get3A_265 = tpu.vector_load %arg8[%get3A_263, %get3A_264] {strides = array<i32>} : memref<80x80xf32, #tpu.memory_space<vmem>>, vector<1x16xf32>,
        %get3A_266 = vector.shape_cast %get3A_265 : vector<1x16xf32> to vector<16xf32>
        %mul3A_267 = arith.constant 1.500000e+01 : f32
        %mul3A_268 = vector.broadcast %mul3A_267 : f32 to vector<16xf32>
        %mul3A_269 = arith.mulf %get3A_258, %mul3A_268 : vector<16xf32>
        %convert_element_type3A_270 = arith.fptosi %mul3A_269 : vector<16xf32> to vector<16xi32>
        %convert_element_type3A_271 = arith.sitofp %convert_element_type3A_270 : vector<16xi32> to vector<16xf32>
        %sub3A_272 = arith.subf %mul3A_269, %convert_element_type3A_271 : vector<16xf32>
        %mul3A_273 = arith.constant 1.500000e+01 : f32
        %mul3A_274 = vector.broadcast %mul3A_273 : f32 to vector<16xf32>
        %mul3A_275 = arith.mulf %get3A_262, %mul3A_274 : vector<16xf32>
        %convert_element_type3A_276 = arith.fptosi %mul3A_275 : vector<16xf32> to vector<16xi32>
        %convert_element_type3A_277 = arith.sitofp %convert_element_type3A_276 : vector<16xi32> to vector<16xf32>
        %sub3A_278 = arith.subf %mul3A_275, %convert_element_type3A_277 : vector<16xf32>
        %sub3A_279 = arith.subi %convert_element_type3A_276, %convert_element_type3A_270 : vector<16xi32>
        %sub3A_280 = arith.constant 5.000000e-01 : f32
        %sub3A_281 = vector.broadcast %sub3A_280 : f32 to vector<16xf32>
        %sub3A_282 = arith.subf %sub3A_272, %sub3A_281 : vector<16xf32>
        %mul3A_283 = arith.mulf %sub3A_282, %sub3A_282 : vector<16xf32>
        %mul3A_284 = arith.constant -0.0240230989 : f32
        %mul3A_285 = vector.broadcast %mul3A_284 : f32 to vector<16xf32>
        %mul3A_286 = arith.mulf %mul3A_285, %mul3A_283 : vector<16xf32>
        %add3A_287 = arith.constant 15.2411489 : f32
        %add3A_288 = vector.broadcast %add3A_287 : f32 to vector<16xf32>
        %add3A_289 = arith.addf %mul3A_286, %add3A_288 : vector<16xf32>
        %mul3A_290 = arith.constant -0.055733446 : f32
        %mul3A_291 = vector.broadcast %mul3A_290 : f32 to vector<16xf32>
        %mul3A_292 = arith.mulf %mul3A_291, %mul3A_283 : vector<16xf32>
        %add3A_293 = arith.constant 0.244873464 : f32
        %add3A_294 = vector.broadcast %add3A_293 : f32 to vector<16xf32>
        %add3A_295 = arith.addf %mul3A_292, %add3A_294 : vector<16xf32>
        %mul3A_296 = arith.constant -0.0157493595 : f32
        %mul3A_297 = vector.broadcast %mul3A_296 : f32 to vector<16xf32>
        %mul3A_298 = arith.mulf %mul3A_297, %sub3A_272 : vector<16xf32>
        %add3A_299 = arith.constant -0.00424268609 : f32
        %add3A_300 = vector.broadcast %add3A_299 : f32 to vector<16xf32>
        %add3A_301 = arith.addf %mul3A_298, %add3A_300 : vector<16xf32>
        %mul3A_302 = arith.mulf %add3A_301, %sub3A_272 : vector<16xf32>
        %add3A_303 = arith.constant 0.251041859 : f32
        %add3A_304 = vector.broadcast %add3A_303 : f32 to vector<16xf32>
        %add3A_305 = arith.addf %mul3A_302, %add3A_304 : vector<16xf32>
        %mul3A_306 = arith.mulf %add3A_305, %sub3A_272 : vector<16xf32>
        %add3A_307 = arith.constant -5.48610624E-5 : f32
        %add3A_308 = vector.broadcast %add3A_307 : f32 to vector<16xf32>
        %add3A_309 = arith.addf %mul3A_306, %add3A_308 : vector<16xf32>
        %sub3A_310 = arith.subf %add3A_295, %add3A_309 : vector<16xf32>
        %mul3A_311 = arith.mulf %sub3A_278, %add3A_309 : vector<16xf32>
        %mul3A_312 = arith.mulf %sub3A_278, %sub3A_310 : vector<16xf32>
        %sub3A_313 = arith.subf %mul3A_311, %mul3A_312 : vector<16xf32>
        %add3A_314 = arith.addf %sub3A_313, %sub3A_310 : vector<16xf32>
        %sub3A_315 = arith.subf %add3A_309, %mul3A_311 : vector<16xf32>
        %eq3A_316 = arith.constant 0 : i32
        %eq3A_317 = vector.broadcast %eq3A_316 : i32 to vector<16xi32>
        %eq3A_318 = arith.cmpi eq, %sub3A_279, %eq3A_317 : vector<16xi32>
        %eq3A_319 = arith.constant 1 : i32
        %eq3A_320 = vector.broadcast %eq3A_319 : i32 to vector<16xi32>
        %eq3A_321 = arith.cmpi eq, %sub3A_279, %eq3A_320 : vector<16xi32>
        %eq3A_322 = arith.constant -1 : i32
        %eq3A_323 = vector.broadcast %eq3A_322 : i32 to vector<16xi32>
        %eq3A_324 = arith.cmpi eq, %sub3A_279, %eq3A_323 : vector<16xi32>
        %jit3A_325 = arith.constant 0.000000e+00 : f32
        %broadcast_in_dim3A_326 = vector.broadcast %jit3A_325 : f32 to vector<16xf32>
        %select_n3A_327 = arith.select %eq3A_324, %sub3A_315, %broadcast_in_dim3A_326 : vector<16xi1>, vector<16xf32>
        %select_n3A_328 = arith.select %eq3A_321, %mul3A_312, %select_n3A_327 : vector<16xi1>, vector<16xf32>
        %select_n3A_329 = arith.select %eq3A_318, %add3A_314, %select_n3A_328 : vector<16xi1>, vector<16xf32>
        %sub3A_330 = arith.subf %add3A_289, %select_n3A_329 : vector<16xf32>
        %mul3A_331 = arith.mulf %sub3A_330, %get3A_266 : vector<16xf32>
        %add3A_332 = arith.addf %scan3A_97, %mul3A_331 : vector<16xf32>
        %get3A_333 = arith.index_cast %scan3A_94 : i32 to index
        %get3A_334 = arith.constant 48 : index
        %get3A_335 = tpu.vector_load %arg6[%get3A_333, %get3A_334] {strides = array<i32>} : memref<80x80xf32, #tpu.memory_space<vmem>>, vector<1x16xf32>,
        %get3A_336 = vector.shape_cast %get3A_335 : vector<1x16xf32> to vector<16xf32>
        %get3A_337 = arith.index_cast %scan3A_94 : i32 to index
        %get3A_338 = arith.constant 48 : index
        %get3A_339 = tpu.vector_load %arg7[%get3A_337, %get3A_338] {strides = array<i32>} : memref<80x80xf32, #tpu.memory_space<vmem>>, vector<1x16xf32>,
        %get3A_340 = vector.shape_cast %get3A_339 : vector<1x16xf32> to vector<16xf32>
        %get3A_341 = arith.index_cast %scan3A_94 : i32 to index
        %get3A_342 = arith.constant 48 : index
        %get3A_343 = tpu.vector_load %arg8[%get3A_341, %get3A_342] {strides = array<i32>} : memref<80x80xf32, #tpu.memory_space<vmem>>, vector<1x16xf32>,
        %get3A_344 = vector.shape_cast %get3A_343 : vector<1x16xf32> to vector<16xf32>
        %mul3A_345 = arith.constant 1.500000e+01 : f32
        %mul3A_346 = vector.broadcast %mul3A_345 : f32 to vector<16xf32>
        %mul3A_347 = arith.mulf %get3A_336, %mul3A_346 : vector<16xf32>
        %convert_element_type3A_348 = arith.fptosi %mul3A_347 : vector<16xf32> to vector<16xi32>
        %convert_element_type3A_349 = arith.sitofp %convert_element_type3A_348 : vector<16xi32> to vector<16xf32>
        %sub3A_350 = arith.subf %mul3A_347, %convert_element_type3A_349 : vector<16xf32>
        %mul3A_351 = arith.constant 1.500000e+01 : f32
        %mul3A_352 = vector.broadcast %mul3A_351 : f32 to vector<16xf32>
        %mul3A_353 = arith.mulf %get3A_340, %mul3A_352 : vector<16xf32>
        %convert_element_type3A_354 = arith.fptosi %mul3A_353 : vector<16xf32> to vector<16xi32>
        %convert_element_type3A_355 = arith.sitofp %convert_element_type3A_354 : vector<16xi32> to vector<16xf32>
        %sub3A_356 = arith.subf %mul3A_353, %convert_element_type3A_355 : vector<16xf32>
        %sub3A_357 = arith.subi %convert_element_type3A_354, %convert_element_type3A_348 : vector<16xi32>
        %sub3A_358 = arith.constant 5.000000e-01 : f32
        %sub3A_359 = vector.broadcast %sub3A_358 : f32 to vector<16xf32>
        %sub3A_360 = arith.subf %sub3A_350, %sub3A_359 : vector<16xf32>
        %mul3A_361 = arith.mulf %sub3A_360, %sub3A_360 : vector<16xf32>
        %mul3A_362 = arith.constant -0.0240230989 : f32
        %mul3A_363 = vector.broadcast %mul3A_362 : f32 to vector<16xf32>
        %mul3A_364 = arith.mulf %mul3A_363, %mul3A_361 : vector<16xf32>
        %add3A_365 = arith.constant 15.2411489 : f32
        %add3A_366 = vector.broadcast %add3A_365 : f32 to vector<16xf32>
        %add3A_367 = arith.addf %mul3A_364, %add3A_366 : vector<16xf32>
        %mul3A_368 = arith.constant -0.055733446 : f32
        %mul3A_369 = vector.broadcast %mul3A_368 : f32 to vector<16xf32>
        %mul3A_370 = arith.mulf %mul3A_369, %mul3A_361 : vector<16xf32>
        %add3A_371 = arith.constant 0.244873464 : f32
        %add3A_372 = vector.broadcast %add3A_371 : f32 to vector<16xf32>
        %add3A_373 = arith.addf %mul3A_370, %add3A_372 : vector<16xf32>
        %mul3A_374 = arith.constant -0.0157493595 : f32
        %mul3A_375 = vector.broadcast %mul3A_374 : f32 to vector<16xf32>
        %mul3A_376 = arith.mulf %mul3A_375, %sub3A_350 : vector<16xf32>
        %add3A_377 = arith.constant -0.00424268609 : f32
        %add3A_378 = vector.broadcast %add3A_377 : f32 to vector<16xf32>
        %add3A_379 = arith.addf %mul3A_376, %add3A_378 : vector<16xf32>
        %mul3A_380 = arith.mulf %add3A_379, %sub3A_350 : vector<16xf32>
        %add3A_381 = arith.constant 0.251041859 : f32
        %add3A_382 = vector.broadcast %add3A_381 : f32 to vector<16xf32>
        %add3A_383 = arith.addf %mul3A_380, %add3A_382 : vector<16xf32>
        %mul3A_384 = arith.mulf %add3A_383, %sub3A_350 : vector<16xf32>
        %add3A_385 = arith.constant -5.48610624E-5 : f32
        %add3A_386 = vector.broadcast %add3A_385 : f32 to vector<16xf32>
        %add3A_387 = arith.addf %mul3A_384, %add3A_386 : vector<16xf32>
        %sub3A_388 = arith.subf %add3A_373, %add3A_387 : vector<16xf32>
        %mul3A_389 = arith.mulf %sub3A_356, %add3A_387 : vector<16xf32>
        %mul3A_390 = arith.mulf %sub3A_356, %sub3A_388 : vector<16xf32>
        %sub3A_391 = arith.subf %mul3A_389, %mul3A_390 : vector<16xf32>
        %add3A_392 = arith.addf %sub3A_391, %sub3A_388 : vector<16xf32>
        %sub3A_393 = arith.subf %add3A_387, %mul3A_389 : vector<16xf32>
        %eq3A_394 = arith.constant 0 : i32
        %eq3A_395 = vector.broadcast %eq3A_394 : i32 to vector<16xi32>
        %eq3A_396 = arith.cmpi eq, %sub3A_357, %eq3A_395 : vector<16xi32>
        %eq3A_397 = arith.constant 1 : i32
        %eq3A_398 = vector.broadcast %eq3A_397 : i32 to vector<16xi32>
        %eq3A_399 = arith.cmpi eq, %sub3A_357, %eq3A_398 : vector<16xi32>
        %eq3A_400 = arith.constant -1 : i32
        %eq3A_401 = vector.broadcast %eq3A_400 : i32 to vector<16xi32>
        %eq3A_402 = arith.cmpi eq, %sub3A_357, %eq3A_401 : vector<16xi32>
        %jit3A_403 = arith.constant 0.000000e+00 : f32
        %broadcast_in_dim3A_404 = vector.broadcast %jit3A_403 : f32 to vector<16xf32>
        %select_n3A_405 = arith.select %eq3A_402, %sub3A_393, %broadcast_in_dim3A_404 : vector<16xi1>, vector<16xf32>
        %select_n3A_406 = arith.select %eq3A_399, %mul3A_390, %select_n3A_405 : vector<16xi1>, vector<16xf32>
        %select_n3A_407 = arith.select %eq3A_396, %add3A_392, %select_n3A_406 : vector<16xi1>, vector<16xf32>
        %sub3A_408 = arith.subf %add3A_367, %select_n3A_407 : vector<16xf32>
        %mul3A_409 = arith.mulf %sub3A_408, %get3A_344 : vector<16xf32>
        %add3A_410 = arith.addf %scan3A_98, %mul3A_409 : vector<16xf32>
        %get3A_411 = arith.index_cast %scan3A_94 : i32 to index
        %get3A_412 = arith.constant 64 : index
        %get3A_413 = tpu.vector_load %arg6[%get3A_411, %get3A_412] {strides = array<i32>} : memref<80x80xf32, #tpu.memory_space<vmem>>, vector<1x16xf32>,
        %get3A_414 = vector.shape_cast %get3A_413 : vector<1x16xf32> to vector<16xf32>
        %get3A_415 = arith.index_cast %scan3A_94 : i32 to index
        %get3A_416 = arith.constant 64 : index
        %get3A_417 = tpu.vector_load %arg7[%get3A_415, %get3A_416] {strides = array<i32>} : memref<80x80xf32, #tpu.memory_space<vmem>>, vector<1x16xf32>,
        %get3A_418 = vector.shape_cast %get3A_417 : vector<1x16xf32> to vector<16xf32>
        %get3A_419 = arith.index_cast %scan3A_94 : i32 to index
        %get3A_420 = arith.constant 64 : index
        %get3A_421 = tpu.vector_load %arg8[%get3A_419, %get3A_420] {strides = array<i32>} : memref<80x80xf32, #tpu.memory_space<vmem>>, vector<1x16xf32>,
        %get3A_422 = vector.shape_cast %get3A_421 : vector<1x16xf32> to vector<16xf32>
        %mul3A_423 = arith.constant 1.500000e+01 : f32
        %mul3A_424 = vector.broadcast %mul3A_423 : f32 to vector<16xf32>
        %mul3A_425 = arith.mulf %get3A_414, %mul3A_424 : vector<16xf32>
        %convert_element_type3A_426 = arith.fptosi %mul3A_425 : vector<16xf32> to vector<16xi32>
        %convert_element_type3A_427 = arith.sitofp %convert_element_type3A_426 : vector<16xi32> to vector<16xf32>
        %sub3A_428 = arith.subf %mul3A_425, %convert_element_type3A_427 : vector<16xf32>
        %mul3A_429 = arith.constant 1.500000e+01 : f32
        %mul3A_430 = vector.broadcast %mul3A_429 : f32 to vector<16xf32>
        %mul3A_431 = arith.mulf %get3A_418, %mul3A_430 : vector<16xf32>
        %convert_element_type3A_432 = arith.fptosi %mul3A_431 : vector<16xf32> to vector<16xi32>
        %convert_element_type3A_433 = arith.sitofp %convert_element_type3A_432 : vector<16xi32> to vector<16xf32>
        %sub3A_434 = arith.subf %mul3A_431, %convert_element_type3A_433 : vector<16xf32>
        %sub3A_435 = arith.subi %convert_element_type3A_432, %convert_element_type3A_426 : vector<16xi32>
        %sub3A_436 = arith.constant 5.000000e-01 : f32
        %sub3A_437 = vector.broadcast %sub3A_436 : f32 to vector<16xf32>
        %sub3A_438 = arith.subf %sub3A_428, %sub3A_437 : vector<16xf32>
        %mul3A_439 = arith.mulf %sub3A_438, %sub3A_438 : vector<16xf32>
        %mul3A_440 = arith.constant -0.0240230989 : f32
        %mul3A_441 = vector.broadcast %mul3A_440 : f32 to vector<16xf32>
        %mul3A_442 = arith.mulf %mul3A_441, %mul3A_439 : vector<16xf32>
        %add3A_443 = arith.constant 15.2411489 : f32
        %add3A_444 = vector.broadcast %add3A_443 : f32 to vector<16xf32>
        %add3A_445 = arith.addf %mul3A_442, %add3A_444 : vector<16xf32>
        %mul3A_446 = arith.constant -0.055733446 : f32
        %mul3A_447 = vector.broadcast %mul3A_446 : f32 to vector<16xf32>
        %mul3A_448 = arith.mulf %mul3A_447, %mul3A_439 : vector<16xf32>
        %add3A_449 = arith.constant 0.244873464 : f32
        %add3A_450 = vector.broadcast %add3A_449 : f32 to vector<16xf32>
        %add3A_451 = arith.addf %mul3A_448, %add3A_450 : vector<16xf32>
        %mul3A_452 = arith.constant -0.0157493595 : f32
        %mul3A_453 = vector.broadcast %mul3A_452 : f32 to vector<16xf32>
        %mul3A_454 = arith.mulf %mul3A_453, %sub3A_428 : vector<16xf32>
        %add3A_455 = arith.constant -0.00424268609 : f32
        %add3A_456 = vector.broadcast %add3A_455 : f32 to vector<16xf32>
        %add3A_457 = arith.addf %mul3A_454, %add3A_456 : vector<16xf32>
        %mul3A_458 = arith.mulf %add3A_457, %sub3A_428 : vector<16xf32>
        %add3A_459 = arith.constant 0.251041859 : f32
        %add3A_460 = vector.broadcast %add3A_459 : f32 to vector<16xf32>
        %add3A_461 = arith.addf %mul3A_458, %add3A_460 : vector<16xf32>
        %mul3A_462 = arith.mulf %add3A_461, %sub3A_428 : vector<16xf32>
        %add3A_463 = arith.constant -5.48610624E-5 : f32
        %add3A_464 = vector.broadcast %add3A_463 : f32 to vector<16xf32>
        %add3A_465 = arith.addf %mul3A_462, %add3A_464 : vector<16xf32>
        %sub3A_466 = arith.subf %add3A_451, %add3A_465 : vector<16xf32>
        %mul3A_467 = arith.mulf %sub3A_434, %add3A_465 : vector<16xf32>
        %mul3A_468 = arith.mulf %sub3A_434, %sub3A_466 : vector<16xf32>
        %sub3A_469 = arith.subf %mul3A_467, %mul3A_468 : vector<16xf32>
        %add3A_470 = arith.addf %sub3A_469, %sub3A_466 : vector<16xf32>
        %sub3A_471 = arith.subf %add3A_465, %mul3A_467 : vector<16xf32>
        %eq3A_472 = arith.constant 0 : i32
        %eq3A_473 = vector.broadcast %eq3A_472 : i32 to vector<16xi32>
        %eq3A_474 = arith.cmpi eq, %sub3A_435, %eq3A_473 : vector<16xi32>
        %eq3A_475 = arith.constant 1 : i32
        %eq3A_476 = vector.broadcast %eq3A_475 : i32 to vector<16xi32>
        %eq3A_477 = arith.cmpi eq, %sub3A_435, %eq3A_476 : vector<16xi32>
        %eq3A_478 = arith.constant -1 : i32
        %eq3A_479 = vector.broadcast %eq3A_478 : i32 to vector<16xi32>
        %eq3A_480 = arith.cmpi eq, %sub3A_435, %eq3A_479 : vector<16xi32>
        %jit3A_481 = arith.constant 0.000000e+00 : f32
        %broadcast_in_dim3A_482 = vector.broadcast %jit3A_481 : f32 to vector<16xf32>
        %select_n3A_483 = arith.select %eq3A_480, %sub3A_471, %broadcast_in_dim3A_482 : vector<16xi1>, vector<16xf32>
        %select_n3A_484 = arith.select %eq3A_477, %mul3A_468, %select_n3A_483 : vector<16xi1>, vector<16xf32>
        %select_n3A_485 = arith.select %eq3A_474, %add3A_470, %select_n3A_484 : vector<16xi1>, vector<16xf32>
        %sub3A_486 = arith.subf %add3A_445, %select_n3A_485 : vector<16xf32>
        %mul3A_487 = arith.mulf %sub3A_486, %get3A_422 : vector<16xf32>
        %add3A_488 = arith.addf %scan3A_99, %mul3A_487 : vector<16xf32>
        scf.yield %add3A_176, %add3A_254, %add3A_332, %add3A_410, %add3A_488 : vector<16xf32>, vector<16xf32>, vector<16xf32>, vector<16xf32>, vector<16xf32>
      }
      %scan3A_82 = arith.constant 80 : i32
      %get3A = arith.constant 0 : index
      %get3A_83 = tpu.vector_load %arg9[%get3A] {strides = array<i32>} : memref<16xf32, #tpu.memory_space<vmem>>, vector<16xf32>,
      %get3A_84 = vector.shape_cast %get3A_83 : vector<16xf32> to vector<16xf32>
      %add3A_85 = arith.addf %scan3A_81#0, %scan3A_81#1 : vector<16xf32>
      %add3A_86 = arith.addf %add3A_85, %scan3A_81#2 : vector<16xf32>
      %add3A_87 = arith.addf %add3A_86, %scan3A_81#3 : vector<16xf32>
      %add3A_88 = arith.addf %add3A_87, %scan3A_81#4 : vector<16xf32>
      %add3A_89 = arith.addf %get3A_84, %add3A_88 : vector<16xf32>
      %swap3A_90 = arith.constant 0 : index
      %swap3A_91 = tpu.vector_load %arg9[%swap3A_90] {strides = array<i32>} : memref<16xf32, #tpu.memory_space<vmem>>, vector<16xf32>,
      %swap3A_92 = vector.shape_cast %swap3A_91 : vector<16xf32> to vector<16xf32>
      %swap3A_93 = vector.shape_cast %add3A_89 : vector<16xf32> to vector<16xf32>
      tpu.vector_store %arg9[%swap3A_90], %swap3A_93 {strides = array<i32>} : memref<16xf32, #tpu.memory_space<vmem>>, vector<16xf32>,
    } else {
    }
    "tpu.region"() ({
      %run_scoped3A = tpu.sem_alloc : memref<!tpu.dma_semaphore, #tpu.memory_space<semaphore_mem>>
      %dma_start3A = arith.constant 0 : i32
      %dma_start3A_9 = tpu.memref_slice %arg5[%add3A, %dma_start3A] : memref<32x16xf32, #tpu.memory_space<hbm>> -> memref<1x16xf32, #tpu.memory_space<hbm>>
      %dma_start3A_10 = tpu.memref_squeeze %dma_start3A_9 : memref<1x16xf32, #tpu.memory_space<hbm>> -> memref<16xf32, #tpu.memory_space<hbm>>
      %dma_start3A_11 = arith.constant 0 : i32
      %dma_start3A_12 = tpu.memref_slice %arg5[%add3A, %dma_start3A_11] : memref<32x16xf32, #tpu.memory_space<hbm>> -> memref<1x16xf32, #tpu.memory_space<hbm>>
      %dma_start3A_13 = tpu.memref_squeeze %dma_start3A_12 : memref<1x16xf32, #tpu.memory_space<hbm>> -> memref<16xf32, #tpu.memory_space<hbm>>
      tpu.enqueue_dma source(%arg9 : memref<16xf32, #tpu.memory_space<vmem>>) target(%dma_start3A_13 : memref<16xf32, #tpu.memory_space<hbm>>) target_semaphore(%run_scoped3A : memref<!tpu.dma_semaphore, #tpu.memory_space<semaphore_mem>>)
      %dma_wait3A = arith.constant 0 : i32
      %dma_wait3A_14 = tpu.memref_slice %arg5[%add3A, %dma_wait3A] : memref<32x16xf32, #tpu.memory_space<hbm>> -> memref<1x16xf32, #tpu.memory_space<hbm>>
      %dma_wait3A_15 = tpu.memref_squeeze %dma_wait3A_14 : memref<1x16xf32, #tpu.memory_space<hbm>> -> memref<16xf32, #tpu.memory_space<hbm>>
      %dma_wait3A_16 = arith.constant 0 : i32
      %dma_wait3A_17 = tpu.memref_slice %arg5[%add3A, %dma_wait3A_16] : memref<32x16xf32, #tpu.memory_space<hbm>> -> memref<1x16xf32, #tpu.memory_space<hbm>>
      %dma_wait3A_18 = tpu.memref_squeeze %dma_wait3A_17 : memref<1x16xf32, #tpu.memory_space<hbm>> -> memref<16xf32, #tpu.memory_space<hbm>>
      tpu.wait_dma2 semaphore(%run_scoped3A : memref<!tpu.dma_semaphore, #tpu.memory_space<semaphore_mem>>) src(%arg9 : memref<16xf32, #tpu.memory_space<vmem>>) dst(%dma_wait3A_18 : memref<16xf32, #tpu.memory_space<hbm>>)
      tpu.yield
    }) : () -> ()
    return
  }
}

module attributes {stable_mosaic.version = 14 : i64} {
  func.func @_tc_kernel(%arg0: i32, %arg1: memref<2x12x80x80xf32, #tpu.memory_space<vmem>>, %arg2: memref<2x12x80x80xf32, #tpu.memory_space<vmem>>, %arg3: memref<2x3x80x80xf32, #tpu.memory_space<vmem>>, %arg4: memref<1x1xf32, #tpu.memory_space<smem>>, %arg5: memref<80x80xf32, #tpu.memory_space<vmem>>) attributes {dimension_semantics = [#tpu.dimension_semantics<arbitrary>], iteration_bounds = array<i64: 7>, scalar_prefetch = 0 : i64, scratch_operands = 1 : i64, tpu.core_type = #tpu.core_type<tc>, window_params = [{transform_indices = @transform_0, window_bounds = array<i64: 2, 12, 80, 80>}, {transform_indices = @transform_1, window_bounds = array<i64: 2, 12, 80, 80>}, {transform_indices = @transform_2, window_bounds = array<i64: 2, 3, 80, 80>}, {transform_indices = @transform_3, window_bounds = array<i64: 1, 1>}]} {
    %get3A = arith.constant 0 : index
    %get3A_0 = arith.constant 0 : index
    %get3A_1 = arith.constant 0 : index
    %get3A_2 = arith.constant 0 : index
    %get3A_3 = vector.load %arg1[%get3A, %get3A_0, %get3A_1, %get3A_2] : memref<2x12x80x80xf32, #tpu.memory_space<vmem>>, vector<1x1x80x80xf32>
    %get3A_4 = vector.shape_cast %get3A_3 : vector<1x1x80x80xf32> to vector<80x80xf32>
    %get3A_5 = arith.constant 0 : index
    %get3A_6 = arith.constant 0 : index
    %get3A_7 = arith.constant 0 : index
    %get3A_8 = arith.constant 0 : index
    %get3A_9 = vector.load %arg2[%get3A_5, %get3A_6, %get3A_7, %get3A_8] : memref<2x12x80x80xf32, #tpu.memory_space<vmem>>, vector<1x1x80x80xf32>
    %get3A_10 = vector.shape_cast %get3A_9 : vector<1x1x80x80xf32> to vector<80x80xf32>
    %mul3A = arith.constant 1.500000e+01 : f32
    %mul3A_11 = vector.broadcast %mul3A : f32 to vector<80x80xf32>
    %mul3A_12 = arith.mulf %get3A_4, %mul3A_11 : vector<80x80xf32>
    %floor3A = math.floor %mul3A_12 : vector<80x80xf32>
    %sub3A = arith.subf %mul3A_12, %floor3A : vector<80x80xf32>
    %mul3A_13 = arith.constant 1.500000e+01 : f32
    %mul3A_14 = vector.broadcast %mul3A_13 : f32 to vector<80x80xf32>
    %mul3A_15 = arith.mulf %get3A_10, %mul3A_14 : vector<80x80xf32>
    %floor3A_16 = math.floor %mul3A_15 : vector<80x80xf32>
    %sub3A_17 = arith.subf %mul3A_15, %floor3A_16 : vector<80x80xf32>
    %sub3A_18 = arith.subf %floor3A_16, %floor3A : vector<80x80xf32>
    %sub3A_19 = arith.constant 5.000000e-01 : f32
    %sub3A_20 = vector.broadcast %sub3A_19 : f32 to vector<80x80xf32>
    %sub3A_21 = arith.subf %sub3A, %sub3A_20 : vector<80x80xf32>
    %mul3A_22 = arith.mulf %sub3A_21, %sub3A_21 : vector<80x80xf32>
    %mul3A_23 = arith.constant -0.0240230989 : f32
    %mul3A_24 = vector.broadcast %mul3A_23 : f32 to vector<80x80xf32>
    %mul3A_25 = arith.mulf %mul3A_24, %mul3A_22 : vector<80x80xf32>
    %add3A = arith.constant 15.2411489 : f32
    %add3A_26 = vector.broadcast %add3A : f32 to vector<80x80xf32>
    %add3A_27 = arith.addf %mul3A_25, %add3A_26 : vector<80x80xf32>
    %mul3A_28 = arith.constant -0.055733446 : f32
    %mul3A_29 = vector.broadcast %mul3A_28 : f32 to vector<80x80xf32>
    %mul3A_30 = arith.mulf %mul3A_29, %mul3A_22 : vector<80x80xf32>
    %add3A_31 = arith.constant 0.244873464 : f32
    %add3A_32 = vector.broadcast %add3A_31 : f32 to vector<80x80xf32>
    %add3A_33 = arith.addf %mul3A_30, %add3A_32 : vector<80x80xf32>
    %mul3A_34 = arith.constant -0.0157493595 : f32
    %mul3A_35 = vector.broadcast %mul3A_34 : f32 to vector<80x80xf32>
    %mul3A_36 = arith.mulf %mul3A_35, %sub3A : vector<80x80xf32>
    %add3A_37 = arith.constant -0.00424268609 : f32
    %add3A_38 = vector.broadcast %add3A_37 : f32 to vector<80x80xf32>
    %add3A_39 = arith.addf %mul3A_36, %add3A_38 : vector<80x80xf32>
    %mul3A_40 = arith.mulf %add3A_39, %sub3A : vector<80x80xf32>
    %add3A_41 = arith.constant 0.251041859 : f32
    %add3A_42 = vector.broadcast %add3A_41 : f32 to vector<80x80xf32>
    %add3A_43 = arith.addf %mul3A_40, %add3A_42 : vector<80x80xf32>
    %mul3A_44 = arith.mulf %add3A_43, %sub3A : vector<80x80xf32>
    %add3A_45 = arith.constant -5.48610624E-5 : f32
    %add3A_46 = vector.broadcast %add3A_45 : f32 to vector<80x80xf32>
    %add3A_47 = arith.addf %mul3A_44, %add3A_46 : vector<80x80xf32>
    %sub3A_48 = arith.subf %add3A_33, %add3A_47 : vector<80x80xf32>
    %mul3A_49 = arith.mulf %sub3A_17, %add3A_47 : vector<80x80xf32>
    %mul3A_50 = arith.mulf %sub3A_17, %sub3A_48 : vector<80x80xf32>
    %sub3A_51 = arith.subf %mul3A_49, %mul3A_50 : vector<80x80xf32>
    %add3A_52 = arith.addf %sub3A_51, %sub3A_48 : vector<80x80xf32>
    %sub3A_53 = arith.subf %add3A_47, %mul3A_49 : vector<80x80xf32>
    %eq3A = arith.constant 0.000000e+00 : f32
    %eq3A_54 = vector.broadcast %eq3A : f32 to vector<80x80xf32>
    %eq3A_55 = arith.cmpf oeq, %sub3A_18, %eq3A_54 : vector<80x80xf32>
    %eq3A_56 = arith.constant 1.000000e+00 : f32
    %eq3A_57 = vector.broadcast %eq3A_56 : f32 to vector<80x80xf32>
    %eq3A_58 = arith.cmpf oeq, %sub3A_18, %eq3A_57 : vector<80x80xf32>
    %eq3A_59 = arith.constant -1.000000e+00 : f32
    %eq3A_60 = vector.broadcast %eq3A_59 : f32 to vector<80x80xf32>
    %eq3A_61 = arith.cmpf oeq, %sub3A_18, %eq3A_60 : vector<80x80xf32>
    %jit3A = arith.constant 0.000000e+00 : f32
    %broadcast_in_dim3A = vector.broadcast %jit3A : f32 to vector<80x80xf32>
    %select_n3A = arith.select %eq3A_61, %sub3A_53, %broadcast_in_dim3A : vector<80x80xi1>, vector<80x80xf32>
    %select_n3A_62 = arith.select %eq3A_58, %mul3A_50, %select_n3A : vector<80x80xi1>, vector<80x80xf32>
    %select_n3A_63 = arith.select %eq3A_55, %add3A_52, %select_n3A_62 : vector<80x80xi1>, vector<80x80xf32>
    %sub3A_64 = arith.subf %add3A_27, %select_n3A_63 : vector<80x80xf32>
    %get3A_65 = arith.constant 0 : index
    %get3A_66 = arith.constant 1 : index
    %get3A_67 = arith.constant 0 : index
    %get3A_68 = arith.constant 0 : index
    %get3A_69 = vector.load %arg1[%get3A_65, %get3A_66, %get3A_67, %get3A_68] : memref<2x12x80x80xf32, #tpu.memory_space<vmem>>, vector<1x1x80x80xf32>
    %get3A_70 = vector.shape_cast %get3A_69 : vector<1x1x80x80xf32> to vector<80x80xf32>
    %get3A_71 = arith.constant 0 : index
    %get3A_72 = arith.constant 1 : index
    %get3A_73 = arith.constant 0 : index
    %get3A_74 = arith.constant 0 : index
    %get3A_75 = vector.load %arg2[%get3A_71, %get3A_72, %get3A_73, %get3A_74] : memref<2x12x80x80xf32, #tpu.memory_space<vmem>>, vector<1x1x80x80xf32>
    %get3A_76 = vector.shape_cast %get3A_75 : vector<1x1x80x80xf32> to vector<80x80xf32>
    %mul3A_77 = arith.constant 1.500000e+01 : f32
    %mul3A_78 = vector.broadcast %mul3A_77 : f32 to vector<80x80xf32>
    %mul3A_79 = arith.mulf %get3A_70, %mul3A_78 : vector<80x80xf32>
    %floor3A_80 = math.floor %mul3A_79 : vector<80x80xf32>
    %sub3A_81 = arith.subf %mul3A_79, %floor3A_80 : vector<80x80xf32>
    %mul3A_82 = arith.constant 1.500000e+01 : f32
    %mul3A_83 = vector.broadcast %mul3A_82 : f32 to vector<80x80xf32>
    %mul3A_84 = arith.mulf %get3A_76, %mul3A_83 : vector<80x80xf32>
    %floor3A_85 = math.floor %mul3A_84 : vector<80x80xf32>
    %sub3A_86 = arith.subf %mul3A_84, %floor3A_85 : vector<80x80xf32>
    %sub3A_87 = arith.subf %floor3A_85, %floor3A_80 : vector<80x80xf32>
    %sub3A_88 = arith.constant 5.000000e-01 : f32
    %sub3A_89 = vector.broadcast %sub3A_88 : f32 to vector<80x80xf32>
    %sub3A_90 = arith.subf %sub3A_81, %sub3A_89 : vector<80x80xf32>
    %mul3A_91 = arith.mulf %sub3A_90, %sub3A_90 : vector<80x80xf32>
    %mul3A_92 = arith.constant -0.0240230989 : f32
    %mul3A_93 = vector.broadcast %mul3A_92 : f32 to vector<80x80xf32>
    %mul3A_94 = arith.mulf %mul3A_93, %mul3A_91 : vector<80x80xf32>
    %add3A_95 = arith.constant 15.2411489 : f32
    %add3A_96 = vector.broadcast %add3A_95 : f32 to vector<80x80xf32>
    %add3A_97 = arith.addf %mul3A_94, %add3A_96 : vector<80x80xf32>
    %mul3A_98 = arith.constant -0.055733446 : f32
    %mul3A_99 = vector.broadcast %mul3A_98 : f32 to vector<80x80xf32>
    %mul3A_100 = arith.mulf %mul3A_99, %mul3A_91 : vector<80x80xf32>
    %add3A_101 = arith.constant 0.244873464 : f32
    %add3A_102 = vector.broadcast %add3A_101 : f32 to vector<80x80xf32>
    %add3A_103 = arith.addf %mul3A_100, %add3A_102 : vector<80x80xf32>
    %mul3A_104 = arith.constant -0.0157493595 : f32
    %mul3A_105 = vector.broadcast %mul3A_104 : f32 to vector<80x80xf32>
    %mul3A_106 = arith.mulf %mul3A_105, %sub3A_81 : vector<80x80xf32>
    %add3A_107 = arith.constant -0.00424268609 : f32
    %add3A_108 = vector.broadcast %add3A_107 : f32 to vector<80x80xf32>
    %add3A_109 = arith.addf %mul3A_106, %add3A_108 : vector<80x80xf32>
    %mul3A_110 = arith.mulf %add3A_109, %sub3A_81 : vector<80x80xf32>
    %add3A_111 = arith.constant 0.251041859 : f32
    %add3A_112 = vector.broadcast %add3A_111 : f32 to vector<80x80xf32>
    %add3A_113 = arith.addf %mul3A_110, %add3A_112 : vector<80x80xf32>
    %mul3A_114 = arith.mulf %add3A_113, %sub3A_81 : vector<80x80xf32>
    %add3A_115 = arith.constant -5.48610624E-5 : f32
    %add3A_116 = vector.broadcast %add3A_115 : f32 to vector<80x80xf32>
    %add3A_117 = arith.addf %mul3A_114, %add3A_116 : vector<80x80xf32>
    %sub3A_118 = arith.subf %add3A_103, %add3A_117 : vector<80x80xf32>
    %mul3A_119 = arith.mulf %sub3A_86, %add3A_117 : vector<80x80xf32>
    %mul3A_120 = arith.mulf %sub3A_86, %sub3A_118 : vector<80x80xf32>
    %sub3A_121 = arith.subf %mul3A_119, %mul3A_120 : vector<80x80xf32>
    %add3A_122 = arith.addf %sub3A_121, %sub3A_118 : vector<80x80xf32>
    %sub3A_123 = arith.subf %add3A_117, %mul3A_119 : vector<80x80xf32>
    %eq3A_124 = arith.constant 0.000000e+00 : f32
    %eq3A_125 = vector.broadcast %eq3A_124 : f32 to vector<80x80xf32>
    %eq3A_126 = arith.cmpf oeq, %sub3A_87, %eq3A_125 : vector<80x80xf32>
    %eq3A_127 = arith.constant 1.000000e+00 : f32
    %eq3A_128 = vector.broadcast %eq3A_127 : f32 to vector<80x80xf32>
    %eq3A_129 = arith.cmpf oeq, %sub3A_87, %eq3A_128 : vector<80x80xf32>
    %eq3A_130 = arith.constant -1.000000e+00 : f32
    %eq3A_131 = vector.broadcast %eq3A_130 : f32 to vector<80x80xf32>
    %eq3A_132 = arith.cmpf oeq, %sub3A_87, %eq3A_131 : vector<80x80xf32>
    %jit3A_133 = arith.constant 0.000000e+00 : f32
    %broadcast_in_dim3A_134 = vector.broadcast %jit3A_133 : f32 to vector<80x80xf32>
    %select_n3A_135 = arith.select %eq3A_132, %sub3A_123, %broadcast_in_dim3A_134 : vector<80x80xi1>, vector<80x80xf32>
    %select_n3A_136 = arith.select %eq3A_129, %mul3A_120, %select_n3A_135 : vector<80x80xi1>, vector<80x80xf32>
    %select_n3A_137 = arith.select %eq3A_126, %add3A_122, %select_n3A_136 : vector<80x80xi1>, vector<80x80xf32>
    %sub3A_138 = arith.subf %add3A_97, %select_n3A_137 : vector<80x80xf32>
    %add3A_139 = arith.addf %sub3A_64, %sub3A_138 : vector<80x80xf32>
    %get3A_140 = arith.constant 0 : index
    %get3A_141 = arith.constant 2 : index
    %get3A_142 = arith.constant 0 : index
    %get3A_143 = arith.constant 0 : index
    %get3A_144 = vector.load %arg1[%get3A_140, %get3A_141, %get3A_142, %get3A_143] : memref<2x12x80x80xf32, #tpu.memory_space<vmem>>, vector<1x1x80x80xf32>
    %get3A_145 = vector.shape_cast %get3A_144 : vector<1x1x80x80xf32> to vector<80x80xf32>
    %get3A_146 = arith.constant 0 : index
    %get3A_147 = arith.constant 2 : index
    %get3A_148 = arith.constant 0 : index
    %get3A_149 = arith.constant 0 : index
    %get3A_150 = vector.load %arg2[%get3A_146, %get3A_147, %get3A_148, %get3A_149] : memref<2x12x80x80xf32, #tpu.memory_space<vmem>>, vector<1x1x80x80xf32>
    %get3A_151 = vector.shape_cast %get3A_150 : vector<1x1x80x80xf32> to vector<80x80xf32>
    %mul3A_152 = arith.constant 1.500000e+01 : f32
    %mul3A_153 = vector.broadcast %mul3A_152 : f32 to vector<80x80xf32>
    %mul3A_154 = arith.mulf %get3A_145, %mul3A_153 : vector<80x80xf32>
    %floor3A_155 = math.floor %mul3A_154 : vector<80x80xf32>
    %sub3A_156 = arith.subf %mul3A_154, %floor3A_155 : vector<80x80xf32>
    %mul3A_157 = arith.constant 1.500000e+01 : f32
    %mul3A_158 = vector.broadcast %mul3A_157 : f32 to vector<80x80xf32>
    %mul3A_159 = arith.mulf %get3A_151, %mul3A_158 : vector<80x80xf32>
    %floor3A_160 = math.floor %mul3A_159 : vector<80x80xf32>
    %sub3A_161 = arith.subf %mul3A_159, %floor3A_160 : vector<80x80xf32>
    %sub3A_162 = arith.subf %floor3A_160, %floor3A_155 : vector<80x80xf32>
    %sub3A_163 = arith.constant 5.000000e-01 : f32
    %sub3A_164 = vector.broadcast %sub3A_163 : f32 to vector<80x80xf32>
    %sub3A_165 = arith.subf %sub3A_156, %sub3A_164 : vector<80x80xf32>
    %mul3A_166 = arith.mulf %sub3A_165, %sub3A_165 : vector<80x80xf32>
    %mul3A_167 = arith.constant -0.0240230989 : f32
    %mul3A_168 = vector.broadcast %mul3A_167 : f32 to vector<80x80xf32>
    %mul3A_169 = arith.mulf %mul3A_168, %mul3A_166 : vector<80x80xf32>
    %add3A_170 = arith.constant 15.2411489 : f32
    %add3A_171 = vector.broadcast %add3A_170 : f32 to vector<80x80xf32>
    %add3A_172 = arith.addf %mul3A_169, %add3A_171 : vector<80x80xf32>
    %mul3A_173 = arith.constant -0.055733446 : f32
    %mul3A_174 = vector.broadcast %mul3A_173 : f32 to vector<80x80xf32>
    %mul3A_175 = arith.mulf %mul3A_174, %mul3A_166 : vector<80x80xf32>
    %add3A_176 = arith.constant 0.244873464 : f32
    %add3A_177 = vector.broadcast %add3A_176 : f32 to vector<80x80xf32>
    %add3A_178 = arith.addf %mul3A_175, %add3A_177 : vector<80x80xf32>
    %mul3A_179 = arith.constant -0.0157493595 : f32
    %mul3A_180 = vector.broadcast %mul3A_179 : f32 to vector<80x80xf32>
    %mul3A_181 = arith.mulf %mul3A_180, %sub3A_156 : vector<80x80xf32>
    %add3A_182 = arith.constant -0.00424268609 : f32
    %add3A_183 = vector.broadcast %add3A_182 : f32 to vector<80x80xf32>
    %add3A_184 = arith.addf %mul3A_181, %add3A_183 : vector<80x80xf32>
    %mul3A_185 = arith.mulf %add3A_184, %sub3A_156 : vector<80x80xf32>
    %add3A_186 = arith.constant 0.251041859 : f32
    %add3A_187 = vector.broadcast %add3A_186 : f32 to vector<80x80xf32>
    %add3A_188 = arith.addf %mul3A_185, %add3A_187 : vector<80x80xf32>
    %mul3A_189 = arith.mulf %add3A_188, %sub3A_156 : vector<80x80xf32>
    %add3A_190 = arith.constant -5.48610624E-5 : f32
    %add3A_191 = vector.broadcast %add3A_190 : f32 to vector<80x80xf32>
    %add3A_192 = arith.addf %mul3A_189, %add3A_191 : vector<80x80xf32>
    %sub3A_193 = arith.subf %add3A_178, %add3A_192 : vector<80x80xf32>
    %mul3A_194 = arith.mulf %sub3A_161, %add3A_192 : vector<80x80xf32>
    %mul3A_195 = arith.mulf %sub3A_161, %sub3A_193 : vector<80x80xf32>
    %sub3A_196 = arith.subf %mul3A_194, %mul3A_195 : vector<80x80xf32>
    %add3A_197 = arith.addf %sub3A_196, %sub3A_193 : vector<80x80xf32>
    %sub3A_198 = arith.subf %add3A_192, %mul3A_194 : vector<80x80xf32>
    %eq3A_199 = arith.constant 0.000000e+00 : f32
    %eq3A_200 = vector.broadcast %eq3A_199 : f32 to vector<80x80xf32>
    %eq3A_201 = arith.cmpf oeq, %sub3A_162, %eq3A_200 : vector<80x80xf32>
    %eq3A_202 = arith.constant 1.000000e+00 : f32
    %eq3A_203 = vector.broadcast %eq3A_202 : f32 to vector<80x80xf32>
    %eq3A_204 = arith.cmpf oeq, %sub3A_162, %eq3A_203 : vector<80x80xf32>
    %eq3A_205 = arith.constant -1.000000e+00 : f32
    %eq3A_206 = vector.broadcast %eq3A_205 : f32 to vector<80x80xf32>
    %eq3A_207 = arith.cmpf oeq, %sub3A_162, %eq3A_206 : vector<80x80xf32>
    %jit3A_208 = arith.constant 0.000000e+00 : f32
    %broadcast_in_dim3A_209 = vector.broadcast %jit3A_208 : f32 to vector<80x80xf32>
    %select_n3A_210 = arith.select %eq3A_207, %sub3A_198, %broadcast_in_dim3A_209 : vector<80x80xi1>, vector<80x80xf32>
    %select_n3A_211 = arith.select %eq3A_204, %mul3A_195, %select_n3A_210 : vector<80x80xi1>, vector<80x80xf32>
    %select_n3A_212 = arith.select %eq3A_201, %add3A_197, %select_n3A_211 : vector<80x80xi1>, vector<80x80xf32>
    %sub3A_213 = arith.subf %add3A_172, %select_n3A_212 : vector<80x80xf32>
    %add3A_214 = arith.addf %add3A_139, %sub3A_213 : vector<80x80xf32>
    %get3A_215 = arith.constant 0 : index
    %get3A_216 = arith.constant 3 : index
    %get3A_217 = arith.constant 0 : index
    %get3A_218 = arith.constant 0 : index
    %get3A_219 = vector.load %arg1[%get3A_215, %get3A_216, %get3A_217, %get3A_218] : memref<2x12x80x80xf32, #tpu.memory_space<vmem>>, vector<1x1x80x80xf32>
    %get3A_220 = vector.shape_cast %get3A_219 : vector<1x1x80x80xf32> to vector<80x80xf32>
    %get3A_221 = arith.constant 0 : index
    %get3A_222 = arith.constant 3 : index
    %get3A_223 = arith.constant 0 : index
    %get3A_224 = arith.constant 0 : index
    %get3A_225 = vector.load %arg2[%get3A_221, %get3A_222, %get3A_223, %get3A_224] : memref<2x12x80x80xf32, #tpu.memory_space<vmem>>, vector<1x1x80x80xf32>
    %get3A_226 = vector.shape_cast %get3A_225 : vector<1x1x80x80xf32> to vector<80x80xf32>
    %mul3A_227 = arith.constant 1.500000e+01 : f32
    %mul3A_228 = vector.broadcast %mul3A_227 : f32 to vector<80x80xf32>
    %mul3A_229 = arith.mulf %get3A_220, %mul3A_228 : vector<80x80xf32>
    %floor3A_230 = math.floor %mul3A_229 : vector<80x80xf32>
    %sub3A_231 = arith.subf %mul3A_229, %floor3A_230 : vector<80x80xf32>
    %mul3A_232 = arith.constant 1.500000e+01 : f32
    %mul3A_233 = vector.broadcast %mul3A_232 : f32 to vector<80x80xf32>
    %mul3A_234 = arith.mulf %get3A_226, %mul3A_233 : vector<80x80xf32>
    %floor3A_235 = math.floor %mul3A_234 : vector<80x80xf32>
    %sub3A_236 = arith.subf %mul3A_234, %floor3A_235 : vector<80x80xf32>
    %sub3A_237 = arith.subf %floor3A_235, %floor3A_230 : vector<80x80xf32>
    %sub3A_238 = arith.constant 5.000000e-01 : f32
    %sub3A_239 = vector.broadcast %sub3A_238 : f32 to vector<80x80xf32>
    %sub3A_240 = arith.subf %sub3A_231, %sub3A_239 : vector<80x80xf32>
    %mul3A_241 = arith.mulf %sub3A_240, %sub3A_240 : vector<80x80xf32>
    %mul3A_242 = arith.constant -0.0240230989 : f32
    %mul3A_243 = vector.broadcast %mul3A_242 : f32 to vector<80x80xf32>
    %mul3A_244 = arith.mulf %mul3A_243, %mul3A_241 : vector<80x80xf32>
    %add3A_245 = arith.constant 15.2411489 : f32
    %add3A_246 = vector.broadcast %add3A_245 : f32 to vector<80x80xf32>
    %add3A_247 = arith.addf %mul3A_244, %add3A_246 : vector<80x80xf32>
    %mul3A_248 = arith.constant -0.055733446 : f32
    %mul3A_249 = vector.broadcast %mul3A_248 : f32 to vector<80x80xf32>
    %mul3A_250 = arith.mulf %mul3A_249, %mul3A_241 : vector<80x80xf32>
    %add3A_251 = arith.constant 0.244873464 : f32
    %add3A_252 = vector.broadcast %add3A_251 : f32 to vector<80x80xf32>
    %add3A_253 = arith.addf %mul3A_250, %add3A_252 : vector<80x80xf32>
    %mul3A_254 = arith.constant -0.0157493595 : f32
    %mul3A_255 = vector.broadcast %mul3A_254 : f32 to vector<80x80xf32>
    %mul3A_256 = arith.mulf %mul3A_255, %sub3A_231 : vector<80x80xf32>
    %add3A_257 = arith.constant -0.00424268609 : f32
    %add3A_258 = vector.broadcast %add3A_257 : f32 to vector<80x80xf32>
    %add3A_259 = arith.addf %mul3A_256, %add3A_258 : vector<80x80xf32>
    %mul3A_260 = arith.mulf %add3A_259, %sub3A_231 : vector<80x80xf32>
    %add3A_261 = arith.constant 0.251041859 : f32
    %add3A_262 = vector.broadcast %add3A_261 : f32 to vector<80x80xf32>
    %add3A_263 = arith.addf %mul3A_260, %add3A_262 : vector<80x80xf32>
    %mul3A_264 = arith.mulf %add3A_263, %sub3A_231 : vector<80x80xf32>
    %add3A_265 = arith.constant -5.48610624E-5 : f32
    %add3A_266 = vector.broadcast %add3A_265 : f32 to vector<80x80xf32>
    %add3A_267 = arith.addf %mul3A_264, %add3A_266 : vector<80x80xf32>
    %sub3A_268 = arith.subf %add3A_253, %add3A_267 : vector<80x80xf32>
    %mul3A_269 = arith.mulf %sub3A_236, %add3A_267 : vector<80x80xf32>
    %mul3A_270 = arith.mulf %sub3A_236, %sub3A_268 : vector<80x80xf32>
    %sub3A_271 = arith.subf %mul3A_269, %mul3A_270 : vector<80x80xf32>
    %add3A_272 = arith.addf %sub3A_271, %sub3A_268 : vector<80x80xf32>
    %sub3A_273 = arith.subf %add3A_267, %mul3A_269 : vector<80x80xf32>
    %eq3A_274 = arith.constant 0.000000e+00 : f32
    %eq3A_275 = vector.broadcast %eq3A_274 : f32 to vector<80x80xf32>
    %eq3A_276 = arith.cmpf oeq, %sub3A_237, %eq3A_275 : vector<80x80xf32>
    %eq3A_277 = arith.constant 1.000000e+00 : f32
    %eq3A_278 = vector.broadcast %eq3A_277 : f32 to vector<80x80xf32>
    %eq3A_279 = arith.cmpf oeq, %sub3A_237, %eq3A_278 : vector<80x80xf32>
    %eq3A_280 = arith.constant -1.000000e+00 : f32
    %eq3A_281 = vector.broadcast %eq3A_280 : f32 to vector<80x80xf32>
    %eq3A_282 = arith.cmpf oeq, %sub3A_237, %eq3A_281 : vector<80x80xf32>
    %jit3A_283 = arith.constant 0.000000e+00 : f32
    %broadcast_in_dim3A_284 = vector.broadcast %jit3A_283 : f32 to vector<80x80xf32>
    %select_n3A_285 = arith.select %eq3A_282, %sub3A_273, %broadcast_in_dim3A_284 : vector<80x80xi1>, vector<80x80xf32>
    %select_n3A_286 = arith.select %eq3A_279, %mul3A_270, %select_n3A_285 : vector<80x80xi1>, vector<80x80xf32>
    %select_n3A_287 = arith.select %eq3A_276, %add3A_272, %select_n3A_286 : vector<80x80xi1>, vector<80x80xf32>
    %sub3A_288 = arith.subf %add3A_247, %select_n3A_287 : vector<80x80xf32>
    %add3A_289 = arith.addf %add3A_214, %sub3A_288 : vector<80x80xf32>
    %get3A_290 = arith.constant 0 : index
    %get3A_291 = arith.constant 0 : index
    %get3A_292 = arith.constant 0 : index
    %get3A_293 = arith.constant 0 : index
    %get3A_294 = vector.load %arg3[%get3A_290, %get3A_291, %get3A_292, %get3A_293] : memref<2x3x80x80xf32, #tpu.memory_space<vmem>>, vector<1x1x80x80xf32>
    %get3A_295 = vector.shape_cast %get3A_294 : vector<1x1x80x80xf32> to vector<80x80xf32>
    %mul3A_296 = arith.mulf %add3A_289, %get3A_295 : vector<80x80xf32>
    %get3A_297 = arith.constant 0 : index
    %get3A_298 = arith.constant 4 : index
    %get3A_299 = arith.constant 0 : index
    %get3A_300 = arith.constant 0 : index
    %get3A_301 = vector.load %arg1[%get3A_297, %get3A_298, %get3A_299, %get3A_300] : memref<2x12x80x80xf32, #tpu.memory_space<vmem>>, vector<1x1x80x80xf32>
    %get3A_302 = vector.shape_cast %get3A_301 : vector<1x1x80x80xf32> to vector<80x80xf32>
    %get3A_303 = arith.constant 0 : index
    %get3A_304 = arith.constant 4 : index
    %get3A_305 = arith.constant 0 : index
    %get3A_306 = arith.constant 0 : index
    %get3A_307 = vector.load %arg2[%get3A_303, %get3A_304, %get3A_305, %get3A_306] : memref<2x12x80x80xf32, #tpu.memory_space<vmem>>, vector<1x1x80x80xf32>
    %get3A_308 = vector.shape_cast %get3A_307 : vector<1x1x80x80xf32> to vector<80x80xf32>
    %mul3A_309 = arith.constant 1.500000e+01 : f32
    %mul3A_310 = vector.broadcast %mul3A_309 : f32 to vector<80x80xf32>
    %mul3A_311 = arith.mulf %get3A_302, %mul3A_310 : vector<80x80xf32>
    %floor3A_312 = math.floor %mul3A_311 : vector<80x80xf32>
    %sub3A_313 = arith.subf %mul3A_311, %floor3A_312 : vector<80x80xf32>
    %mul3A_314 = arith.constant 1.500000e+01 : f32
    %mul3A_315 = vector.broadcast %mul3A_314 : f32 to vector<80x80xf32>
    %mul3A_316 = arith.mulf %get3A_308, %mul3A_315 : vector<80x80xf32>
    %floor3A_317 = math.floor %mul3A_316 : vector<80x80xf32>
    %sub3A_318 = arith.subf %mul3A_316, %floor3A_317 : vector<80x80xf32>
    %sub3A_319 = arith.subf %floor3A_317, %floor3A_312 : vector<80x80xf32>
    %sub3A_320 = arith.constant 5.000000e-01 : f32
    %sub3A_321 = vector.broadcast %sub3A_320 : f32 to vector<80x80xf32>
    %sub3A_322 = arith.subf %sub3A_313, %sub3A_321 : vector<80x80xf32>
    %mul3A_323 = arith.mulf %sub3A_322, %sub3A_322 : vector<80x80xf32>
    %mul3A_324 = arith.constant -0.0240230989 : f32
    %mul3A_325 = vector.broadcast %mul3A_324 : f32 to vector<80x80xf32>
    %mul3A_326 = arith.mulf %mul3A_325, %mul3A_323 : vector<80x80xf32>
    %add3A_327 = arith.constant 15.2411489 : f32
    %add3A_328 = vector.broadcast %add3A_327 : f32 to vector<80x80xf32>
    %add3A_329 = arith.addf %mul3A_326, %add3A_328 : vector<80x80xf32>
    %mul3A_330 = arith.constant -0.055733446 : f32
    %mul3A_331 = vector.broadcast %mul3A_330 : f32 to vector<80x80xf32>
    %mul3A_332 = arith.mulf %mul3A_331, %mul3A_323 : vector<80x80xf32>
    %add3A_333 = arith.constant 0.244873464 : f32
    %add3A_334 = vector.broadcast %add3A_333 : f32 to vector<80x80xf32>
    %add3A_335 = arith.addf %mul3A_332, %add3A_334 : vector<80x80xf32>
    %mul3A_336 = arith.constant -0.0157493595 : f32
    %mul3A_337 = vector.broadcast %mul3A_336 : f32 to vector<80x80xf32>
    %mul3A_338 = arith.mulf %mul3A_337, %sub3A_313 : vector<80x80xf32>
    %add3A_339 = arith.constant -0.00424268609 : f32
    %add3A_340 = vector.broadcast %add3A_339 : f32 to vector<80x80xf32>
    %add3A_341 = arith.addf %mul3A_338, %add3A_340 : vector<80x80xf32>
    %mul3A_342 = arith.mulf %add3A_341, %sub3A_313 : vector<80x80xf32>
    %add3A_343 = arith.constant 0.251041859 : f32
    %add3A_344 = vector.broadcast %add3A_343 : f32 to vector<80x80xf32>
    %add3A_345 = arith.addf %mul3A_342, %add3A_344 : vector<80x80xf32>
    %mul3A_346 = arith.mulf %add3A_345, %sub3A_313 : vector<80x80xf32>
    %add3A_347 = arith.constant -5.48610624E-5 : f32
    %add3A_348 = vector.broadcast %add3A_347 : f32 to vector<80x80xf32>
    %add3A_349 = arith.addf %mul3A_346, %add3A_348 : vector<80x80xf32>
    %sub3A_350 = arith.subf %add3A_335, %add3A_349 : vector<80x80xf32>
    %mul3A_351 = arith.mulf %sub3A_318, %add3A_349 : vector<80x80xf32>
    %mul3A_352 = arith.mulf %sub3A_318, %sub3A_350 : vector<80x80xf32>
    %sub3A_353 = arith.subf %mul3A_351, %mul3A_352 : vector<80x80xf32>
    %add3A_354 = arith.addf %sub3A_353, %sub3A_350 : vector<80x80xf32>
    %sub3A_355 = arith.subf %add3A_349, %mul3A_351 : vector<80x80xf32>
    %eq3A_356 = arith.constant 0.000000e+00 : f32
    %eq3A_357 = vector.broadcast %eq3A_356 : f32 to vector<80x80xf32>
    %eq3A_358 = arith.cmpf oeq, %sub3A_319, %eq3A_357 : vector<80x80xf32>
    %eq3A_359 = arith.constant 1.000000e+00 : f32
    %eq3A_360 = vector.broadcast %eq3A_359 : f32 to vector<80x80xf32>
    %eq3A_361 = arith.cmpf oeq, %sub3A_319, %eq3A_360 : vector<80x80xf32>
    %eq3A_362 = arith.constant -1.000000e+00 : f32
    %eq3A_363 = vector.broadcast %eq3A_362 : f32 to vector<80x80xf32>
    %eq3A_364 = arith.cmpf oeq, %sub3A_319, %eq3A_363 : vector<80x80xf32>
    %jit3A_365 = arith.constant 0.000000e+00 : f32
    %broadcast_in_dim3A_366 = vector.broadcast %jit3A_365 : f32 to vector<80x80xf32>
    %select_n3A_367 = arith.select %eq3A_364, %sub3A_355, %broadcast_in_dim3A_366 : vector<80x80xi1>, vector<80x80xf32>
    %select_n3A_368 = arith.select %eq3A_361, %mul3A_352, %select_n3A_367 : vector<80x80xi1>, vector<80x80xf32>
    %select_n3A_369 = arith.select %eq3A_358, %add3A_354, %select_n3A_368 : vector<80x80xi1>, vector<80x80xf32>
    %sub3A_370 = arith.subf %add3A_329, %select_n3A_369 : vector<80x80xf32>
    %get3A_371 = arith.constant 0 : index
    %get3A_372 = arith.constant 5 : index
    %get3A_373 = arith.constant 0 : index
    %get3A_374 = arith.constant 0 : index
    %get3A_375 = vector.load %arg1[%get3A_371, %get3A_372, %get3A_373, %get3A_374] : memref<2x12x80x80xf32, #tpu.memory_space<vmem>>, vector<1x1x80x80xf32>
    %get3A_376 = vector.shape_cast %get3A_375 : vector<1x1x80x80xf32> to vector<80x80xf32>
    %get3A_377 = arith.constant 0 : index
    %get3A_378 = arith.constant 5 : index
    %get3A_379 = arith.constant 0 : index
    %get3A_380 = arith.constant 0 : index
    %get3A_381 = vector.load %arg2[%get3A_377, %get3A_378, %get3A_379, %get3A_380] : memref<2x12x80x80xf32, #tpu.memory_space<vmem>>, vector<1x1x80x80xf32>
    %get3A_382 = vector.shape_cast %get3A_381 : vector<1x1x80x80xf32> to vector<80x80xf32>
    %mul3A_383 = arith.constant 1.500000e+01 : f32
    %mul3A_384 = vector.broadcast %mul3A_383 : f32 to vector<80x80xf32>
    %mul3A_385 = arith.mulf %get3A_376, %mul3A_384 : vector<80x80xf32>
    %floor3A_386 = math.floor %mul3A_385 : vector<80x80xf32>
    %sub3A_387 = arith.subf %mul3A_385, %floor3A_386 : vector<80x80xf32>
    %mul3A_388 = arith.constant 1.500000e+01 : f32
    %mul3A_389 = vector.broadcast %mul3A_388 : f32 to vector<80x80xf32>
    %mul3A_390 = arith.mulf %get3A_382, %mul3A_389 : vector<80x80xf32>
    %floor3A_391 = math.floor %mul3A_390 : vector<80x80xf32>
    %sub3A_392 = arith.subf %mul3A_390, %floor3A_391 : vector<80x80xf32>
    %sub3A_393 = arith.subf %floor3A_391, %floor3A_386 : vector<80x80xf32>
    %sub3A_394 = arith.constant 5.000000e-01 : f32
    %sub3A_395 = vector.broadcast %sub3A_394 : f32 to vector<80x80xf32>
    %sub3A_396 = arith.subf %sub3A_387, %sub3A_395 : vector<80x80xf32>
    %mul3A_397 = arith.mulf %sub3A_396, %sub3A_396 : vector<80x80xf32>
    %mul3A_398 = arith.constant -0.0240230989 : f32
    %mul3A_399 = vector.broadcast %mul3A_398 : f32 to vector<80x80xf32>
    %mul3A_400 = arith.mulf %mul3A_399, %mul3A_397 : vector<80x80xf32>
    %add3A_401 = arith.constant 15.2411489 : f32
    %add3A_402 = vector.broadcast %add3A_401 : f32 to vector<80x80xf32>
    %add3A_403 = arith.addf %mul3A_400, %add3A_402 : vector<80x80xf32>
    %mul3A_404 = arith.constant -0.055733446 : f32
    %mul3A_405 = vector.broadcast %mul3A_404 : f32 to vector<80x80xf32>
    %mul3A_406 = arith.mulf %mul3A_405, %mul3A_397 : vector<80x80xf32>
    %add3A_407 = arith.constant 0.244873464 : f32
    %add3A_408 = vector.broadcast %add3A_407 : f32 to vector<80x80xf32>
    %add3A_409 = arith.addf %mul3A_406, %add3A_408 : vector<80x80xf32>
    %mul3A_410 = arith.constant -0.0157493595 : f32
    %mul3A_411 = vector.broadcast %mul3A_410 : f32 to vector<80x80xf32>
    %mul3A_412 = arith.mulf %mul3A_411, %sub3A_387 : vector<80x80xf32>
    %add3A_413 = arith.constant -0.00424268609 : f32
    %add3A_414 = vector.broadcast %add3A_413 : f32 to vector<80x80xf32>
    %add3A_415 = arith.addf %mul3A_412, %add3A_414 : vector<80x80xf32>
    %mul3A_416 = arith.mulf %add3A_415, %sub3A_387 : vector<80x80xf32>
    %add3A_417 = arith.constant 0.251041859 : f32
    %add3A_418 = vector.broadcast %add3A_417 : f32 to vector<80x80xf32>
    %add3A_419 = arith.addf %mul3A_416, %add3A_418 : vector<80x80xf32>
    %mul3A_420 = arith.mulf %add3A_419, %sub3A_387 : vector<80x80xf32>
    %add3A_421 = arith.constant -5.48610624E-5 : f32
    %add3A_422 = vector.broadcast %add3A_421 : f32 to vector<80x80xf32>
    %add3A_423 = arith.addf %mul3A_420, %add3A_422 : vector<80x80xf32>
    %sub3A_424 = arith.subf %add3A_409, %add3A_423 : vector<80x80xf32>
    %mul3A_425 = arith.mulf %sub3A_392, %add3A_423 : vector<80x80xf32>
    %mul3A_426 = arith.mulf %sub3A_392, %sub3A_424 : vector<80x80xf32>
    %sub3A_427 = arith.subf %mul3A_425, %mul3A_426 : vector<80x80xf32>
    %add3A_428 = arith.addf %sub3A_427, %sub3A_424 : vector<80x80xf32>
    %sub3A_429 = arith.subf %add3A_423, %mul3A_425 : vector<80x80xf32>
    %eq3A_430 = arith.constant 0.000000e+00 : f32
    %eq3A_431 = vector.broadcast %eq3A_430 : f32 to vector<80x80xf32>
    %eq3A_432 = arith.cmpf oeq, %sub3A_393, %eq3A_431 : vector<80x80xf32>
    %eq3A_433 = arith.constant 1.000000e+00 : f32
    %eq3A_434 = vector.broadcast %eq3A_433 : f32 to vector<80x80xf32>
    %eq3A_435 = arith.cmpf oeq, %sub3A_393, %eq3A_434 : vector<80x80xf32>
    %eq3A_436 = arith.constant -1.000000e+00 : f32
    %eq3A_437 = vector.broadcast %eq3A_436 : f32 to vector<80x80xf32>
    %eq3A_438 = arith.cmpf oeq, %sub3A_393, %eq3A_437 : vector<80x80xf32>
    %jit3A_439 = arith.constant 0.000000e+00 : f32
    %broadcast_in_dim3A_440 = vector.broadcast %jit3A_439 : f32 to vector<80x80xf32>
    %select_n3A_441 = arith.select %eq3A_438, %sub3A_429, %broadcast_in_dim3A_440 : vector<80x80xi1>, vector<80x80xf32>
    %select_n3A_442 = arith.select %eq3A_435, %mul3A_426, %select_n3A_441 : vector<80x80xi1>, vector<80x80xf32>
    %select_n3A_443 = arith.select %eq3A_432, %add3A_428, %select_n3A_442 : vector<80x80xi1>, vector<80x80xf32>
    %sub3A_444 = arith.subf %add3A_403, %select_n3A_443 : vector<80x80xf32>
    %add3A_445 = arith.addf %sub3A_370, %sub3A_444 : vector<80x80xf32>
    %get3A_446 = arith.constant 0 : index
    %get3A_447 = arith.constant 6 : index
    %get3A_448 = arith.constant 0 : index
    %get3A_449 = arith.constant 0 : index
    %get3A_450 = vector.load %arg1[%get3A_446, %get3A_447, %get3A_448, %get3A_449] : memref<2x12x80x80xf32, #tpu.memory_space<vmem>>, vector<1x1x80x80xf32>
    %get3A_451 = vector.shape_cast %get3A_450 : vector<1x1x80x80xf32> to vector<80x80xf32>
    %get3A_452 = arith.constant 0 : index
    %get3A_453 = arith.constant 6 : index
    %get3A_454 = arith.constant 0 : index
    %get3A_455 = arith.constant 0 : index
    %get3A_456 = vector.load %arg2[%get3A_452, %get3A_453, %get3A_454, %get3A_455] : memref<2x12x80x80xf32, #tpu.memory_space<vmem>>, vector<1x1x80x80xf32>
    %get3A_457 = vector.shape_cast %get3A_456 : vector<1x1x80x80xf32> to vector<80x80xf32>
    %mul3A_458 = arith.constant 1.500000e+01 : f32
    %mul3A_459 = vector.broadcast %mul3A_458 : f32 to vector<80x80xf32>
    %mul3A_460 = arith.mulf %get3A_451, %mul3A_459 : vector<80x80xf32>
    %floor3A_461 = math.floor %mul3A_460 : vector<80x80xf32>
    %sub3A_462 = arith.subf %mul3A_460, %floor3A_461 : vector<80x80xf32>
    %mul3A_463 = arith.constant 1.500000e+01 : f32
    %mul3A_464 = vector.broadcast %mul3A_463 : f32 to vector<80x80xf32>
    %mul3A_465 = arith.mulf %get3A_457, %mul3A_464 : vector<80x80xf32>
    %floor3A_466 = math.floor %mul3A_465 : vector<80x80xf32>
    %sub3A_467 = arith.subf %mul3A_465, %floor3A_466 : vector<80x80xf32>
    %sub3A_468 = arith.subf %floor3A_466, %floor3A_461 : vector<80x80xf32>
    %sub3A_469 = arith.constant 5.000000e-01 : f32
    %sub3A_470 = vector.broadcast %sub3A_469 : f32 to vector<80x80xf32>
    %sub3A_471 = arith.subf %sub3A_462, %sub3A_470 : vector<80x80xf32>
    %mul3A_472 = arith.mulf %sub3A_471, %sub3A_471 : vector<80x80xf32>
    %mul3A_473 = arith.constant -0.0240230989 : f32
    %mul3A_474 = vector.broadcast %mul3A_473 : f32 to vector<80x80xf32>
    %mul3A_475 = arith.mulf %mul3A_474, %mul3A_472 : vector<80x80xf32>
    %add3A_476 = arith.constant 15.2411489 : f32
    %add3A_477 = vector.broadcast %add3A_476 : f32 to vector<80x80xf32>
    %add3A_478 = arith.addf %mul3A_475, %add3A_477 : vector<80x80xf32>
    %mul3A_479 = arith.constant -0.055733446 : f32
    %mul3A_480 = vector.broadcast %mul3A_479 : f32 to vector<80x80xf32>
    %mul3A_481 = arith.mulf %mul3A_480, %mul3A_472 : vector<80x80xf32>
    %add3A_482 = arith.constant 0.244873464 : f32
    %add3A_483 = vector.broadcast %add3A_482 : f32 to vector<80x80xf32>
    %add3A_484 = arith.addf %mul3A_481, %add3A_483 : vector<80x80xf32>
    %mul3A_485 = arith.constant -0.0157493595 : f32
    %mul3A_486 = vector.broadcast %mul3A_485 : f32 to vector<80x80xf32>
    %mul3A_487 = arith.mulf %mul3A_486, %sub3A_462 : vector<80x80xf32>
    %add3A_488 = arith.constant -0.00424268609 : f32
    %add3A_489 = vector.broadcast %add3A_488 : f32 to vector<80x80xf32>
    %add3A_490 = arith.addf %mul3A_487, %add3A_489 : vector<80x80xf32>
    %mul3A_491 = arith.mulf %add3A_490, %sub3A_462 : vector<80x80xf32>
    %add3A_492 = arith.constant 0.251041859 : f32
    %add3A_493 = vector.broadcast %add3A_492 : f32 to vector<80x80xf32>
    %add3A_494 = arith.addf %mul3A_491, %add3A_493 : vector<80x80xf32>
    %mul3A_495 = arith.mulf %add3A_494, %sub3A_462 : vector<80x80xf32>
    %add3A_496 = arith.constant -5.48610624E-5 : f32
    %add3A_497 = vector.broadcast %add3A_496 : f32 to vector<80x80xf32>
    %add3A_498 = arith.addf %mul3A_495, %add3A_497 : vector<80x80xf32>
    %sub3A_499 = arith.subf %add3A_484, %add3A_498 : vector<80x80xf32>
    %mul3A_500 = arith.mulf %sub3A_467, %add3A_498 : vector<80x80xf32>
    %mul3A_501 = arith.mulf %sub3A_467, %sub3A_499 : vector<80x80xf32>
    %sub3A_502 = arith.subf %mul3A_500, %mul3A_501 : vector<80x80xf32>
    %add3A_503 = arith.addf %sub3A_502, %sub3A_499 : vector<80x80xf32>
    %sub3A_504 = arith.subf %add3A_498, %mul3A_500 : vector<80x80xf32>
    %eq3A_505 = arith.constant 0.000000e+00 : f32
    %eq3A_506 = vector.broadcast %eq3A_505 : f32 to vector<80x80xf32>
    %eq3A_507 = arith.cmpf oeq, %sub3A_468, %eq3A_506 : vector<80x80xf32>
    %eq3A_508 = arith.constant 1.000000e+00 : f32
    %eq3A_509 = vector.broadcast %eq3A_508 : f32 to vector<80x80xf32>
    %eq3A_510 = arith.cmpf oeq, %sub3A_468, %eq3A_509 : vector<80x80xf32>
    %eq3A_511 = arith.constant -1.000000e+00 : f32
    %eq3A_512 = vector.broadcast %eq3A_511 : f32 to vector<80x80xf32>
    %eq3A_513 = arith.cmpf oeq, %sub3A_468, %eq3A_512 : vector<80x80xf32>
    %jit3A_514 = arith.constant 0.000000e+00 : f32
    %broadcast_in_dim3A_515 = vector.broadcast %jit3A_514 : f32 to vector<80x80xf32>
    %select_n3A_516 = arith.select %eq3A_513, %sub3A_504, %broadcast_in_dim3A_515 : vector<80x80xi1>, vector<80x80xf32>
    %select_n3A_517 = arith.select %eq3A_510, %mul3A_501, %select_n3A_516 : vector<80x80xi1>, vector<80x80xf32>
    %select_n3A_518 = arith.select %eq3A_507, %add3A_503, %select_n3A_517 : vector<80x80xi1>, vector<80x80xf32>
    %sub3A_519 = arith.subf %add3A_478, %select_n3A_518 : vector<80x80xf32>
    %add3A_520 = arith.addf %add3A_445, %sub3A_519 : vector<80x80xf32>
    %get3A_521 = arith.constant 0 : index
    %get3A_522 = arith.constant 7 : index
    %get3A_523 = arith.constant 0 : index
    %get3A_524 = arith.constant 0 : index
    %get3A_525 = vector.load %arg1[%get3A_521, %get3A_522, %get3A_523, %get3A_524] : memref<2x12x80x80xf32, #tpu.memory_space<vmem>>, vector<1x1x80x80xf32>
    %get3A_526 = vector.shape_cast %get3A_525 : vector<1x1x80x80xf32> to vector<80x80xf32>
    %get3A_527 = arith.constant 0 : index
    %get3A_528 = arith.constant 7 : index
    %get3A_529 = arith.constant 0 : index
    %get3A_530 = arith.constant 0 : index
    %get3A_531 = vector.load %arg2[%get3A_527, %get3A_528, %get3A_529, %get3A_530] : memref<2x12x80x80xf32, #tpu.memory_space<vmem>>, vector<1x1x80x80xf32>
    %get3A_532 = vector.shape_cast %get3A_531 : vector<1x1x80x80xf32> to vector<80x80xf32>
    %mul3A_533 = arith.constant 1.500000e+01 : f32
    %mul3A_534 = vector.broadcast %mul3A_533 : f32 to vector<80x80xf32>
    %mul3A_535 = arith.mulf %get3A_526, %mul3A_534 : vector<80x80xf32>
    %floor3A_536 = math.floor %mul3A_535 : vector<80x80xf32>
    %sub3A_537 = arith.subf %mul3A_535, %floor3A_536 : vector<80x80xf32>
    %mul3A_538 = arith.constant 1.500000e+01 : f32
    %mul3A_539 = vector.broadcast %mul3A_538 : f32 to vector<80x80xf32>
    %mul3A_540 = arith.mulf %get3A_532, %mul3A_539 : vector<80x80xf32>
    %floor3A_541 = math.floor %mul3A_540 : vector<80x80xf32>
    %sub3A_542 = arith.subf %mul3A_540, %floor3A_541 : vector<80x80xf32>
    %sub3A_543 = arith.subf %floor3A_541, %floor3A_536 : vector<80x80xf32>
    %sub3A_544 = arith.constant 5.000000e-01 : f32
    %sub3A_545 = vector.broadcast %sub3A_544 : f32 to vector<80x80xf32>
    %sub3A_546 = arith.subf %sub3A_537, %sub3A_545 : vector<80x80xf32>
    %mul3A_547 = arith.mulf %sub3A_546, %sub3A_546 : vector<80x80xf32>
    %mul3A_548 = arith.constant -0.0240230989 : f32
    %mul3A_549 = vector.broadcast %mul3A_548 : f32 to vector<80x80xf32>
    %mul3A_550 = arith.mulf %mul3A_549, %mul3A_547 : vector<80x80xf32>
    %add3A_551 = arith.constant 15.2411489 : f32
    %add3A_552 = vector.broadcast %add3A_551 : f32 to vector<80x80xf32>
    %add3A_553 = arith.addf %mul3A_550, %add3A_552 : vector<80x80xf32>
    %mul3A_554 = arith.constant -0.055733446 : f32
    %mul3A_555 = vector.broadcast %mul3A_554 : f32 to vector<80x80xf32>
    %mul3A_556 = arith.mulf %mul3A_555, %mul3A_547 : vector<80x80xf32>
    %add3A_557 = arith.constant 0.244873464 : f32
    %add3A_558 = vector.broadcast %add3A_557 : f32 to vector<80x80xf32>
    %add3A_559 = arith.addf %mul3A_556, %add3A_558 : vector<80x80xf32>
    %mul3A_560 = arith.constant -0.0157493595 : f32
    %mul3A_561 = vector.broadcast %mul3A_560 : f32 to vector<80x80xf32>
    %mul3A_562 = arith.mulf %mul3A_561, %sub3A_537 : vector<80x80xf32>
    %add3A_563 = arith.constant -0.00424268609 : f32
    %add3A_564 = vector.broadcast %add3A_563 : f32 to vector<80x80xf32>
    %add3A_565 = arith.addf %mul3A_562, %add3A_564 : vector<80x80xf32>
    %mul3A_566 = arith.mulf %add3A_565, %sub3A_537 : vector<80x80xf32>
    %add3A_567 = arith.constant 0.251041859 : f32
    %add3A_568 = vector.broadcast %add3A_567 : f32 to vector<80x80xf32>
    %add3A_569 = arith.addf %mul3A_566, %add3A_568 : vector<80x80xf32>
    %mul3A_570 = arith.mulf %add3A_569, %sub3A_537 : vector<80x80xf32>
    %add3A_571 = arith.constant -5.48610624E-5 : f32
    %add3A_572 = vector.broadcast %add3A_571 : f32 to vector<80x80xf32>
    %add3A_573 = arith.addf %mul3A_570, %add3A_572 : vector<80x80xf32>
    %sub3A_574 = arith.subf %add3A_559, %add3A_573 : vector<80x80xf32>
    %mul3A_575 = arith.mulf %sub3A_542, %add3A_573 : vector<80x80xf32>
    %mul3A_576 = arith.mulf %sub3A_542, %sub3A_574 : vector<80x80xf32>
    %sub3A_577 = arith.subf %mul3A_575, %mul3A_576 : vector<80x80xf32>
    %add3A_578 = arith.addf %sub3A_577, %sub3A_574 : vector<80x80xf32>
    %sub3A_579 = arith.subf %add3A_573, %mul3A_575 : vector<80x80xf32>
    %eq3A_580 = arith.constant 0.000000e+00 : f32
    %eq3A_581 = vector.broadcast %eq3A_580 : f32 to vector<80x80xf32>
    %eq3A_582 = arith.cmpf oeq, %sub3A_543, %eq3A_581 : vector<80x80xf32>
    %eq3A_583 = arith.constant 1.000000e+00 : f32
    %eq3A_584 = vector.broadcast %eq3A_583 : f32 to vector<80x80xf32>
    %eq3A_585 = arith.cmpf oeq, %sub3A_543, %eq3A_584 : vector<80x80xf32>
    %eq3A_586 = arith.constant -1.000000e+00 : f32
    %eq3A_587 = vector.broadcast %eq3A_586 : f32 to vector<80x80xf32>
    %eq3A_588 = arith.cmpf oeq, %sub3A_543, %eq3A_587 : vector<80x80xf32>
    %jit3A_589 = arith.constant 0.000000e+00 : f32
    %broadcast_in_dim3A_590 = vector.broadcast %jit3A_589 : f32 to vector<80x80xf32>
    %select_n3A_591 = arith.select %eq3A_588, %sub3A_579, %broadcast_in_dim3A_590 : vector<80x80xi1>, vector<80x80xf32>
    %select_n3A_592 = arith.select %eq3A_585, %mul3A_576, %select_n3A_591 : vector<80x80xi1>, vector<80x80xf32>
    %select_n3A_593 = arith.select %eq3A_582, %add3A_578, %select_n3A_592 : vector<80x80xi1>, vector<80x80xf32>
    %sub3A_594 = arith.subf %add3A_553, %select_n3A_593 : vector<80x80xf32>
    %add3A_595 = arith.addf %add3A_520, %sub3A_594 : vector<80x80xf32>
    %get3A_596 = arith.constant 0 : index
    %get3A_597 = arith.constant 1 : index
    %get3A_598 = arith.constant 0 : index
    %get3A_599 = arith.constant 0 : index
    %get3A_600 = vector.load %arg3[%get3A_596, %get3A_597, %get3A_598, %get3A_599] : memref<2x3x80x80xf32, #tpu.memory_space<vmem>>, vector<1x1x80x80xf32>
    %get3A_601 = vector.shape_cast %get3A_600 : vector<1x1x80x80xf32> to vector<80x80xf32>
    %mul3A_602 = arith.mulf %add3A_595, %get3A_601 : vector<80x80xf32>
    %add3A_603 = arith.addf %mul3A_296, %mul3A_602 : vector<80x80xf32>
    %get3A_604 = arith.constant 0 : index
    %get3A_605 = arith.constant 8 : index
    %get3A_606 = arith.constant 0 : index
    %get3A_607 = arith.constant 0 : index
    %get3A_608 = vector.load %arg1[%get3A_604, %get3A_605, %get3A_606, %get3A_607] : memref<2x12x80x80xf32, #tpu.memory_space<vmem>>, vector<1x1x80x80xf32>
    %get3A_609 = vector.shape_cast %get3A_608 : vector<1x1x80x80xf32> to vector<80x80xf32>
    %get3A_610 = arith.constant 0 : index
    %get3A_611 = arith.constant 8 : index
    %get3A_612 = arith.constant 0 : index
    %get3A_613 = arith.constant 0 : index
    %get3A_614 = vector.load %arg2[%get3A_610, %get3A_611, %get3A_612, %get3A_613] : memref<2x12x80x80xf32, #tpu.memory_space<vmem>>, vector<1x1x80x80xf32>
    %get3A_615 = vector.shape_cast %get3A_614 : vector<1x1x80x80xf32> to vector<80x80xf32>
    %mul3A_616 = arith.constant 1.500000e+01 : f32
    %mul3A_617 = vector.broadcast %mul3A_616 : f32 to vector<80x80xf32>
    %mul3A_618 = arith.mulf %get3A_609, %mul3A_617 : vector<80x80xf32>
    %floor3A_619 = math.floor %mul3A_618 : vector<80x80xf32>
    %sub3A_620 = arith.subf %mul3A_618, %floor3A_619 : vector<80x80xf32>
    %mul3A_621 = arith.constant 1.500000e+01 : f32
    %mul3A_622 = vector.broadcast %mul3A_621 : f32 to vector<80x80xf32>
    %mul3A_623 = arith.mulf %get3A_615, %mul3A_622 : vector<80x80xf32>
    %floor3A_624 = math.floor %mul3A_623 : vector<80x80xf32>
    %sub3A_625 = arith.subf %mul3A_623, %floor3A_624 : vector<80x80xf32>
    %sub3A_626 = arith.subf %floor3A_624, %floor3A_619 : vector<80x80xf32>
    %sub3A_627 = arith.constant 5.000000e-01 : f32
    %sub3A_628 = vector.broadcast %sub3A_627 : f32 to vector<80x80xf32>
    %sub3A_629 = arith.subf %sub3A_620, %sub3A_628 : vector<80x80xf32>
    %mul3A_630 = arith.mulf %sub3A_629, %sub3A_629 : vector<80x80xf32>
    %mul3A_631 = arith.constant -0.0240230989 : f32
    %mul3A_632 = vector.broadcast %mul3A_631 : f32 to vector<80x80xf32>
    %mul3A_633 = arith.mulf %mul3A_632, %mul3A_630 : vector<80x80xf32>
    %add3A_634 = arith.constant 15.2411489 : f32
    %add3A_635 = vector.broadcast %add3A_634 : f32 to vector<80x80xf32>
    %add3A_636 = arith.addf %mul3A_633, %add3A_635 : vector<80x80xf32>
    %mul3A_637 = arith.constant -0.055733446 : f32
    %mul3A_638 = vector.broadcast %mul3A_637 : f32 to vector<80x80xf32>
    %mul3A_639 = arith.mulf %mul3A_638, %mul3A_630 : vector<80x80xf32>
    %add3A_640 = arith.constant 0.244873464 : f32
    %add3A_641 = vector.broadcast %add3A_640 : f32 to vector<80x80xf32>
    %add3A_642 = arith.addf %mul3A_639, %add3A_641 : vector<80x80xf32>
    %mul3A_643 = arith.constant -0.0157493595 : f32
    %mul3A_644 = vector.broadcast %mul3A_643 : f32 to vector<80x80xf32>
    %mul3A_645 = arith.mulf %mul3A_644, %sub3A_620 : vector<80x80xf32>
    %add3A_646 = arith.constant -0.00424268609 : f32
    %add3A_647 = vector.broadcast %add3A_646 : f32 to vector<80x80xf32>
    %add3A_648 = arith.addf %mul3A_645, %add3A_647 : vector<80x80xf32>
    %mul3A_649 = arith.mulf %add3A_648, %sub3A_620 : vector<80x80xf32>
    %add3A_650 = arith.constant 0.251041859 : f32
    %add3A_651 = vector.broadcast %add3A_650 : f32 to vector<80x80xf32>
    %add3A_652 = arith.addf %mul3A_649, %add3A_651 : vector<80x80xf32>
    %mul3A_653 = arith.mulf %add3A_652, %sub3A_620 : vector<80x80xf32>
    %add3A_654 = arith.constant -5.48610624E-5 : f32
    %add3A_655 = vector.broadcast %add3A_654 : f32 to vector<80x80xf32>
    %add3A_656 = arith.addf %mul3A_653, %add3A_655 : vector<80x80xf32>
    %sub3A_657 = arith.subf %add3A_642, %add3A_656 : vector<80x80xf32>
    %mul3A_658 = arith.mulf %sub3A_625, %add3A_656 : vector<80x80xf32>
    %mul3A_659 = arith.mulf %sub3A_625, %sub3A_657 : vector<80x80xf32>
    %sub3A_660 = arith.subf %mul3A_658, %mul3A_659 : vector<80x80xf32>
    %add3A_661 = arith.addf %sub3A_660, %sub3A_657 : vector<80x80xf32>
    %sub3A_662 = arith.subf %add3A_656, %mul3A_658 : vector<80x80xf32>
    %eq3A_663 = arith.constant 0.000000e+00 : f32
    %eq3A_664 = vector.broadcast %eq3A_663 : f32 to vector<80x80xf32>
    %eq3A_665 = arith.cmpf oeq, %sub3A_626, %eq3A_664 : vector<80x80xf32>
    %eq3A_666 = arith.constant 1.000000e+00 : f32
    %eq3A_667 = vector.broadcast %eq3A_666 : f32 to vector<80x80xf32>
    %eq3A_668 = arith.cmpf oeq, %sub3A_626, %eq3A_667 : vector<80x80xf32>
    %eq3A_669 = arith.constant -1.000000e+00 : f32
    %eq3A_670 = vector.broadcast %eq3A_669 : f32 to vector<80x80xf32>
    %eq3A_671 = arith.cmpf oeq, %sub3A_626, %eq3A_670 : vector<80x80xf32>
    %jit3A_672 = arith.constant 0.000000e+00 : f32
    %broadcast_in_dim3A_673 = vector.broadcast %jit3A_672 : f32 to vector<80x80xf32>
    %select_n3A_674 = arith.select %eq3A_671, %sub3A_662, %broadcast_in_dim3A_673 : vector<80x80xi1>, vector<80x80xf32>
    %select_n3A_675 = arith.select %eq3A_668, %mul3A_659, %select_n3A_674 : vector<80x80xi1>, vector<80x80xf32>
    %select_n3A_676 = arith.select %eq3A_665, %add3A_661, %select_n3A_675 : vector<80x80xi1>, vector<80x80xf32>
    %sub3A_677 = arith.subf %add3A_636, %select_n3A_676 : vector<80x80xf32>
    %get3A_678 = arith.constant 0 : index
    %get3A_679 = arith.constant 9 : index
    %get3A_680 = arith.constant 0 : index
    %get3A_681 = arith.constant 0 : index
    %get3A_682 = vector.load %arg1[%get3A_678, %get3A_679, %get3A_680, %get3A_681] : memref<2x12x80x80xf32, #tpu.memory_space<vmem>>, vector<1x1x80x80xf32>
    %get3A_683 = vector.shape_cast %get3A_682 : vector<1x1x80x80xf32> to vector<80x80xf32>
    %get3A_684 = arith.constant 0 : index
    %get3A_685 = arith.constant 9 : index
    %get3A_686 = arith.constant 0 : index
    %get3A_687 = arith.constant 0 : index
    %get3A_688 = vector.load %arg2[%get3A_684, %get3A_685, %get3A_686, %get3A_687] : memref<2x12x80x80xf32, #tpu.memory_space<vmem>>, vector<1x1x80x80xf32>
    %get3A_689 = vector.shape_cast %get3A_688 : vector<1x1x80x80xf32> to vector<80x80xf32>
    %mul3A_690 = arith.constant 1.500000e+01 : f32
    %mul3A_691 = vector.broadcast %mul3A_690 : f32 to vector<80x80xf32>
    %mul3A_692 = arith.mulf %get3A_683, %mul3A_691 : vector<80x80xf32>
    %floor3A_693 = math.floor %mul3A_692 : vector<80x80xf32>
    %sub3A_694 = arith.subf %mul3A_692, %floor3A_693 : vector<80x80xf32>
    %mul3A_695 = arith.constant 1.500000e+01 : f32
    %mul3A_696 = vector.broadcast %mul3A_695 : f32 to vector<80x80xf32>
    %mul3A_697 = arith.mulf %get3A_689, %mul3A_696 : vector<80x80xf32>
    %floor3A_698 = math.floor %mul3A_697 : vector<80x80xf32>
    %sub3A_699 = arith.subf %mul3A_697, %floor3A_698 : vector<80x80xf32>
    %sub3A_700 = arith.subf %floor3A_698, %floor3A_693 : vector<80x80xf32>
    %sub3A_701 = arith.constant 5.000000e-01 : f32
    %sub3A_702 = vector.broadcast %sub3A_701 : f32 to vector<80x80xf32>
    %sub3A_703 = arith.subf %sub3A_694, %sub3A_702 : vector<80x80xf32>
    %mul3A_704 = arith.mulf %sub3A_703, %sub3A_703 : vector<80x80xf32>
    %mul3A_705 = arith.constant -0.0240230989 : f32
    %mul3A_706 = vector.broadcast %mul3A_705 : f32 to vector<80x80xf32>
    %mul3A_707 = arith.mulf %mul3A_706, %mul3A_704 : vector<80x80xf32>
    %add3A_708 = arith.constant 15.2411489 : f32
    %add3A_709 = vector.broadcast %add3A_708 : f32 to vector<80x80xf32>
    %add3A_710 = arith.addf %mul3A_707, %add3A_709 : vector<80x80xf32>
    %mul3A_711 = arith.constant -0.055733446 : f32
    %mul3A_712 = vector.broadcast %mul3A_711 : f32 to vector<80x80xf32>
    %mul3A_713 = arith.mulf %mul3A_712, %mul3A_704 : vector<80x80xf32>
    %add3A_714 = arith.constant 0.244873464 : f32
    %add3A_715 = vector.broadcast %add3A_714 : f32 to vector<80x80xf32>
    %add3A_716 = arith.addf %mul3A_713, %add3A_715 : vector<80x80xf32>
    %mul3A_717 = arith.constant -0.0157493595 : f32
    %mul3A_718 = vector.broadcast %mul3A_717 : f32 to vector<80x80xf32>
    %mul3A_719 = arith.mulf %mul3A_718, %sub3A_694 : vector<80x80xf32>
    %add3A_720 = arith.constant -0.00424268609 : f32
    %add3A_721 = vector.broadcast %add3A_720 : f32 to vector<80x80xf32>
    %add3A_722 = arith.addf %mul3A_719, %add3A_721 : vector<80x80xf32>
    %mul3A_723 = arith.mulf %add3A_722, %sub3A_694 : vector<80x80xf32>
    %add3A_724 = arith.constant 0.251041859 : f32
    %add3A_725 = vector.broadcast %add3A_724 : f32 to vector<80x80xf32>
    %add3A_726 = arith.addf %mul3A_723, %add3A_725 : vector<80x80xf32>
    %mul3A_727 = arith.mulf %add3A_726, %sub3A_694 : vector<80x80xf32>
    %add3A_728 = arith.constant -5.48610624E-5 : f32
    %add3A_729 = vector.broadcast %add3A_728 : f32 to vector<80x80xf32>
    %add3A_730 = arith.addf %mul3A_727, %add3A_729 : vector<80x80xf32>
    %sub3A_731 = arith.subf %add3A_716, %add3A_730 : vector<80x80xf32>
    %mul3A_732 = arith.mulf %sub3A_699, %add3A_730 : vector<80x80xf32>
    %mul3A_733 = arith.mulf %sub3A_699, %sub3A_731 : vector<80x80xf32>
    %sub3A_734 = arith.subf %mul3A_732, %mul3A_733 : vector<80x80xf32>
    %add3A_735 = arith.addf %sub3A_734, %sub3A_731 : vector<80x80xf32>
    %sub3A_736 = arith.subf %add3A_730, %mul3A_732 : vector<80x80xf32>
    %eq3A_737 = arith.constant 0.000000e+00 : f32
    %eq3A_738 = vector.broadcast %eq3A_737 : f32 to vector<80x80xf32>
    %eq3A_739 = arith.cmpf oeq, %sub3A_700, %eq3A_738 : vector<80x80xf32>
    %eq3A_740 = arith.constant 1.000000e+00 : f32
    %eq3A_741 = vector.broadcast %eq3A_740 : f32 to vector<80x80xf32>
    %eq3A_742 = arith.cmpf oeq, %sub3A_700, %eq3A_741 : vector<80x80xf32>
    %eq3A_743 = arith.constant -1.000000e+00 : f32
    %eq3A_744 = vector.broadcast %eq3A_743 : f32 to vector<80x80xf32>
    %eq3A_745 = arith.cmpf oeq, %sub3A_700, %eq3A_744 : vector<80x80xf32>
    %jit3A_746 = arith.constant 0.000000e+00 : f32
    %broadcast_in_dim3A_747 = vector.broadcast %jit3A_746 : f32 to vector<80x80xf32>
    %select_n3A_748 = arith.select %eq3A_745, %sub3A_736, %broadcast_in_dim3A_747 : vector<80x80xi1>, vector<80x80xf32>
    %select_n3A_749 = arith.select %eq3A_742, %mul3A_733, %select_n3A_748 : vector<80x80xi1>, vector<80x80xf32>
    %select_n3A_750 = arith.select %eq3A_739, %add3A_735, %select_n3A_749 : vector<80x80xi1>, vector<80x80xf32>
    %sub3A_751 = arith.subf %add3A_710, %select_n3A_750 : vector<80x80xf32>
    %add3A_752 = arith.addf %sub3A_677, %sub3A_751 : vector<80x80xf32>
    %get3A_753 = arith.constant 0 : index
    %get3A_754 = arith.constant 10 : index
    %get3A_755 = arith.constant 0 : index
    %get3A_756 = arith.constant 0 : index
    %get3A_757 = vector.load %arg1[%get3A_753, %get3A_754, %get3A_755, %get3A_756] : memref<2x12x80x80xf32, #tpu.memory_space<vmem>>, vector<1x1x80x80xf32>
    %get3A_758 = vector.shape_cast %get3A_757 : vector<1x1x80x80xf32> to vector<80x80xf32>
    %get3A_759 = arith.constant 0 : index
    %get3A_760 = arith.constant 10 : index
    %get3A_761 = arith.constant 0 : index
    %get3A_762 = arith.constant 0 : index
    %get3A_763 = vector.load %arg2[%get3A_759, %get3A_760, %get3A_761, %get3A_762] : memref<2x12x80x80xf32, #tpu.memory_space<vmem>>, vector<1x1x80x80xf32>
    %get3A_764 = vector.shape_cast %get3A_763 : vector<1x1x80x80xf32> to vector<80x80xf32>
    %mul3A_765 = arith.constant 1.500000e+01 : f32
    %mul3A_766 = vector.broadcast %mul3A_765 : f32 to vector<80x80xf32>
    %mul3A_767 = arith.mulf %get3A_758, %mul3A_766 : vector<80x80xf32>
    %floor3A_768 = math.floor %mul3A_767 : vector<80x80xf32>
    %sub3A_769 = arith.subf %mul3A_767, %floor3A_768 : vector<80x80xf32>
    %mul3A_770 = arith.constant 1.500000e+01 : f32
    %mul3A_771 = vector.broadcast %mul3A_770 : f32 to vector<80x80xf32>
    %mul3A_772 = arith.mulf %get3A_764, %mul3A_771 : vector<80x80xf32>
    %floor3A_773 = math.floor %mul3A_772 : vector<80x80xf32>
    %sub3A_774 = arith.subf %mul3A_772, %floor3A_773 : vector<80x80xf32>
    %sub3A_775 = arith.subf %floor3A_773, %floor3A_768 : vector<80x80xf32>
    %sub3A_776 = arith.constant 5.000000e-01 : f32
    %sub3A_777 = vector.broadcast %sub3A_776 : f32 to vector<80x80xf32>
    %sub3A_778 = arith.subf %sub3A_769, %sub3A_777 : vector<80x80xf32>
    %mul3A_779 = arith.mulf %sub3A_778, %sub3A_778 : vector<80x80xf32>
    %mul3A_780 = arith.constant -0.0240230989 : f32
    %mul3A_781 = vector.broadcast %mul3A_780 : f32 to vector<80x80xf32>
    %mul3A_782 = arith.mulf %mul3A_781, %mul3A_779 : vector<80x80xf32>
    %add3A_783 = arith.constant 15.2411489 : f32
    %add3A_784 = vector.broadcast %add3A_783 : f32 to vector<80x80xf32>
    %add3A_785 = arith.addf %mul3A_782, %add3A_784 : vector<80x80xf32>
    %mul3A_786 = arith.constant -0.055733446 : f32
    %mul3A_787 = vector.broadcast %mul3A_786 : f32 to vector<80x80xf32>
    %mul3A_788 = arith.mulf %mul3A_787, %mul3A_779 : vector<80x80xf32>
    %add3A_789 = arith.constant 0.244873464 : f32
    %add3A_790 = vector.broadcast %add3A_789 : f32 to vector<80x80xf32>
    %add3A_791 = arith.addf %mul3A_788, %add3A_790 : vector<80x80xf32>
    %mul3A_792 = arith.constant -0.0157493595 : f32
    %mul3A_793 = vector.broadcast %mul3A_792 : f32 to vector<80x80xf32>
    %mul3A_794 = arith.mulf %mul3A_793, %sub3A_769 : vector<80x80xf32>
    %add3A_795 = arith.constant -0.00424268609 : f32
    %add3A_796 = vector.broadcast %add3A_795 : f32 to vector<80x80xf32>
    %add3A_797 = arith.addf %mul3A_794, %add3A_796 : vector<80x80xf32>
    %mul3A_798 = arith.mulf %add3A_797, %sub3A_769 : vector<80x80xf32>
    %add3A_799 = arith.constant 0.251041859 : f32
    %add3A_800 = vector.broadcast %add3A_799 : f32 to vector<80x80xf32>
    %add3A_801 = arith.addf %mul3A_798, %add3A_800 : vector<80x80xf32>
    %mul3A_802 = arith.mulf %add3A_801, %sub3A_769 : vector<80x80xf32>
    %add3A_803 = arith.constant -5.48610624E-5 : f32
    %add3A_804 = vector.broadcast %add3A_803 : f32 to vector<80x80xf32>
    %add3A_805 = arith.addf %mul3A_802, %add3A_804 : vector<80x80xf32>
    %sub3A_806 = arith.subf %add3A_791, %add3A_805 : vector<80x80xf32>
    %mul3A_807 = arith.mulf %sub3A_774, %add3A_805 : vector<80x80xf32>
    %mul3A_808 = arith.mulf %sub3A_774, %sub3A_806 : vector<80x80xf32>
    %sub3A_809 = arith.subf %mul3A_807, %mul3A_808 : vector<80x80xf32>
    %add3A_810 = arith.addf %sub3A_809, %sub3A_806 : vector<80x80xf32>
    %sub3A_811 = arith.subf %add3A_805, %mul3A_807 : vector<80x80xf32>
    %eq3A_812 = arith.constant 0.000000e+00 : f32
    %eq3A_813 = vector.broadcast %eq3A_812 : f32 to vector<80x80xf32>
    %eq3A_814 = arith.cmpf oeq, %sub3A_775, %eq3A_813 : vector<80x80xf32>
    %eq3A_815 = arith.constant 1.000000e+00 : f32
    %eq3A_816 = vector.broadcast %eq3A_815 : f32 to vector<80x80xf32>
    %eq3A_817 = arith.cmpf oeq, %sub3A_775, %eq3A_816 : vector<80x80xf32>
    %eq3A_818 = arith.constant -1.000000e+00 : f32
    %eq3A_819 = vector.broadcast %eq3A_818 : f32 to vector<80x80xf32>
    %eq3A_820 = arith.cmpf oeq, %sub3A_775, %eq3A_819 : vector<80x80xf32>
    %jit3A_821 = arith.constant 0.000000e+00 : f32
    %broadcast_in_dim3A_822 = vector.broadcast %jit3A_821 : f32 to vector<80x80xf32>
    %select_n3A_823 = arith.select %eq3A_820, %sub3A_811, %broadcast_in_dim3A_822 : vector<80x80xi1>, vector<80x80xf32>
    %select_n3A_824 = arith.select %eq3A_817, %mul3A_808, %select_n3A_823 : vector<80x80xi1>, vector<80x80xf32>
    %select_n3A_825 = arith.select %eq3A_814, %add3A_810, %select_n3A_824 : vector<80x80xi1>, vector<80x80xf32>
    %sub3A_826 = arith.subf %add3A_785, %select_n3A_825 : vector<80x80xf32>
    %add3A_827 = arith.addf %add3A_752, %sub3A_826 : vector<80x80xf32>
    %get3A_828 = arith.constant 0 : index
    %get3A_829 = arith.constant 11 : index
    %get3A_830 = arith.constant 0 : index
    %get3A_831 = arith.constant 0 : index
    %get3A_832 = vector.load %arg1[%get3A_828, %get3A_829, %get3A_830, %get3A_831] : memref<2x12x80x80xf32, #tpu.memory_space<vmem>>, vector<1x1x80x80xf32>
    %get3A_833 = vector.shape_cast %get3A_832 : vector<1x1x80x80xf32> to vector<80x80xf32>
    %get3A_834 = arith.constant 0 : index
    %get3A_835 = arith.constant 11 : index
    %get3A_836 = arith.constant 0 : index
    %get3A_837 = arith.constant 0 : index
    %get3A_838 = vector.load %arg2[%get3A_834, %get3A_835, %get3A_836, %get3A_837] : memref<2x12x80x80xf32, #tpu.memory_space<vmem>>, vector<1x1x80x80xf32>
    %get3A_839 = vector.shape_cast %get3A_838 : vector<1x1x80x80xf32> to vector<80x80xf32>
    %mul3A_840 = arith.constant 1.500000e+01 : f32
    %mul3A_841 = vector.broadcast %mul3A_840 : f32 to vector<80x80xf32>
    %mul3A_842 = arith.mulf %get3A_833, %mul3A_841 : vector<80x80xf32>
    %floor3A_843 = math.floor %mul3A_842 : vector<80x80xf32>
    %sub3A_844 = arith.subf %mul3A_842, %floor3A_843 : vector<80x80xf32>
    %mul3A_845 = arith.constant 1.500000e+01 : f32
    %mul3A_846 = vector.broadcast %mul3A_845 : f32 to vector<80x80xf32>
    %mul3A_847 = arith.mulf %get3A_839, %mul3A_846 : vector<80x80xf32>
    %floor3A_848 = math.floor %mul3A_847 : vector<80x80xf32>
    %sub3A_849 = arith.subf %mul3A_847, %floor3A_848 : vector<80x80xf32>
    %sub3A_850 = arith.subf %floor3A_848, %floor3A_843 : vector<80x80xf32>
    %sub3A_851 = arith.constant 5.000000e-01 : f32
    %sub3A_852 = vector.broadcast %sub3A_851 : f32 to vector<80x80xf32>
    %sub3A_853 = arith.subf %sub3A_844, %sub3A_852 : vector<80x80xf32>
    %mul3A_854 = arith.mulf %sub3A_853, %sub3A_853 : vector<80x80xf32>
    %mul3A_855 = arith.constant -0.0240230989 : f32
    %mul3A_856 = vector.broadcast %mul3A_855 : f32 to vector<80x80xf32>
    %mul3A_857 = arith.mulf %mul3A_856, %mul3A_854 : vector<80x80xf32>
    %add3A_858 = arith.constant 15.2411489 : f32
    %add3A_859 = vector.broadcast %add3A_858 : f32 to vector<80x80xf32>
    %add3A_860 = arith.addf %mul3A_857, %add3A_859 : vector<80x80xf32>
    %mul3A_861 = arith.constant -0.055733446 : f32
    %mul3A_862 = vector.broadcast %mul3A_861 : f32 to vector<80x80xf32>
    %mul3A_863 = arith.mulf %mul3A_862, %mul3A_854 : vector<80x80xf32>
    %add3A_864 = arith.constant 0.244873464 : f32
    %add3A_865 = vector.broadcast %add3A_864 : f32 to vector<80x80xf32>
    %add3A_866 = arith.addf %mul3A_863, %add3A_865 : vector<80x80xf32>
    %mul3A_867 = arith.constant -0.0157493595 : f32
    %mul3A_868 = vector.broadcast %mul3A_867 : f32 to vector<80x80xf32>
    %mul3A_869 = arith.mulf %mul3A_868, %sub3A_844 : vector<80x80xf32>
    %add3A_870 = arith.constant -0.00424268609 : f32
    %add3A_871 = vector.broadcast %add3A_870 : f32 to vector<80x80xf32>
    %add3A_872 = arith.addf %mul3A_869, %add3A_871 : vector<80x80xf32>
    %mul3A_873 = arith.mulf %add3A_872, %sub3A_844 : vector<80x80xf32>
    %add3A_874 = arith.constant 0.251041859 : f32
    %add3A_875 = vector.broadcast %add3A_874 : f32 to vector<80x80xf32>
    %add3A_876 = arith.addf %mul3A_873, %add3A_875 : vector<80x80xf32>
    %mul3A_877 = arith.mulf %add3A_876, %sub3A_844 : vector<80x80xf32>
    %add3A_878 = arith.constant -5.48610624E-5 : f32
    %add3A_879 = vector.broadcast %add3A_878 : f32 to vector<80x80xf32>
    %add3A_880 = arith.addf %mul3A_877, %add3A_879 : vector<80x80xf32>
    %sub3A_881 = arith.subf %add3A_866, %add3A_880 : vector<80x80xf32>
    %mul3A_882 = arith.mulf %sub3A_849, %add3A_880 : vector<80x80xf32>
    %mul3A_883 = arith.mulf %sub3A_849, %sub3A_881 : vector<80x80xf32>
    %sub3A_884 = arith.subf %mul3A_882, %mul3A_883 : vector<80x80xf32>
    %add3A_885 = arith.addf %sub3A_884, %sub3A_881 : vector<80x80xf32>
    %sub3A_886 = arith.subf %add3A_880, %mul3A_882 : vector<80x80xf32>
    %eq3A_887 = arith.constant 0.000000e+00 : f32
    %eq3A_888 = vector.broadcast %eq3A_887 : f32 to vector<80x80xf32>
    %eq3A_889 = arith.cmpf oeq, %sub3A_850, %eq3A_888 : vector<80x80xf32>
    %eq3A_890 = arith.constant 1.000000e+00 : f32
    %eq3A_891 = vector.broadcast %eq3A_890 : f32 to vector<80x80xf32>
    %eq3A_892 = arith.cmpf oeq, %sub3A_850, %eq3A_891 : vector<80x80xf32>
    %eq3A_893 = arith.constant -1.000000e+00 : f32
    %eq3A_894 = vector.broadcast %eq3A_893 : f32 to vector<80x80xf32>
    %eq3A_895 = arith.cmpf oeq, %sub3A_850, %eq3A_894 : vector<80x80xf32>
    %jit3A_896 = arith.constant 0.000000e+00 : f32
    %broadcast_in_dim3A_897 = vector.broadcast %jit3A_896 : f32 to vector<80x80xf32>
    %select_n3A_898 = arith.select %eq3A_895, %sub3A_886, %broadcast_in_dim3A_897 : vector<80x80xi1>, vector<80x80xf32>
    %select_n3A_899 = arith.select %eq3A_892, %mul3A_883, %select_n3A_898 : vector<80x80xi1>, vector<80x80xf32>
    %select_n3A_900 = arith.select %eq3A_889, %add3A_885, %select_n3A_899 : vector<80x80xi1>, vector<80x80xf32>
    %sub3A_901 = arith.subf %add3A_860, %select_n3A_900 : vector<80x80xf32>
    %add3A_902 = arith.addf %add3A_827, %sub3A_901 : vector<80x80xf32>
    %get3A_903 = arith.constant 0 : index
    %get3A_904 = arith.constant 2 : index
    %get3A_905 = arith.constant 0 : index
    %get3A_906 = arith.constant 0 : index
    %get3A_907 = vector.load %arg3[%get3A_903, %get3A_904, %get3A_905, %get3A_906] : memref<2x3x80x80xf32, #tpu.memory_space<vmem>>, vector<1x1x80x80xf32>
    %get3A_908 = vector.shape_cast %get3A_907 : vector<1x1x80x80xf32> to vector<80x80xf32>
    %mul3A_909 = arith.mulf %add3A_902, %get3A_908 : vector<80x80xf32>
    %add3A_910 = arith.addf %add3A_603, %mul3A_909 : vector<80x80xf32>
    %get3A_911 = arith.constant 1 : index
    %get3A_912 = arith.constant 0 : index
    %get3A_913 = arith.constant 0 : index
    %get3A_914 = arith.constant 0 : index
    %get3A_915 = vector.load %arg1[%get3A_911, %get3A_912, %get3A_913, %get3A_914] : memref<2x12x80x80xf32, #tpu.memory_space<vmem>>, vector<1x1x80x80xf32>
    %get3A_916 = vector.shape_cast %get3A_915 : vector<1x1x80x80xf32> to vector<80x80xf32>
    %get3A_917 = arith.constant 1 : index
    %get3A_918 = arith.constant 0 : index
    %get3A_919 = arith.constant 0 : index
    %get3A_920 = arith.constant 0 : index
    %get3A_921 = vector.load %arg2[%get3A_917, %get3A_918, %get3A_919, %get3A_920] : memref<2x12x80x80xf32, #tpu.memory_space<vmem>>, vector<1x1x80x80xf32>
    %get3A_922 = vector.shape_cast %get3A_921 : vector<1x1x80x80xf32> to vector<80x80xf32>
    %mul3A_923 = arith.constant 1.500000e+01 : f32
    %mul3A_924 = vector.broadcast %mul3A_923 : f32 to vector<80x80xf32>
    %mul3A_925 = arith.mulf %get3A_916, %mul3A_924 : vector<80x80xf32>
    %floor3A_926 = math.floor %mul3A_925 : vector<80x80xf32>
    %sub3A_927 = arith.subf %mul3A_925, %floor3A_926 : vector<80x80xf32>
    %mul3A_928 = arith.constant 1.500000e+01 : f32
    %mul3A_929 = vector.broadcast %mul3A_928 : f32 to vector<80x80xf32>
    %mul3A_930 = arith.mulf %get3A_922, %mul3A_929 : vector<80x80xf32>
    %floor3A_931 = math.floor %mul3A_930 : vector<80x80xf32>
    %sub3A_932 = arith.subf %mul3A_930, %floor3A_931 : vector<80x80xf32>
    %sub3A_933 = arith.subf %floor3A_931, %floor3A_926 : vector<80x80xf32>
    %sub3A_934 = arith.constant 5.000000e-01 : f32
    %sub3A_935 = vector.broadcast %sub3A_934 : f32 to vector<80x80xf32>
    %sub3A_936 = arith.subf %sub3A_927, %sub3A_935 : vector<80x80xf32>
    %mul3A_937 = arith.mulf %sub3A_936, %sub3A_936 : vector<80x80xf32>
    %mul3A_938 = arith.constant -0.0240230989 : f32
    %mul3A_939 = vector.broadcast %mul3A_938 : f32 to vector<80x80xf32>
    %mul3A_940 = arith.mulf %mul3A_939, %mul3A_937 : vector<80x80xf32>
    %add3A_941 = arith.constant 15.2411489 : f32
    %add3A_942 = vector.broadcast %add3A_941 : f32 to vector<80x80xf32>
    %add3A_943 = arith.addf %mul3A_940, %add3A_942 : vector<80x80xf32>
    %mul3A_944 = arith.constant -0.055733446 : f32
    %mul3A_945 = vector.broadcast %mul3A_944 : f32 to vector<80x80xf32>
    %mul3A_946 = arith.mulf %mul3A_945, %mul3A_937 : vector<80x80xf32>
    %add3A_947 = arith.constant 0.244873464 : f32
    %add3A_948 = vector.broadcast %add3A_947 : f32 to vector<80x80xf32>
    %add3A_949 = arith.addf %mul3A_946, %add3A_948 : vector<80x80xf32>
    %mul3A_950 = arith.constant -0.0157493595 : f32
    %mul3A_951 = vector.broadcast %mul3A_950 : f32 to vector<80x80xf32>
    %mul3A_952 = arith.mulf %mul3A_951, %sub3A_927 : vector<80x80xf32>
    %add3A_953 = arith.constant -0.00424268609 : f32
    %add3A_954 = vector.broadcast %add3A_953 : f32 to vector<80x80xf32>
    %add3A_955 = arith.addf %mul3A_952, %add3A_954 : vector<80x80xf32>
    %mul3A_956 = arith.mulf %add3A_955, %sub3A_927 : vector<80x80xf32>
    %add3A_957 = arith.constant 0.251041859 : f32
    %add3A_958 = vector.broadcast %add3A_957 : f32 to vector<80x80xf32>
    %add3A_959 = arith.addf %mul3A_956, %add3A_958 : vector<80x80xf32>
    %mul3A_960 = arith.mulf %add3A_959, %sub3A_927 : vector<80x80xf32>
    %add3A_961 = arith.constant -5.48610624E-5 : f32
    %add3A_962 = vector.broadcast %add3A_961 : f32 to vector<80x80xf32>
    %add3A_963 = arith.addf %mul3A_960, %add3A_962 : vector<80x80xf32>
    %sub3A_964 = arith.subf %add3A_949, %add3A_963 : vector<80x80xf32>
    %mul3A_965 = arith.mulf %sub3A_932, %add3A_963 : vector<80x80xf32>
    %mul3A_966 = arith.mulf %sub3A_932, %sub3A_964 : vector<80x80xf32>
    %sub3A_967 = arith.subf %mul3A_965, %mul3A_966 : vector<80x80xf32>
    %add3A_968 = arith.addf %sub3A_967, %sub3A_964 : vector<80x80xf32>
    %sub3A_969 = arith.subf %add3A_963, %mul3A_965 : vector<80x80xf32>
    %eq3A_970 = arith.constant 0.000000e+00 : f32
    %eq3A_971 = vector.broadcast %eq3A_970 : f32 to vector<80x80xf32>
    %eq3A_972 = arith.cmpf oeq, %sub3A_933, %eq3A_971 : vector<80x80xf32>
    %eq3A_973 = arith.constant 1.000000e+00 : f32
    %eq3A_974 = vector.broadcast %eq3A_973 : f32 to vector<80x80xf32>
    %eq3A_975 = arith.cmpf oeq, %sub3A_933, %eq3A_974 : vector<80x80xf32>
    %eq3A_976 = arith.constant -1.000000e+00 : f32
    %eq3A_977 = vector.broadcast %eq3A_976 : f32 to vector<80x80xf32>
    %eq3A_978 = arith.cmpf oeq, %sub3A_933, %eq3A_977 : vector<80x80xf32>
    %jit3A_979 = arith.constant 0.000000e+00 : f32
    %broadcast_in_dim3A_980 = vector.broadcast %jit3A_979 : f32 to vector<80x80xf32>
    %select_n3A_981 = arith.select %eq3A_978, %sub3A_969, %broadcast_in_dim3A_980 : vector<80x80xi1>, vector<80x80xf32>
    %select_n3A_982 = arith.select %eq3A_975, %mul3A_966, %select_n3A_981 : vector<80x80xi1>, vector<80x80xf32>
    %select_n3A_983 = arith.select %eq3A_972, %add3A_968, %select_n3A_982 : vector<80x80xi1>, vector<80x80xf32>
    %sub3A_984 = arith.subf %add3A_943, %select_n3A_983 : vector<80x80xf32>
    %get3A_985 = arith.constant 1 : index
    %get3A_986 = arith.constant 1 : index
    %get3A_987 = arith.constant 0 : index
    %get3A_988 = arith.constant 0 : index
    %get3A_989 = vector.load %arg1[%get3A_985, %get3A_986, %get3A_987, %get3A_988] : memref<2x12x80x80xf32, #tpu.memory_space<vmem>>, vector<1x1x80x80xf32>
    %get3A_990 = vector.shape_cast %get3A_989 : vector<1x1x80x80xf32> to vector<80x80xf32>
    %get3A_991 = arith.constant 1 : index
    %get3A_992 = arith.constant 1 : index
    %get3A_993 = arith.constant 0 : index
    %get3A_994 = arith.constant 0 : index
    %get3A_995 = vector.load %arg2[%get3A_991, %get3A_992, %get3A_993, %get3A_994] : memref<2x12x80x80xf32, #tpu.memory_space<vmem>>, vector<1x1x80x80xf32>
    %get3A_996 = vector.shape_cast %get3A_995 : vector<1x1x80x80xf32> to vector<80x80xf32>
    %mul3A_997 = arith.constant 1.500000e+01 : f32
    %mul3A_998 = vector.broadcast %mul3A_997 : f32 to vector<80x80xf32>
    %mul3A_999 = arith.mulf %get3A_990, %mul3A_998 : vector<80x80xf32>
    %floor3A_1000 = math.floor %mul3A_999 : vector<80x80xf32>
    %sub3A_1001 = arith.subf %mul3A_999, %floor3A_1000 : vector<80x80xf32>
    %mul3A_1002 = arith.constant 1.500000e+01 : f32
    %mul3A_1003 = vector.broadcast %mul3A_1002 : f32 to vector<80x80xf32>
    %mul3A_1004 = arith.mulf %get3A_996, %mul3A_1003 : vector<80x80xf32>
    %floor3A_1005 = math.floor %mul3A_1004 : vector<80x80xf32>
    %sub3A_1006 = arith.subf %mul3A_1004, %floor3A_1005 : vector<80x80xf32>
    %sub3A_1007 = arith.subf %floor3A_1005, %floor3A_1000 : vector<80x80xf32>
    %sub3A_1008 = arith.constant 5.000000e-01 : f32
    %sub3A_1009 = vector.broadcast %sub3A_1008 : f32 to vector<80x80xf32>
    %sub3A_1010 = arith.subf %sub3A_1001, %sub3A_1009 : vector<80x80xf32>
    %mul3A_1011 = arith.mulf %sub3A_1010, %sub3A_1010 : vector<80x80xf32>
    %mul3A_1012 = arith.constant -0.0240230989 : f32
    %mul3A_1013 = vector.broadcast %mul3A_1012 : f32 to vector<80x80xf32>
    %mul3A_1014 = arith.mulf %mul3A_1013, %mul3A_1011 : vector<80x80xf32>
    %add3A_1015 = arith.constant 15.2411489 : f32
    %add3A_1016 = vector.broadcast %add3A_1015 : f32 to vector<80x80xf32>
    %add3A_1017 = arith.addf %mul3A_1014, %add3A_1016 : vector<80x80xf32>
    %mul3A_1018 = arith.constant -0.055733446 : f32
    %mul3A_1019 = vector.broadcast %mul3A_1018 : f32 to vector<80x80xf32>
    %mul3A_1020 = arith.mulf %mul3A_1019, %mul3A_1011 : vector<80x80xf32>
    %add3A_1021 = arith.constant 0.244873464 : f32
    %add3A_1022 = vector.broadcast %add3A_1021 : f32 to vector<80x80xf32>
    %add3A_1023 = arith.addf %mul3A_1020, %add3A_1022 : vector<80x80xf32>
    %mul3A_1024 = arith.constant -0.0157493595 : f32
    %mul3A_1025 = vector.broadcast %mul3A_1024 : f32 to vector<80x80xf32>
    %mul3A_1026 = arith.mulf %mul3A_1025, %sub3A_1001 : vector<80x80xf32>
    %add3A_1027 = arith.constant -0.00424268609 : f32
    %add3A_1028 = vector.broadcast %add3A_1027 : f32 to vector<80x80xf32>
    %add3A_1029 = arith.addf %mul3A_1026, %add3A_1028 : vector<80x80xf32>
    %mul3A_1030 = arith.mulf %add3A_1029, %sub3A_1001 : vector<80x80xf32>
    %add3A_1031 = arith.constant 0.251041859 : f32
    %add3A_1032 = vector.broadcast %add3A_1031 : f32 to vector<80x80xf32>
    %add3A_1033 = arith.addf %mul3A_1030, %add3A_1032 : vector<80x80xf32>
    %mul3A_1034 = arith.mulf %add3A_1033, %sub3A_1001 : vector<80x80xf32>
    %add3A_1035 = arith.constant -5.48610624E-5 : f32
    %add3A_1036 = vector.broadcast %add3A_1035 : f32 to vector<80x80xf32>
    %add3A_1037 = arith.addf %mul3A_1034, %add3A_1036 : vector<80x80xf32>
    %sub3A_1038 = arith.subf %add3A_1023, %add3A_1037 : vector<80x80xf32>
    %mul3A_1039 = arith.mulf %sub3A_1006, %add3A_1037 : vector<80x80xf32>
    %mul3A_1040 = arith.mulf %sub3A_1006, %sub3A_1038 : vector<80x80xf32>
    %sub3A_1041 = arith.subf %mul3A_1039, %mul3A_1040 : vector<80x80xf32>
    %add3A_1042 = arith.addf %sub3A_1041, %sub3A_1038 : vector<80x80xf32>
    %sub3A_1043 = arith.subf %add3A_1037, %mul3A_1039 : vector<80x80xf32>
    %eq3A_1044 = arith.constant 0.000000e+00 : f32
    %eq3A_1045 = vector.broadcast %eq3A_1044 : f32 to vector<80x80xf32>
    %eq3A_1046 = arith.cmpf oeq, %sub3A_1007, %eq3A_1045 : vector<80x80xf32>
    %eq3A_1047 = arith.constant 1.000000e+00 : f32
    %eq3A_1048 = vector.broadcast %eq3A_1047 : f32 to vector<80x80xf32>
    %eq3A_1049 = arith.cmpf oeq, %sub3A_1007, %eq3A_1048 : vector<80x80xf32>
    %eq3A_1050 = arith.constant -1.000000e+00 : f32
    %eq3A_1051 = vector.broadcast %eq3A_1050 : f32 to vector<80x80xf32>
    %eq3A_1052 = arith.cmpf oeq, %sub3A_1007, %eq3A_1051 : vector<80x80xf32>
    %jit3A_1053 = arith.constant 0.000000e+00 : f32
    %broadcast_in_dim3A_1054 = vector.broadcast %jit3A_1053 : f32 to vector<80x80xf32>
    %select_n3A_1055 = arith.select %eq3A_1052, %sub3A_1043, %broadcast_in_dim3A_1054 : vector<80x80xi1>, vector<80x80xf32>
    %select_n3A_1056 = arith.select %eq3A_1049, %mul3A_1040, %select_n3A_1055 : vector<80x80xi1>, vector<80x80xf32>
    %select_n3A_1057 = arith.select %eq3A_1046, %add3A_1042, %select_n3A_1056 : vector<80x80xi1>, vector<80x80xf32>
    %sub3A_1058 = arith.subf %add3A_1017, %select_n3A_1057 : vector<80x80xf32>
    %add3A_1059 = arith.addf %sub3A_984, %sub3A_1058 : vector<80x80xf32>
    %get3A_1060 = arith.constant 1 : index
    %get3A_1061 = arith.constant 2 : index
    %get3A_1062 = arith.constant 0 : index
    %get3A_1063 = arith.constant 0 : index
    %get3A_1064 = vector.load %arg1[%get3A_1060, %get3A_1061, %get3A_1062, %get3A_1063] : memref<2x12x80x80xf32, #tpu.memory_space<vmem>>, vector<1x1x80x80xf32>
    %get3A_1065 = vector.shape_cast %get3A_1064 : vector<1x1x80x80xf32> to vector<80x80xf32>
    %get3A_1066 = arith.constant 1 : index
    %get3A_1067 = arith.constant 2 : index
    %get3A_1068 = arith.constant 0 : index
    %get3A_1069 = arith.constant 0 : index
    %get3A_1070 = vector.load %arg2[%get3A_1066, %get3A_1067, %get3A_1068, %get3A_1069] : memref<2x12x80x80xf32, #tpu.memory_space<vmem>>, vector<1x1x80x80xf32>
    %get3A_1071 = vector.shape_cast %get3A_1070 : vector<1x1x80x80xf32> to vector<80x80xf32>
    %mul3A_1072 = arith.constant 1.500000e+01 : f32
    %mul3A_1073 = vector.broadcast %mul3A_1072 : f32 to vector<80x80xf32>
    %mul3A_1074 = arith.mulf %get3A_1065, %mul3A_1073 : vector<80x80xf32>
    %floor3A_1075 = math.floor %mul3A_1074 : vector<80x80xf32>
    %sub3A_1076 = arith.subf %mul3A_1074, %floor3A_1075 : vector<80x80xf32>
    %mul3A_1077 = arith.constant 1.500000e+01 : f32
    %mul3A_1078 = vector.broadcast %mul3A_1077 : f32 to vector<80x80xf32>
    %mul3A_1079 = arith.mulf %get3A_1071, %mul3A_1078 : vector<80x80xf32>
    %floor3A_1080 = math.floor %mul3A_1079 : vector<80x80xf32>
    %sub3A_1081 = arith.subf %mul3A_1079, %floor3A_1080 : vector<80x80xf32>
    %sub3A_1082 = arith.subf %floor3A_1080, %floor3A_1075 : vector<80x80xf32>
    %sub3A_1083 = arith.constant 5.000000e-01 : f32
    %sub3A_1084 = vector.broadcast %sub3A_1083 : f32 to vector<80x80xf32>
    %sub3A_1085 = arith.subf %sub3A_1076, %sub3A_1084 : vector<80x80xf32>
    %mul3A_1086 = arith.mulf %sub3A_1085, %sub3A_1085 : vector<80x80xf32>
    %mul3A_1087 = arith.constant -0.0240230989 : f32
    %mul3A_1088 = vector.broadcast %mul3A_1087 : f32 to vector<80x80xf32>
    %mul3A_1089 = arith.mulf %mul3A_1088, %mul3A_1086 : vector<80x80xf32>
    %add3A_1090 = arith.constant 15.2411489 : f32
    %add3A_1091 = vector.broadcast %add3A_1090 : f32 to vector<80x80xf32>
    %add3A_1092 = arith.addf %mul3A_1089, %add3A_1091 : vector<80x80xf32>
    %mul3A_1093 = arith.constant -0.055733446 : f32
    %mul3A_1094 = vector.broadcast %mul3A_1093 : f32 to vector<80x80xf32>
    %mul3A_1095 = arith.mulf %mul3A_1094, %mul3A_1086 : vector<80x80xf32>
    %add3A_1096 = arith.constant 0.244873464 : f32
    %add3A_1097 = vector.broadcast %add3A_1096 : f32 to vector<80x80xf32>
    %add3A_1098 = arith.addf %mul3A_1095, %add3A_1097 : vector<80x80xf32>
    %mul3A_1099 = arith.constant -0.0157493595 : f32
    %mul3A_1100 = vector.broadcast %mul3A_1099 : f32 to vector<80x80xf32>
    %mul3A_1101 = arith.mulf %mul3A_1100, %sub3A_1076 : vector<80x80xf32>
    %add3A_1102 = arith.constant -0.00424268609 : f32
    %add3A_1103 = vector.broadcast %add3A_1102 : f32 to vector<80x80xf32>
    %add3A_1104 = arith.addf %mul3A_1101, %add3A_1103 : vector<80x80xf32>
    %mul3A_1105 = arith.mulf %add3A_1104, %sub3A_1076 : vector<80x80xf32>
    %add3A_1106 = arith.constant 0.251041859 : f32
    %add3A_1107 = vector.broadcast %add3A_1106 : f32 to vector<80x80xf32>
    %add3A_1108 = arith.addf %mul3A_1105, %add3A_1107 : vector<80x80xf32>
    %mul3A_1109 = arith.mulf %add3A_1108, %sub3A_1076 : vector<80x80xf32>
    %add3A_1110 = arith.constant -5.48610624E-5 : f32
    %add3A_1111 = vector.broadcast %add3A_1110 : f32 to vector<80x80xf32>
    %add3A_1112 = arith.addf %mul3A_1109, %add3A_1111 : vector<80x80xf32>
    %sub3A_1113 = arith.subf %add3A_1098, %add3A_1112 : vector<80x80xf32>
    %mul3A_1114 = arith.mulf %sub3A_1081, %add3A_1112 : vector<80x80xf32>
    %mul3A_1115 = arith.mulf %sub3A_1081, %sub3A_1113 : vector<80x80xf32>
    %sub3A_1116 = arith.subf %mul3A_1114, %mul3A_1115 : vector<80x80xf32>
    %add3A_1117 = arith.addf %sub3A_1116, %sub3A_1113 : vector<80x80xf32>
    %sub3A_1118 = arith.subf %add3A_1112, %mul3A_1114 : vector<80x80xf32>
    %eq3A_1119 = arith.constant 0.000000e+00 : f32
    %eq3A_1120 = vector.broadcast %eq3A_1119 : f32 to vector<80x80xf32>
    %eq3A_1121 = arith.cmpf oeq, %sub3A_1082, %eq3A_1120 : vector<80x80xf32>
    %eq3A_1122 = arith.constant 1.000000e+00 : f32
    %eq3A_1123 = vector.broadcast %eq3A_1122 : f32 to vector<80x80xf32>
    %eq3A_1124 = arith.cmpf oeq, %sub3A_1082, %eq3A_1123 : vector<80x80xf32>
    %eq3A_1125 = arith.constant -1.000000e+00 : f32
    %eq3A_1126 = vector.broadcast %eq3A_1125 : f32 to vector<80x80xf32>
    %eq3A_1127 = arith.cmpf oeq, %sub3A_1082, %eq3A_1126 : vector<80x80xf32>
    %jit3A_1128 = arith.constant 0.000000e+00 : f32
    %broadcast_in_dim3A_1129 = vector.broadcast %jit3A_1128 : f32 to vector<80x80xf32>
    %select_n3A_1130 = arith.select %eq3A_1127, %sub3A_1118, %broadcast_in_dim3A_1129 : vector<80x80xi1>, vector<80x80xf32>
    %select_n3A_1131 = arith.select %eq3A_1124, %mul3A_1115, %select_n3A_1130 : vector<80x80xi1>, vector<80x80xf32>
    %select_n3A_1132 = arith.select %eq3A_1121, %add3A_1117, %select_n3A_1131 : vector<80x80xi1>, vector<80x80xf32>
    %sub3A_1133 = arith.subf %add3A_1092, %select_n3A_1132 : vector<80x80xf32>
    %add3A_1134 = arith.addf %add3A_1059, %sub3A_1133 : vector<80x80xf32>
    %get3A_1135 = arith.constant 1 : index
    %get3A_1136 = arith.constant 3 : index
    %get3A_1137 = arith.constant 0 : index
    %get3A_1138 = arith.constant 0 : index
    %get3A_1139 = vector.load %arg1[%get3A_1135, %get3A_1136, %get3A_1137, %get3A_1138] : memref<2x12x80x80xf32, #tpu.memory_space<vmem>>, vector<1x1x80x80xf32>
    %get3A_1140 = vector.shape_cast %get3A_1139 : vector<1x1x80x80xf32> to vector<80x80xf32>
    %get3A_1141 = arith.constant 1 : index
    %get3A_1142 = arith.constant 3 : index
    %get3A_1143 = arith.constant 0 : index
    %get3A_1144 = arith.constant 0 : index
    %get3A_1145 = vector.load %arg2[%get3A_1141, %get3A_1142, %get3A_1143, %get3A_1144] : memref<2x12x80x80xf32, #tpu.memory_space<vmem>>, vector<1x1x80x80xf32>
    %get3A_1146 = vector.shape_cast %get3A_1145 : vector<1x1x80x80xf32> to vector<80x80xf32>
    %mul3A_1147 = arith.constant 1.500000e+01 : f32
    %mul3A_1148 = vector.broadcast %mul3A_1147 : f32 to vector<80x80xf32>
    %mul3A_1149 = arith.mulf %get3A_1140, %mul3A_1148 : vector<80x80xf32>
    %floor3A_1150 = math.floor %mul3A_1149 : vector<80x80xf32>
    %sub3A_1151 = arith.subf %mul3A_1149, %floor3A_1150 : vector<80x80xf32>
    %mul3A_1152 = arith.constant 1.500000e+01 : f32
    %mul3A_1153 = vector.broadcast %mul3A_1152 : f32 to vector<80x80xf32>
    %mul3A_1154 = arith.mulf %get3A_1146, %mul3A_1153 : vector<80x80xf32>
    %floor3A_1155 = math.floor %mul3A_1154 : vector<80x80xf32>
    %sub3A_1156 = arith.subf %mul3A_1154, %floor3A_1155 : vector<80x80xf32>
    %sub3A_1157 = arith.subf %floor3A_1155, %floor3A_1150 : vector<80x80xf32>
    %sub3A_1158 = arith.constant 5.000000e-01 : f32
    %sub3A_1159 = vector.broadcast %sub3A_1158 : f32 to vector<80x80xf32>
    %sub3A_1160 = arith.subf %sub3A_1151, %sub3A_1159 : vector<80x80xf32>
    %mul3A_1161 = arith.mulf %sub3A_1160, %sub3A_1160 : vector<80x80xf32>
    %mul3A_1162 = arith.constant -0.0240230989 : f32
    %mul3A_1163 = vector.broadcast %mul3A_1162 : f32 to vector<80x80xf32>
    %mul3A_1164 = arith.mulf %mul3A_1163, %mul3A_1161 : vector<80x80xf32>
    %add3A_1165 = arith.constant 15.2411489 : f32
    %add3A_1166 = vector.broadcast %add3A_1165 : f32 to vector<80x80xf32>
    %add3A_1167 = arith.addf %mul3A_1164, %add3A_1166 : vector<80x80xf32>
    %mul3A_1168 = arith.constant -0.055733446 : f32
    %mul3A_1169 = vector.broadcast %mul3A_1168 : f32 to vector<80x80xf32>
    %mul3A_1170 = arith.mulf %mul3A_1169, %mul3A_1161 : vector<80x80xf32>
    %add3A_1171 = arith.constant 0.244873464 : f32
    %add3A_1172 = vector.broadcast %add3A_1171 : f32 to vector<80x80xf32>
    %add3A_1173 = arith.addf %mul3A_1170, %add3A_1172 : vector<80x80xf32>
    %mul3A_1174 = arith.constant -0.0157493595 : f32
    %mul3A_1175 = vector.broadcast %mul3A_1174 : f32 to vector<80x80xf32>
    %mul3A_1176 = arith.mulf %mul3A_1175, %sub3A_1151 : vector<80x80xf32>
    %add3A_1177 = arith.constant -0.00424268609 : f32
    %add3A_1178 = vector.broadcast %add3A_1177 : f32 to vector<80x80xf32>
    %add3A_1179 = arith.addf %mul3A_1176, %add3A_1178 : vector<80x80xf32>
    %mul3A_1180 = arith.mulf %add3A_1179, %sub3A_1151 : vector<80x80xf32>
    %add3A_1181 = arith.constant 0.251041859 : f32
    %add3A_1182 = vector.broadcast %add3A_1181 : f32 to vector<80x80xf32>
    %add3A_1183 = arith.addf %mul3A_1180, %add3A_1182 : vector<80x80xf32>
    %mul3A_1184 = arith.mulf %add3A_1183, %sub3A_1151 : vector<80x80xf32>
    %add3A_1185 = arith.constant -5.48610624E-5 : f32
    %add3A_1186 = vector.broadcast %add3A_1185 : f32 to vector<80x80xf32>
    %add3A_1187 = arith.addf %mul3A_1184, %add3A_1186 : vector<80x80xf32>
    %sub3A_1188 = arith.subf %add3A_1173, %add3A_1187 : vector<80x80xf32>
    %mul3A_1189 = arith.mulf %sub3A_1156, %add3A_1187 : vector<80x80xf32>
    %mul3A_1190 = arith.mulf %sub3A_1156, %sub3A_1188 : vector<80x80xf32>
    %sub3A_1191 = arith.subf %mul3A_1189, %mul3A_1190 : vector<80x80xf32>
    %add3A_1192 = arith.addf %sub3A_1191, %sub3A_1188 : vector<80x80xf32>
    %sub3A_1193 = arith.subf %add3A_1187, %mul3A_1189 : vector<80x80xf32>
    %eq3A_1194 = arith.constant 0.000000e+00 : f32
    %eq3A_1195 = vector.broadcast %eq3A_1194 : f32 to vector<80x80xf32>
    %eq3A_1196 = arith.cmpf oeq, %sub3A_1157, %eq3A_1195 : vector<80x80xf32>
    %eq3A_1197 = arith.constant 1.000000e+00 : f32
    %eq3A_1198 = vector.broadcast %eq3A_1197 : f32 to vector<80x80xf32>
    %eq3A_1199 = arith.cmpf oeq, %sub3A_1157, %eq3A_1198 : vector<80x80xf32>
    %eq3A_1200 = arith.constant -1.000000e+00 : f32
    %eq3A_1201 = vector.broadcast %eq3A_1200 : f32 to vector<80x80xf32>
    %eq3A_1202 = arith.cmpf oeq, %sub3A_1157, %eq3A_1201 : vector<80x80xf32>
    %jit3A_1203 = arith.constant 0.000000e+00 : f32
    %broadcast_in_dim3A_1204 = vector.broadcast %jit3A_1203 : f32 to vector<80x80xf32>
    %select_n3A_1205 = arith.select %eq3A_1202, %sub3A_1193, %broadcast_in_dim3A_1204 : vector<80x80xi1>, vector<80x80xf32>
    %select_n3A_1206 = arith.select %eq3A_1199, %mul3A_1190, %select_n3A_1205 : vector<80x80xi1>, vector<80x80xf32>
    %select_n3A_1207 = arith.select %eq3A_1196, %add3A_1192, %select_n3A_1206 : vector<80x80xi1>, vector<80x80xf32>
    %sub3A_1208 = arith.subf %add3A_1167, %select_n3A_1207 : vector<80x80xf32>
    %add3A_1209 = arith.addf %add3A_1134, %sub3A_1208 : vector<80x80xf32>
    %get3A_1210 = arith.constant 1 : index
    %get3A_1211 = arith.constant 0 : index
    %get3A_1212 = arith.constant 0 : index
    %get3A_1213 = arith.constant 0 : index
    %get3A_1214 = vector.load %arg3[%get3A_1210, %get3A_1211, %get3A_1212, %get3A_1213] : memref<2x3x80x80xf32, #tpu.memory_space<vmem>>, vector<1x1x80x80xf32>
    %get3A_1215 = vector.shape_cast %get3A_1214 : vector<1x1x80x80xf32> to vector<80x80xf32>
    %mul3A_1216 = arith.mulf %add3A_1209, %get3A_1215 : vector<80x80xf32>
    %add3A_1217 = arith.addf %add3A_910, %mul3A_1216 : vector<80x80xf32>
    %get3A_1218 = arith.constant 1 : index
    %get3A_1219 = arith.constant 4 : index
    %get3A_1220 = arith.constant 0 : index
    %get3A_1221 = arith.constant 0 : index
    %get3A_1222 = vector.load %arg1[%get3A_1218, %get3A_1219, %get3A_1220, %get3A_1221] : memref<2x12x80x80xf32, #tpu.memory_space<vmem>>, vector<1x1x80x80xf32>
    %get3A_1223 = vector.shape_cast %get3A_1222 : vector<1x1x80x80xf32> to vector<80x80xf32>
    %get3A_1224 = arith.constant 1 : index
    %get3A_1225 = arith.constant 4 : index
    %get3A_1226 = arith.constant 0 : index
    %get3A_1227 = arith.constant 0 : index
    %get3A_1228 = vector.load %arg2[%get3A_1224, %get3A_1225, %get3A_1226, %get3A_1227] : memref<2x12x80x80xf32, #tpu.memory_space<vmem>>, vector<1x1x80x80xf32>
    %get3A_1229 = vector.shape_cast %get3A_1228 : vector<1x1x80x80xf32> to vector<80x80xf32>
    %mul3A_1230 = arith.constant 1.500000e+01 : f32
    %mul3A_1231 = vector.broadcast %mul3A_1230 : f32 to vector<80x80xf32>
    %mul3A_1232 = arith.mulf %get3A_1223, %mul3A_1231 : vector<80x80xf32>
    %floor3A_1233 = math.floor %mul3A_1232 : vector<80x80xf32>
    %sub3A_1234 = arith.subf %mul3A_1232, %floor3A_1233 : vector<80x80xf32>
    %mul3A_1235 = arith.constant 1.500000e+01 : f32
    %mul3A_1236 = vector.broadcast %mul3A_1235 : f32 to vector<80x80xf32>
    %mul3A_1237 = arith.mulf %get3A_1229, %mul3A_1236 : vector<80x80xf32>
    %floor3A_1238 = math.floor %mul3A_1237 : vector<80x80xf32>
    %sub3A_1239 = arith.subf %mul3A_1237, %floor3A_1238 : vector<80x80xf32>
    %sub3A_1240 = arith.subf %floor3A_1238, %floor3A_1233 : vector<80x80xf32>
    %sub3A_1241 = arith.constant 5.000000e-01 : f32
    %sub3A_1242 = vector.broadcast %sub3A_1241 : f32 to vector<80x80xf32>
    %sub3A_1243 = arith.subf %sub3A_1234, %sub3A_1242 : vector<80x80xf32>
    %mul3A_1244 = arith.mulf %sub3A_1243, %sub3A_1243 : vector<80x80xf32>
    %mul3A_1245 = arith.constant -0.0240230989 : f32
    %mul3A_1246 = vector.broadcast %mul3A_1245 : f32 to vector<80x80xf32>
    %mul3A_1247 = arith.mulf %mul3A_1246, %mul3A_1244 : vector<80x80xf32>
    %add3A_1248 = arith.constant 15.2411489 : f32
    %add3A_1249 = vector.broadcast %add3A_1248 : f32 to vector<80x80xf32>
    %add3A_1250 = arith.addf %mul3A_1247, %add3A_1249 : vector<80x80xf32>
    %mul3A_1251 = arith.constant -0.055733446 : f32
    %mul3A_1252 = vector.broadcast %mul3A_1251 : f32 to vector<80x80xf32>
    %mul3A_1253 = arith.mulf %mul3A_1252, %mul3A_1244 : vector<80x80xf32>
    %add3A_1254 = arith.constant 0.244873464 : f32
    %add3A_1255 = vector.broadcast %add3A_1254 : f32 to vector<80x80xf32>
    %add3A_1256 = arith.addf %mul3A_1253, %add3A_1255 : vector<80x80xf32>
    %mul3A_1257 = arith.constant -0.0157493595 : f32
    %mul3A_1258 = vector.broadcast %mul3A_1257 : f32 to vector<80x80xf32>
    %mul3A_1259 = arith.mulf %mul3A_1258, %sub3A_1234 : vector<80x80xf32>
    %add3A_1260 = arith.constant -0.00424268609 : f32
    %add3A_1261 = vector.broadcast %add3A_1260 : f32 to vector<80x80xf32>
    %add3A_1262 = arith.addf %mul3A_1259, %add3A_1261 : vector<80x80xf32>
    %mul3A_1263 = arith.mulf %add3A_1262, %sub3A_1234 : vector<80x80xf32>
    %add3A_1264 = arith.constant 0.251041859 : f32
    %add3A_1265 = vector.broadcast %add3A_1264 : f32 to vector<80x80xf32>
    %add3A_1266 = arith.addf %mul3A_1263, %add3A_1265 : vector<80x80xf32>
    %mul3A_1267 = arith.mulf %add3A_1266, %sub3A_1234 : vector<80x80xf32>
    %add3A_1268 = arith.constant -5.48610624E-5 : f32
    %add3A_1269 = vector.broadcast %add3A_1268 : f32 to vector<80x80xf32>
    %add3A_1270 = arith.addf %mul3A_1267, %add3A_1269 : vector<80x80xf32>
    %sub3A_1271 = arith.subf %add3A_1256, %add3A_1270 : vector<80x80xf32>
    %mul3A_1272 = arith.mulf %sub3A_1239, %add3A_1270 : vector<80x80xf32>
    %mul3A_1273 = arith.mulf %sub3A_1239, %sub3A_1271 : vector<80x80xf32>
    %sub3A_1274 = arith.subf %mul3A_1272, %mul3A_1273 : vector<80x80xf32>
    %add3A_1275 = arith.addf %sub3A_1274, %sub3A_1271 : vector<80x80xf32>
    %sub3A_1276 = arith.subf %add3A_1270, %mul3A_1272 : vector<80x80xf32>
    %eq3A_1277 = arith.constant 0.000000e+00 : f32
    %eq3A_1278 = vector.broadcast %eq3A_1277 : f32 to vector<80x80xf32>
    %eq3A_1279 = arith.cmpf oeq, %sub3A_1240, %eq3A_1278 : vector<80x80xf32>
    %eq3A_1280 = arith.constant 1.000000e+00 : f32
    %eq3A_1281 = vector.broadcast %eq3A_1280 : f32 to vector<80x80xf32>
    %eq3A_1282 = arith.cmpf oeq, %sub3A_1240, %eq3A_1281 : vector<80x80xf32>
    %eq3A_1283 = arith.constant -1.000000e+00 : f32
    %eq3A_1284 = vector.broadcast %eq3A_1283 : f32 to vector<80x80xf32>
    %eq3A_1285 = arith.cmpf oeq, %sub3A_1240, %eq3A_1284 : vector<80x80xf32>
    %jit3A_1286 = arith.constant 0.000000e+00 : f32
    %broadcast_in_dim3A_1287 = vector.broadcast %jit3A_1286 : f32 to vector<80x80xf32>
    %select_n3A_1288 = arith.select %eq3A_1285, %sub3A_1276, %broadcast_in_dim3A_1287 : vector<80x80xi1>, vector<80x80xf32>
    %select_n3A_1289 = arith.select %eq3A_1282, %mul3A_1273, %select_n3A_1288 : vector<80x80xi1>, vector<80x80xf32>
    %select_n3A_1290 = arith.select %eq3A_1279, %add3A_1275, %select_n3A_1289 : vector<80x80xi1>, vector<80x80xf32>
    %sub3A_1291 = arith.subf %add3A_1250, %select_n3A_1290 : vector<80x80xf32>
    %get3A_1292 = arith.constant 1 : index
    %get3A_1293 = arith.constant 5 : index
    %get3A_1294 = arith.constant 0 : index
    %get3A_1295 = arith.constant 0 : index
    %get3A_1296 = vector.load %arg1[%get3A_1292, %get3A_1293, %get3A_1294, %get3A_1295] : memref<2x12x80x80xf32, #tpu.memory_space<vmem>>, vector<1x1x80x80xf32>
    %get3A_1297 = vector.shape_cast %get3A_1296 : vector<1x1x80x80xf32> to vector<80x80xf32>
    %get3A_1298 = arith.constant 1 : index
    %get3A_1299 = arith.constant 5 : index
    %get3A_1300 = arith.constant 0 : index
    %get3A_1301 = arith.constant 0 : index
    %get3A_1302 = vector.load %arg2[%get3A_1298, %get3A_1299, %get3A_1300, %get3A_1301] : memref<2x12x80x80xf32, #tpu.memory_space<vmem>>, vector<1x1x80x80xf32>
    %get3A_1303 = vector.shape_cast %get3A_1302 : vector<1x1x80x80xf32> to vector<80x80xf32>
    %mul3A_1304 = arith.constant 1.500000e+01 : f32
    %mul3A_1305 = vector.broadcast %mul3A_1304 : f32 to vector<80x80xf32>
    %mul3A_1306 = arith.mulf %get3A_1297, %mul3A_1305 : vector<80x80xf32>
    %floor3A_1307 = math.floor %mul3A_1306 : vector<80x80xf32>
    %sub3A_1308 = arith.subf %mul3A_1306, %floor3A_1307 : vector<80x80xf32>
    %mul3A_1309 = arith.constant 1.500000e+01 : f32
    %mul3A_1310 = vector.broadcast %mul3A_1309 : f32 to vector<80x80xf32>
    %mul3A_1311 = arith.mulf %get3A_1303, %mul3A_1310 : vector<80x80xf32>
    %floor3A_1312 = math.floor %mul3A_1311 : vector<80x80xf32>
    %sub3A_1313 = arith.subf %mul3A_1311, %floor3A_1312 : vector<80x80xf32>
    %sub3A_1314 = arith.subf %floor3A_1312, %floor3A_1307 : vector<80x80xf32>
    %sub3A_1315 = arith.constant 5.000000e-01 : f32
    %sub3A_1316 = vector.broadcast %sub3A_1315 : f32 to vector<80x80xf32>
    %sub3A_1317 = arith.subf %sub3A_1308, %sub3A_1316 : vector<80x80xf32>
    %mul3A_1318 = arith.mulf %sub3A_1317, %sub3A_1317 : vector<80x80xf32>
    %mul3A_1319 = arith.constant -0.0240230989 : f32
    %mul3A_1320 = vector.broadcast %mul3A_1319 : f32 to vector<80x80xf32>
    %mul3A_1321 = arith.mulf %mul3A_1320, %mul3A_1318 : vector<80x80xf32>
    %add3A_1322 = arith.constant 15.2411489 : f32
    %add3A_1323 = vector.broadcast %add3A_1322 : f32 to vector<80x80xf32>
    %add3A_1324 = arith.addf %mul3A_1321, %add3A_1323 : vector<80x80xf32>
    %mul3A_1325 = arith.constant -0.055733446 : f32
    %mul3A_1326 = vector.broadcast %mul3A_1325 : f32 to vector<80x80xf32>
    %mul3A_1327 = arith.mulf %mul3A_1326, %mul3A_1318 : vector<80x80xf32>
    %add3A_1328 = arith.constant 0.244873464 : f32
    %add3A_1329 = vector.broadcast %add3A_1328 : f32 to vector<80x80xf32>
    %add3A_1330 = arith.addf %mul3A_1327, %add3A_1329 : vector<80x80xf32>
    %mul3A_1331 = arith.constant -0.0157493595 : f32
    %mul3A_1332 = vector.broadcast %mul3A_1331 : f32 to vector<80x80xf32>
    %mul3A_1333 = arith.mulf %mul3A_1332, %sub3A_1308 : vector<80x80xf32>
    %add3A_1334 = arith.constant -0.00424268609 : f32
    %add3A_1335 = vector.broadcast %add3A_1334 : f32 to vector<80x80xf32>
    %add3A_1336 = arith.addf %mul3A_1333, %add3A_1335 : vector<80x80xf32>
    %mul3A_1337 = arith.mulf %add3A_1336, %sub3A_1308 : vector<80x80xf32>
    %add3A_1338 = arith.constant 0.251041859 : f32
    %add3A_1339 = vector.broadcast %add3A_1338 : f32 to vector<80x80xf32>
    %add3A_1340 = arith.addf %mul3A_1337, %add3A_1339 : vector<80x80xf32>
    %mul3A_1341 = arith.mulf %add3A_1340, %sub3A_1308 : vector<80x80xf32>
    %add3A_1342 = arith.constant -5.48610624E-5 : f32
    %add3A_1343 = vector.broadcast %add3A_1342 : f32 to vector<80x80xf32>
    %add3A_1344 = arith.addf %mul3A_1341, %add3A_1343 : vector<80x80xf32>
    %sub3A_1345 = arith.subf %add3A_1330, %add3A_1344 : vector<80x80xf32>
    %mul3A_1346 = arith.mulf %sub3A_1313, %add3A_1344 : vector<80x80xf32>
    %mul3A_1347 = arith.mulf %sub3A_1313, %sub3A_1345 : vector<80x80xf32>
    %sub3A_1348 = arith.subf %mul3A_1346, %mul3A_1347 : vector<80x80xf32>
    %add3A_1349 = arith.addf %sub3A_1348, %sub3A_1345 : vector<80x80xf32>
    %sub3A_1350 = arith.subf %add3A_1344, %mul3A_1346 : vector<80x80xf32>
    %eq3A_1351 = arith.constant 0.000000e+00 : f32
    %eq3A_1352 = vector.broadcast %eq3A_1351 : f32 to vector<80x80xf32>
    %eq3A_1353 = arith.cmpf oeq, %sub3A_1314, %eq3A_1352 : vector<80x80xf32>
    %eq3A_1354 = arith.constant 1.000000e+00 : f32
    %eq3A_1355 = vector.broadcast %eq3A_1354 : f32 to vector<80x80xf32>
    %eq3A_1356 = arith.cmpf oeq, %sub3A_1314, %eq3A_1355 : vector<80x80xf32>
    %eq3A_1357 = arith.constant -1.000000e+00 : f32
    %eq3A_1358 = vector.broadcast %eq3A_1357 : f32 to vector<80x80xf32>
    %eq3A_1359 = arith.cmpf oeq, %sub3A_1314, %eq3A_1358 : vector<80x80xf32>
    %jit3A_1360 = arith.constant 0.000000e+00 : f32
    %broadcast_in_dim3A_1361 = vector.broadcast %jit3A_1360 : f32 to vector<80x80xf32>
    %select_n3A_1362 = arith.select %eq3A_1359, %sub3A_1350, %broadcast_in_dim3A_1361 : vector<80x80xi1>, vector<80x80xf32>
    %select_n3A_1363 = arith.select %eq3A_1356, %mul3A_1347, %select_n3A_1362 : vector<80x80xi1>, vector<80x80xf32>
    %select_n3A_1364 = arith.select %eq3A_1353, %add3A_1349, %select_n3A_1363 : vector<80x80xi1>, vector<80x80xf32>
    %sub3A_1365 = arith.subf %add3A_1324, %select_n3A_1364 : vector<80x80xf32>
    %add3A_1366 = arith.addf %sub3A_1291, %sub3A_1365 : vector<80x80xf32>
    %get3A_1367 = arith.constant 1 : index
    %get3A_1368 = arith.constant 6 : index
    %get3A_1369 = arith.constant 0 : index
    %get3A_1370 = arith.constant 0 : index
    %get3A_1371 = vector.load %arg1[%get3A_1367, %get3A_1368, %get3A_1369, %get3A_1370] : memref<2x12x80x80xf32, #tpu.memory_space<vmem>>, vector<1x1x80x80xf32>
    %get3A_1372 = vector.shape_cast %get3A_1371 : vector<1x1x80x80xf32> to vector<80x80xf32>
    %get3A_1373 = arith.constant 1 : index
    %get3A_1374 = arith.constant 6 : index
    %get3A_1375 = arith.constant 0 : index
    %get3A_1376 = arith.constant 0 : index
    %get3A_1377 = vector.load %arg2[%get3A_1373, %get3A_1374, %get3A_1375, %get3A_1376] : memref<2x12x80x80xf32, #tpu.memory_space<vmem>>, vector<1x1x80x80xf32>
    %get3A_1378 = vector.shape_cast %get3A_1377 : vector<1x1x80x80xf32> to vector<80x80xf32>
    %mul3A_1379 = arith.constant 1.500000e+01 : f32
    %mul3A_1380 = vector.broadcast %mul3A_1379 : f32 to vector<80x80xf32>
    %mul3A_1381 = arith.mulf %get3A_1372, %mul3A_1380 : vector<80x80xf32>
    %floor3A_1382 = math.floor %mul3A_1381 : vector<80x80xf32>
    %sub3A_1383 = arith.subf %mul3A_1381, %floor3A_1382 : vector<80x80xf32>
    %mul3A_1384 = arith.constant 1.500000e+01 : f32
    %mul3A_1385 = vector.broadcast %mul3A_1384 : f32 to vector<80x80xf32>
    %mul3A_1386 = arith.mulf %get3A_1378, %mul3A_1385 : vector<80x80xf32>
    %floor3A_1387 = math.floor %mul3A_1386 : vector<80x80xf32>
    %sub3A_1388 = arith.subf %mul3A_1386, %floor3A_1387 : vector<80x80xf32>
    %sub3A_1389 = arith.subf %floor3A_1387, %floor3A_1382 : vector<80x80xf32>
    %sub3A_1390 = arith.constant 5.000000e-01 : f32
    %sub3A_1391 = vector.broadcast %sub3A_1390 : f32 to vector<80x80xf32>
    %sub3A_1392 = arith.subf %sub3A_1383, %sub3A_1391 : vector<80x80xf32>
    %mul3A_1393 = arith.mulf %sub3A_1392, %sub3A_1392 : vector<80x80xf32>
    %mul3A_1394 = arith.constant -0.0240230989 : f32
    %mul3A_1395 = vector.broadcast %mul3A_1394 : f32 to vector<80x80xf32>
    %mul3A_1396 = arith.mulf %mul3A_1395, %mul3A_1393 : vector<80x80xf32>
    %add3A_1397 = arith.constant 15.2411489 : f32
    %add3A_1398 = vector.broadcast %add3A_1397 : f32 to vector<80x80xf32>
    %add3A_1399 = arith.addf %mul3A_1396, %add3A_1398 : vector<80x80xf32>
    %mul3A_1400 = arith.constant -0.055733446 : f32
    %mul3A_1401 = vector.broadcast %mul3A_1400 : f32 to vector<80x80xf32>
    %mul3A_1402 = arith.mulf %mul3A_1401, %mul3A_1393 : vector<80x80xf32>
    %add3A_1403 = arith.constant 0.244873464 : f32
    %add3A_1404 = vector.broadcast %add3A_1403 : f32 to vector<80x80xf32>
    %add3A_1405 = arith.addf %mul3A_1402, %add3A_1404 : vector<80x80xf32>
    %mul3A_1406 = arith.constant -0.0157493595 : f32
    %mul3A_1407 = vector.broadcast %mul3A_1406 : f32 to vector<80x80xf32>
    %mul3A_1408 = arith.mulf %mul3A_1407, %sub3A_1383 : vector<80x80xf32>
    %add3A_1409 = arith.constant -0.00424268609 : f32
    %add3A_1410 = vector.broadcast %add3A_1409 : f32 to vector<80x80xf32>
    %add3A_1411 = arith.addf %mul3A_1408, %add3A_1410 : vector<80x80xf32>
    %mul3A_1412 = arith.mulf %add3A_1411, %sub3A_1383 : vector<80x80xf32>
    %add3A_1413 = arith.constant 0.251041859 : f32
    %add3A_1414 = vector.broadcast %add3A_1413 : f32 to vector<80x80xf32>
    %add3A_1415 = arith.addf %mul3A_1412, %add3A_1414 : vector<80x80xf32>
    %mul3A_1416 = arith.mulf %add3A_1415, %sub3A_1383 : vector<80x80xf32>
    %add3A_1417 = arith.constant -5.48610624E-5 : f32
    %add3A_1418 = vector.broadcast %add3A_1417 : f32 to vector<80x80xf32>
    %add3A_1419 = arith.addf %mul3A_1416, %add3A_1418 : vector<80x80xf32>
    %sub3A_1420 = arith.subf %add3A_1405, %add3A_1419 : vector<80x80xf32>
    %mul3A_1421 = arith.mulf %sub3A_1388, %add3A_1419 : vector<80x80xf32>
    %mul3A_1422 = arith.mulf %sub3A_1388, %sub3A_1420 : vector<80x80xf32>
    %sub3A_1423 = arith.subf %mul3A_1421, %mul3A_1422 : vector<80x80xf32>
    %add3A_1424 = arith.addf %sub3A_1423, %sub3A_1420 : vector<80x80xf32>
    %sub3A_1425 = arith.subf %add3A_1419, %mul3A_1421 : vector<80x80xf32>
    %eq3A_1426 = arith.constant 0.000000e+00 : f32
    %eq3A_1427 = vector.broadcast %eq3A_1426 : f32 to vector<80x80xf32>
    %eq3A_1428 = arith.cmpf oeq, %sub3A_1389, %eq3A_1427 : vector<80x80xf32>
    %eq3A_1429 = arith.constant 1.000000e+00 : f32
    %eq3A_1430 = vector.broadcast %eq3A_1429 : f32 to vector<80x80xf32>
    %eq3A_1431 = arith.cmpf oeq, %sub3A_1389, %eq3A_1430 : vector<80x80xf32>
    %eq3A_1432 = arith.constant -1.000000e+00 : f32
    %eq3A_1433 = vector.broadcast %eq3A_1432 : f32 to vector<80x80xf32>
    %eq3A_1434 = arith.cmpf oeq, %sub3A_1389, %eq3A_1433 : vector<80x80xf32>
    %jit3A_1435 = arith.constant 0.000000e+00 : f32
    %broadcast_in_dim3A_1436 = vector.broadcast %jit3A_1435 : f32 to vector<80x80xf32>
    %select_n3A_1437 = arith.select %eq3A_1434, %sub3A_1425, %broadcast_in_dim3A_1436 : vector<80x80xi1>, vector<80x80xf32>
    %select_n3A_1438 = arith.select %eq3A_1431, %mul3A_1422, %select_n3A_1437 : vector<80x80xi1>, vector<80x80xf32>
    %select_n3A_1439 = arith.select %eq3A_1428, %add3A_1424, %select_n3A_1438 : vector<80x80xi1>, vector<80x80xf32>
    %sub3A_1440 = arith.subf %add3A_1399, %select_n3A_1439 : vector<80x80xf32>
    %add3A_1441 = arith.addf %add3A_1366, %sub3A_1440 : vector<80x80xf32>
    %get3A_1442 = arith.constant 1 : index
    %get3A_1443 = arith.constant 7 : index
    %get3A_1444 = arith.constant 0 : index
    %get3A_1445 = arith.constant 0 : index
    %get3A_1446 = vector.load %arg1[%get3A_1442, %get3A_1443, %get3A_1444, %get3A_1445] : memref<2x12x80x80xf32, #tpu.memory_space<vmem>>, vector<1x1x80x80xf32>
    %get3A_1447 = vector.shape_cast %get3A_1446 : vector<1x1x80x80xf32> to vector<80x80xf32>
    %get3A_1448 = arith.constant 1 : index
    %get3A_1449 = arith.constant 7 : index
    %get3A_1450 = arith.constant 0 : index
    %get3A_1451 = arith.constant 0 : index
    %get3A_1452 = vector.load %arg2[%get3A_1448, %get3A_1449, %get3A_1450, %get3A_1451] : memref<2x12x80x80xf32, #tpu.memory_space<vmem>>, vector<1x1x80x80xf32>
    %get3A_1453 = vector.shape_cast %get3A_1452 : vector<1x1x80x80xf32> to vector<80x80xf32>
    %mul3A_1454 = arith.constant 1.500000e+01 : f32
    %mul3A_1455 = vector.broadcast %mul3A_1454 : f32 to vector<80x80xf32>
    %mul3A_1456 = arith.mulf %get3A_1447, %mul3A_1455 : vector<80x80xf32>
    %floor3A_1457 = math.floor %mul3A_1456 : vector<80x80xf32>
    %sub3A_1458 = arith.subf %mul3A_1456, %floor3A_1457 : vector<80x80xf32>
    %mul3A_1459 = arith.constant 1.500000e+01 : f32
    %mul3A_1460 = vector.broadcast %mul3A_1459 : f32 to vector<80x80xf32>
    %mul3A_1461 = arith.mulf %get3A_1453, %mul3A_1460 : vector<80x80xf32>
    %floor3A_1462 = math.floor %mul3A_1461 : vector<80x80xf32>
    %sub3A_1463 = arith.subf %mul3A_1461, %floor3A_1462 : vector<80x80xf32>
    %sub3A_1464 = arith.subf %floor3A_1462, %floor3A_1457 : vector<80x80xf32>
    %sub3A_1465 = arith.constant 5.000000e-01 : f32
    %sub3A_1466 = vector.broadcast %sub3A_1465 : f32 to vector<80x80xf32>
    %sub3A_1467 = arith.subf %sub3A_1458, %sub3A_1466 : vector<80x80xf32>
    %mul3A_1468 = arith.mulf %sub3A_1467, %sub3A_1467 : vector<80x80xf32>
    %mul3A_1469 = arith.constant -0.0240230989 : f32
    %mul3A_1470 = vector.broadcast %mul3A_1469 : f32 to vector<80x80xf32>
    %mul3A_1471 = arith.mulf %mul3A_1470, %mul3A_1468 : vector<80x80xf32>
    %add3A_1472 = arith.constant 15.2411489 : f32
    %add3A_1473 = vector.broadcast %add3A_1472 : f32 to vector<80x80xf32>
    %add3A_1474 = arith.addf %mul3A_1471, %add3A_1473 : vector<80x80xf32>
    %mul3A_1475 = arith.constant -0.055733446 : f32
    %mul3A_1476 = vector.broadcast %mul3A_1475 : f32 to vector<80x80xf32>
    %mul3A_1477 = arith.mulf %mul3A_1476, %mul3A_1468 : vector<80x80xf32>
    %add3A_1478 = arith.constant 0.244873464 : f32
    %add3A_1479 = vector.broadcast %add3A_1478 : f32 to vector<80x80xf32>
    %add3A_1480 = arith.addf %mul3A_1477, %add3A_1479 : vector<80x80xf32>
    %mul3A_1481 = arith.constant -0.0157493595 : f32
    %mul3A_1482 = vector.broadcast %mul3A_1481 : f32 to vector<80x80xf32>
    %mul3A_1483 = arith.mulf %mul3A_1482, %sub3A_1458 : vector<80x80xf32>
    %add3A_1484 = arith.constant -0.00424268609 : f32
    %add3A_1485 = vector.broadcast %add3A_1484 : f32 to vector<80x80xf32>
    %add3A_1486 = arith.addf %mul3A_1483, %add3A_1485 : vector<80x80xf32>
    %mul3A_1487 = arith.mulf %add3A_1486, %sub3A_1458 : vector<80x80xf32>
    %add3A_1488 = arith.constant 0.251041859 : f32
    %add3A_1489 = vector.broadcast %add3A_1488 : f32 to vector<80x80xf32>
    %add3A_1490 = arith.addf %mul3A_1487, %add3A_1489 : vector<80x80xf32>
    %mul3A_1491 = arith.mulf %add3A_1490, %sub3A_1458 : vector<80x80xf32>
    %add3A_1492 = arith.constant -5.48610624E-5 : f32
    %add3A_1493 = vector.broadcast %add3A_1492 : f32 to vector<80x80xf32>
    %add3A_1494 = arith.addf %mul3A_1491, %add3A_1493 : vector<80x80xf32>
    %sub3A_1495 = arith.subf %add3A_1480, %add3A_1494 : vector<80x80xf32>
    %mul3A_1496 = arith.mulf %sub3A_1463, %add3A_1494 : vector<80x80xf32>
    %mul3A_1497 = arith.mulf %sub3A_1463, %sub3A_1495 : vector<80x80xf32>
    %sub3A_1498 = arith.subf %mul3A_1496, %mul3A_1497 : vector<80x80xf32>
    %add3A_1499 = arith.addf %sub3A_1498, %sub3A_1495 : vector<80x80xf32>
    %sub3A_1500 = arith.subf %add3A_1494, %mul3A_1496 : vector<80x80xf32>
    %eq3A_1501 = arith.constant 0.000000e+00 : f32
    %eq3A_1502 = vector.broadcast %eq3A_1501 : f32 to vector<80x80xf32>
    %eq3A_1503 = arith.cmpf oeq, %sub3A_1464, %eq3A_1502 : vector<80x80xf32>
    %eq3A_1504 = arith.constant 1.000000e+00 : f32
    %eq3A_1505 = vector.broadcast %eq3A_1504 : f32 to vector<80x80xf32>
    %eq3A_1506 = arith.cmpf oeq, %sub3A_1464, %eq3A_1505 : vector<80x80xf32>
    %eq3A_1507 = arith.constant -1.000000e+00 : f32
    %eq3A_1508 = vector.broadcast %eq3A_1507 : f32 to vector<80x80xf32>
    %eq3A_1509 = arith.cmpf oeq, %sub3A_1464, %eq3A_1508 : vector<80x80xf32>
    %jit3A_1510 = arith.constant 0.000000e+00 : f32
    %broadcast_in_dim3A_1511 = vector.broadcast %jit3A_1510 : f32 to vector<80x80xf32>
    %select_n3A_1512 = arith.select %eq3A_1509, %sub3A_1500, %broadcast_in_dim3A_1511 : vector<80x80xi1>, vector<80x80xf32>
    %select_n3A_1513 = arith.select %eq3A_1506, %mul3A_1497, %select_n3A_1512 : vector<80x80xi1>, vector<80x80xf32>
    %select_n3A_1514 = arith.select %eq3A_1503, %add3A_1499, %select_n3A_1513 : vector<80x80xi1>, vector<80x80xf32>
    %sub3A_1515 = arith.subf %add3A_1474, %select_n3A_1514 : vector<80x80xf32>
    %add3A_1516 = arith.addf %add3A_1441, %sub3A_1515 : vector<80x80xf32>
    %get3A_1517 = arith.constant 1 : index
    %get3A_1518 = arith.constant 1 : index
    %get3A_1519 = arith.constant 0 : index
    %get3A_1520 = arith.constant 0 : index
    %get3A_1521 = vector.load %arg3[%get3A_1517, %get3A_1518, %get3A_1519, %get3A_1520] : memref<2x3x80x80xf32, #tpu.memory_space<vmem>>, vector<1x1x80x80xf32>
    %get3A_1522 = vector.shape_cast %get3A_1521 : vector<1x1x80x80xf32> to vector<80x80xf32>
    %mul3A_1523 = arith.mulf %add3A_1516, %get3A_1522 : vector<80x80xf32>
    %add3A_1524 = arith.addf %add3A_1217, %mul3A_1523 : vector<80x80xf32>
    %get3A_1525 = arith.constant 1 : index
    %get3A_1526 = arith.constant 8 : index
    %get3A_1527 = arith.constant 0 : index
    %get3A_1528 = arith.constant 0 : index
    %get3A_1529 = vector.load %arg1[%get3A_1525, %get3A_1526, %get3A_1527, %get3A_1528] : memref<2x12x80x80xf32, #tpu.memory_space<vmem>>, vector<1x1x80x80xf32>
    %get3A_1530 = vector.shape_cast %get3A_1529 : vector<1x1x80x80xf32> to vector<80x80xf32>
    %get3A_1531 = arith.constant 1 : index
    %get3A_1532 = arith.constant 8 : index
    %get3A_1533 = arith.constant 0 : index
    %get3A_1534 = arith.constant 0 : index
    %get3A_1535 = vector.load %arg2[%get3A_1531, %get3A_1532, %get3A_1533, %get3A_1534] : memref<2x12x80x80xf32, #tpu.memory_space<vmem>>, vector<1x1x80x80xf32>
    %get3A_1536 = vector.shape_cast %get3A_1535 : vector<1x1x80x80xf32> to vector<80x80xf32>
    %mul3A_1537 = arith.constant 1.500000e+01 : f32
    %mul3A_1538 = vector.broadcast %mul3A_1537 : f32 to vector<80x80xf32>
    %mul3A_1539 = arith.mulf %get3A_1530, %mul3A_1538 : vector<80x80xf32>
    %floor3A_1540 = math.floor %mul3A_1539 : vector<80x80xf32>
    %sub3A_1541 = arith.subf %mul3A_1539, %floor3A_1540 : vector<80x80xf32>
    %mul3A_1542 = arith.constant 1.500000e+01 : f32
    %mul3A_1543 = vector.broadcast %mul3A_1542 : f32 to vector<80x80xf32>
    %mul3A_1544 = arith.mulf %get3A_1536, %mul3A_1543 : vector<80x80xf32>
    %floor3A_1545 = math.floor %mul3A_1544 : vector<80x80xf32>
    %sub3A_1546 = arith.subf %mul3A_1544, %floor3A_1545 : vector<80x80xf32>
    %sub3A_1547 = arith.subf %floor3A_1545, %floor3A_1540 : vector<80x80xf32>
    %sub3A_1548 = arith.constant 5.000000e-01 : f32
    %sub3A_1549 = vector.broadcast %sub3A_1548 : f32 to vector<80x80xf32>
    %sub3A_1550 = arith.subf %sub3A_1541, %sub3A_1549 : vector<80x80xf32>
    %mul3A_1551 = arith.mulf %sub3A_1550, %sub3A_1550 : vector<80x80xf32>
    %mul3A_1552 = arith.constant -0.0240230989 : f32
    %mul3A_1553 = vector.broadcast %mul3A_1552 : f32 to vector<80x80xf32>
    %mul3A_1554 = arith.mulf %mul3A_1553, %mul3A_1551 : vector<80x80xf32>
    %add3A_1555 = arith.constant 15.2411489 : f32
    %add3A_1556 = vector.broadcast %add3A_1555 : f32 to vector<80x80xf32>
    %add3A_1557 = arith.addf %mul3A_1554, %add3A_1556 : vector<80x80xf32>
    %mul3A_1558 = arith.constant -0.055733446 : f32
    %mul3A_1559 = vector.broadcast %mul3A_1558 : f32 to vector<80x80xf32>
    %mul3A_1560 = arith.mulf %mul3A_1559, %mul3A_1551 : vector<80x80xf32>
    %add3A_1561 = arith.constant 0.244873464 : f32
    %add3A_1562 = vector.broadcast %add3A_1561 : f32 to vector<80x80xf32>
    %add3A_1563 = arith.addf %mul3A_1560, %add3A_1562 : vector<80x80xf32>
    %mul3A_1564 = arith.constant -0.0157493595 : f32
    %mul3A_1565 = vector.broadcast %mul3A_1564 : f32 to vector<80x80xf32>
    %mul3A_1566 = arith.mulf %mul3A_1565, %sub3A_1541 : vector<80x80xf32>
    %add3A_1567 = arith.constant -0.00424268609 : f32
    %add3A_1568 = vector.broadcast %add3A_1567 : f32 to vector<80x80xf32>
    %add3A_1569 = arith.addf %mul3A_1566, %add3A_1568 : vector<80x80xf32>
    %mul3A_1570 = arith.mulf %add3A_1569, %sub3A_1541 : vector<80x80xf32>
    %add3A_1571 = arith.constant 0.251041859 : f32
    %add3A_1572 = vector.broadcast %add3A_1571 : f32 to vector<80x80xf32>
    %add3A_1573 = arith.addf %mul3A_1570, %add3A_1572 : vector<80x80xf32>
    %mul3A_1574 = arith.mulf %add3A_1573, %sub3A_1541 : vector<80x80xf32>
    %add3A_1575 = arith.constant -5.48610624E-5 : f32
    %add3A_1576 = vector.broadcast %add3A_1575 : f32 to vector<80x80xf32>
    %add3A_1577 = arith.addf %mul3A_1574, %add3A_1576 : vector<80x80xf32>
    %sub3A_1578 = arith.subf %add3A_1563, %add3A_1577 : vector<80x80xf32>
    %mul3A_1579 = arith.mulf %sub3A_1546, %add3A_1577 : vector<80x80xf32>
    %mul3A_1580 = arith.mulf %sub3A_1546, %sub3A_1578 : vector<80x80xf32>
    %sub3A_1581 = arith.subf %mul3A_1579, %mul3A_1580 : vector<80x80xf32>
    %add3A_1582 = arith.addf %sub3A_1581, %sub3A_1578 : vector<80x80xf32>
    %sub3A_1583 = arith.subf %add3A_1577, %mul3A_1579 : vector<80x80xf32>
    %eq3A_1584 = arith.constant 0.000000e+00 : f32
    %eq3A_1585 = vector.broadcast %eq3A_1584 : f32 to vector<80x80xf32>
    %eq3A_1586 = arith.cmpf oeq, %sub3A_1547, %eq3A_1585 : vector<80x80xf32>
    %eq3A_1587 = arith.constant 1.000000e+00 : f32
    %eq3A_1588 = vector.broadcast %eq3A_1587 : f32 to vector<80x80xf32>
    %eq3A_1589 = arith.cmpf oeq, %sub3A_1547, %eq3A_1588 : vector<80x80xf32>
    %eq3A_1590 = arith.constant -1.000000e+00 : f32
    %eq3A_1591 = vector.broadcast %eq3A_1590 : f32 to vector<80x80xf32>
    %eq3A_1592 = arith.cmpf oeq, %sub3A_1547, %eq3A_1591 : vector<80x80xf32>
    %jit3A_1593 = arith.constant 0.000000e+00 : f32
    %broadcast_in_dim3A_1594 = vector.broadcast %jit3A_1593 : f32 to vector<80x80xf32>
    %select_n3A_1595 = arith.select %eq3A_1592, %sub3A_1583, %broadcast_in_dim3A_1594 : vector<80x80xi1>, vector<80x80xf32>
    %select_n3A_1596 = arith.select %eq3A_1589, %mul3A_1580, %select_n3A_1595 : vector<80x80xi1>, vector<80x80xf32>
    %select_n3A_1597 = arith.select %eq3A_1586, %add3A_1582, %select_n3A_1596 : vector<80x80xi1>, vector<80x80xf32>
    %sub3A_1598 = arith.subf %add3A_1557, %select_n3A_1597 : vector<80x80xf32>
    %get3A_1599 = arith.constant 1 : index
    %get3A_1600 = arith.constant 9 : index
    %get3A_1601 = arith.constant 0 : index
    %get3A_1602 = arith.constant 0 : index
    %get3A_1603 = vector.load %arg1[%get3A_1599, %get3A_1600, %get3A_1601, %get3A_1602] : memref<2x12x80x80xf32, #tpu.memory_space<vmem>>, vector<1x1x80x80xf32>
    %get3A_1604 = vector.shape_cast %get3A_1603 : vector<1x1x80x80xf32> to vector<80x80xf32>
    %get3A_1605 = arith.constant 1 : index
    %get3A_1606 = arith.constant 9 : index
    %get3A_1607 = arith.constant 0 : index
    %get3A_1608 = arith.constant 0 : index
    %get3A_1609 = vector.load %arg2[%get3A_1605, %get3A_1606, %get3A_1607, %get3A_1608] : memref<2x12x80x80xf32, #tpu.memory_space<vmem>>, vector<1x1x80x80xf32>
    %get3A_1610 = vector.shape_cast %get3A_1609 : vector<1x1x80x80xf32> to vector<80x80xf32>
    %mul3A_1611 = arith.constant 1.500000e+01 : f32
    %mul3A_1612 = vector.broadcast %mul3A_1611 : f32 to vector<80x80xf32>
    %mul3A_1613 = arith.mulf %get3A_1604, %mul3A_1612 : vector<80x80xf32>
    %floor3A_1614 = math.floor %mul3A_1613 : vector<80x80xf32>
    %sub3A_1615 = arith.subf %mul3A_1613, %floor3A_1614 : vector<80x80xf32>
    %mul3A_1616 = arith.constant 1.500000e+01 : f32
    %mul3A_1617 = vector.broadcast %mul3A_1616 : f32 to vector<80x80xf32>
    %mul3A_1618 = arith.mulf %get3A_1610, %mul3A_1617 : vector<80x80xf32>
    %floor3A_1619 = math.floor %mul3A_1618 : vector<80x80xf32>
    %sub3A_1620 = arith.subf %mul3A_1618, %floor3A_1619 : vector<80x80xf32>
    %sub3A_1621 = arith.subf %floor3A_1619, %floor3A_1614 : vector<80x80xf32>
    %sub3A_1622 = arith.constant 5.000000e-01 : f32
    %sub3A_1623 = vector.broadcast %sub3A_1622 : f32 to vector<80x80xf32>
    %sub3A_1624 = arith.subf %sub3A_1615, %sub3A_1623 : vector<80x80xf32>
    %mul3A_1625 = arith.mulf %sub3A_1624, %sub3A_1624 : vector<80x80xf32>
    %mul3A_1626 = arith.constant -0.0240230989 : f32
    %mul3A_1627 = vector.broadcast %mul3A_1626 : f32 to vector<80x80xf32>
    %mul3A_1628 = arith.mulf %mul3A_1627, %mul3A_1625 : vector<80x80xf32>
    %add3A_1629 = arith.constant 15.2411489 : f32
    %add3A_1630 = vector.broadcast %add3A_1629 : f32 to vector<80x80xf32>
    %add3A_1631 = arith.addf %mul3A_1628, %add3A_1630 : vector<80x80xf32>
    %mul3A_1632 = arith.constant -0.055733446 : f32
    %mul3A_1633 = vector.broadcast %mul3A_1632 : f32 to vector<80x80xf32>
    %mul3A_1634 = arith.mulf %mul3A_1633, %mul3A_1625 : vector<80x80xf32>
    %add3A_1635 = arith.constant 0.244873464 : f32
    %add3A_1636 = vector.broadcast %add3A_1635 : f32 to vector<80x80xf32>
    %add3A_1637 = arith.addf %mul3A_1634, %add3A_1636 : vector<80x80xf32>
    %mul3A_1638 = arith.constant -0.0157493595 : f32
    %mul3A_1639 = vector.broadcast %mul3A_1638 : f32 to vector<80x80xf32>
    %mul3A_1640 = arith.mulf %mul3A_1639, %sub3A_1615 : vector<80x80xf32>
    %add3A_1641 = arith.constant -0.00424268609 : f32
    %add3A_1642 = vector.broadcast %add3A_1641 : f32 to vector<80x80xf32>
    %add3A_1643 = arith.addf %mul3A_1640, %add3A_1642 : vector<80x80xf32>
    %mul3A_1644 = arith.mulf %add3A_1643, %sub3A_1615 : vector<80x80xf32>
    %add3A_1645 = arith.constant 0.251041859 : f32
    %add3A_1646 = vector.broadcast %add3A_1645 : f32 to vector<80x80xf32>
    %add3A_1647 = arith.addf %mul3A_1644, %add3A_1646 : vector<80x80xf32>
    %mul3A_1648 = arith.mulf %add3A_1647, %sub3A_1615 : vector<80x80xf32>
    %add3A_1649 = arith.constant -5.48610624E-5 : f32
    %add3A_1650 = vector.broadcast %add3A_1649 : f32 to vector<80x80xf32>
    %add3A_1651 = arith.addf %mul3A_1648, %add3A_1650 : vector<80x80xf32>
    %sub3A_1652 = arith.subf %add3A_1637, %add3A_1651 : vector<80x80xf32>
    %mul3A_1653 = arith.mulf %sub3A_1620, %add3A_1651 : vector<80x80xf32>
    %mul3A_1654 = arith.mulf %sub3A_1620, %sub3A_1652 : vector<80x80xf32>
    %sub3A_1655 = arith.subf %mul3A_1653, %mul3A_1654 : vector<80x80xf32>
    %add3A_1656 = arith.addf %sub3A_1655, %sub3A_1652 : vector<80x80xf32>
    %sub3A_1657 = arith.subf %add3A_1651, %mul3A_1653 : vector<80x80xf32>
    %eq3A_1658 = arith.constant 0.000000e+00 : f32
    %eq3A_1659 = vector.broadcast %eq3A_1658 : f32 to vector<80x80xf32>
    %eq3A_1660 = arith.cmpf oeq, %sub3A_1621, %eq3A_1659 : vector<80x80xf32>
    %eq3A_1661 = arith.constant 1.000000e+00 : f32
    %eq3A_1662 = vector.broadcast %eq3A_1661 : f32 to vector<80x80xf32>
    %eq3A_1663 = arith.cmpf oeq, %sub3A_1621, %eq3A_1662 : vector<80x80xf32>
    %eq3A_1664 = arith.constant -1.000000e+00 : f32
    %eq3A_1665 = vector.broadcast %eq3A_1664 : f32 to vector<80x80xf32>
    %eq3A_1666 = arith.cmpf oeq, %sub3A_1621, %eq3A_1665 : vector<80x80xf32>
    %jit3A_1667 = arith.constant 0.000000e+00 : f32
    %broadcast_in_dim3A_1668 = vector.broadcast %jit3A_1667 : f32 to vector<80x80xf32>
    %select_n3A_1669 = arith.select %eq3A_1666, %sub3A_1657, %broadcast_in_dim3A_1668 : vector<80x80xi1>, vector<80x80xf32>
    %select_n3A_1670 = arith.select %eq3A_1663, %mul3A_1654, %select_n3A_1669 : vector<80x80xi1>, vector<80x80xf32>
    %select_n3A_1671 = arith.select %eq3A_1660, %add3A_1656, %select_n3A_1670 : vector<80x80xi1>, vector<80x80xf32>
    %sub3A_1672 = arith.subf %add3A_1631, %select_n3A_1671 : vector<80x80xf32>
    %add3A_1673 = arith.addf %sub3A_1598, %sub3A_1672 : vector<80x80xf32>
    %get3A_1674 = arith.constant 1 : index
    %get3A_1675 = arith.constant 10 : index
    %get3A_1676 = arith.constant 0 : index
    %get3A_1677 = arith.constant 0 : index
    %get3A_1678 = vector.load %arg1[%get3A_1674, %get3A_1675, %get3A_1676, %get3A_1677] : memref<2x12x80x80xf32, #tpu.memory_space<vmem>>, vector<1x1x80x80xf32>
    %get3A_1679 = vector.shape_cast %get3A_1678 : vector<1x1x80x80xf32> to vector<80x80xf32>
    %get3A_1680 = arith.constant 1 : index
    %get3A_1681 = arith.constant 10 : index
    %get3A_1682 = arith.constant 0 : index
    %get3A_1683 = arith.constant 0 : index
    %get3A_1684 = vector.load %arg2[%get3A_1680, %get3A_1681, %get3A_1682, %get3A_1683] : memref<2x12x80x80xf32, #tpu.memory_space<vmem>>, vector<1x1x80x80xf32>
    %get3A_1685 = vector.shape_cast %get3A_1684 : vector<1x1x80x80xf32> to vector<80x80xf32>
    %mul3A_1686 = arith.constant 1.500000e+01 : f32
    %mul3A_1687 = vector.broadcast %mul3A_1686 : f32 to vector<80x80xf32>
    %mul3A_1688 = arith.mulf %get3A_1679, %mul3A_1687 : vector<80x80xf32>
    %floor3A_1689 = math.floor %mul3A_1688 : vector<80x80xf32>
    %sub3A_1690 = arith.subf %mul3A_1688, %floor3A_1689 : vector<80x80xf32>
    %mul3A_1691 = arith.constant 1.500000e+01 : f32
    %mul3A_1692 = vector.broadcast %mul3A_1691 : f32 to vector<80x80xf32>
    %mul3A_1693 = arith.mulf %get3A_1685, %mul3A_1692 : vector<80x80xf32>
    %floor3A_1694 = math.floor %mul3A_1693 : vector<80x80xf32>
    %sub3A_1695 = arith.subf %mul3A_1693, %floor3A_1694 : vector<80x80xf32>
    %sub3A_1696 = arith.subf %floor3A_1694, %floor3A_1689 : vector<80x80xf32>
    %sub3A_1697 = arith.constant 5.000000e-01 : f32
    %sub3A_1698 = vector.broadcast %sub3A_1697 : f32 to vector<80x80xf32>
    %sub3A_1699 = arith.subf %sub3A_1690, %sub3A_1698 : vector<80x80xf32>
    %mul3A_1700 = arith.mulf %sub3A_1699, %sub3A_1699 : vector<80x80xf32>
    %mul3A_1701 = arith.constant -0.0240230989 : f32
    %mul3A_1702 = vector.broadcast %mul3A_1701 : f32 to vector<80x80xf32>
    %mul3A_1703 = arith.mulf %mul3A_1702, %mul3A_1700 : vector<80x80xf32>
    %add3A_1704 = arith.constant 15.2411489 : f32
    %add3A_1705 = vector.broadcast %add3A_1704 : f32 to vector<80x80xf32>
    %add3A_1706 = arith.addf %mul3A_1703, %add3A_1705 : vector<80x80xf32>
    %mul3A_1707 = arith.constant -0.055733446 : f32
    %mul3A_1708 = vector.broadcast %mul3A_1707 : f32 to vector<80x80xf32>
    %mul3A_1709 = arith.mulf %mul3A_1708, %mul3A_1700 : vector<80x80xf32>
    %add3A_1710 = arith.constant 0.244873464 : f32
    %add3A_1711 = vector.broadcast %add3A_1710 : f32 to vector<80x80xf32>
    %add3A_1712 = arith.addf %mul3A_1709, %add3A_1711 : vector<80x80xf32>
    %mul3A_1713 = arith.constant -0.0157493595 : f32
    %mul3A_1714 = vector.broadcast %mul3A_1713 : f32 to vector<80x80xf32>
    %mul3A_1715 = arith.mulf %mul3A_1714, %sub3A_1690 : vector<80x80xf32>
    %add3A_1716 = arith.constant -0.00424268609 : f32
    %add3A_1717 = vector.broadcast %add3A_1716 : f32 to vector<80x80xf32>
    %add3A_1718 = arith.addf %mul3A_1715, %add3A_1717 : vector<80x80xf32>
    %mul3A_1719 = arith.mulf %add3A_1718, %sub3A_1690 : vector<80x80xf32>
    %add3A_1720 = arith.constant 0.251041859 : f32
    %add3A_1721 = vector.broadcast %add3A_1720 : f32 to vector<80x80xf32>
    %add3A_1722 = arith.addf %mul3A_1719, %add3A_1721 : vector<80x80xf32>
    %mul3A_1723 = arith.mulf %add3A_1722, %sub3A_1690 : vector<80x80xf32>
    %add3A_1724 = arith.constant -5.48610624E-5 : f32
    %add3A_1725 = vector.broadcast %add3A_1724 : f32 to vector<80x80xf32>
    %add3A_1726 = arith.addf %mul3A_1723, %add3A_1725 : vector<80x80xf32>
    %sub3A_1727 = arith.subf %add3A_1712, %add3A_1726 : vector<80x80xf32>
    %mul3A_1728 = arith.mulf %sub3A_1695, %add3A_1726 : vector<80x80xf32>
    %mul3A_1729 = arith.mulf %sub3A_1695, %sub3A_1727 : vector<80x80xf32>
    %sub3A_1730 = arith.subf %mul3A_1728, %mul3A_1729 : vector<80x80xf32>
    %add3A_1731 = arith.addf %sub3A_1730, %sub3A_1727 : vector<80x80xf32>
    %sub3A_1732 = arith.subf %add3A_1726, %mul3A_1728 : vector<80x80xf32>
    %eq3A_1733 = arith.constant 0.000000e+00 : f32
    %eq3A_1734 = vector.broadcast %eq3A_1733 : f32 to vector<80x80xf32>
    %eq3A_1735 = arith.cmpf oeq, %sub3A_1696, %eq3A_1734 : vector<80x80xf32>
    %eq3A_1736 = arith.constant 1.000000e+00 : f32
    %eq3A_1737 = vector.broadcast %eq3A_1736 : f32 to vector<80x80xf32>
    %eq3A_1738 = arith.cmpf oeq, %sub3A_1696, %eq3A_1737 : vector<80x80xf32>
    %eq3A_1739 = arith.constant -1.000000e+00 : f32
    %eq3A_1740 = vector.broadcast %eq3A_1739 : f32 to vector<80x80xf32>
    %eq3A_1741 = arith.cmpf oeq, %sub3A_1696, %eq3A_1740 : vector<80x80xf32>
    %jit3A_1742 = arith.constant 0.000000e+00 : f32
    %broadcast_in_dim3A_1743 = vector.broadcast %jit3A_1742 : f32 to vector<80x80xf32>
    %select_n3A_1744 = arith.select %eq3A_1741, %sub3A_1732, %broadcast_in_dim3A_1743 : vector<80x80xi1>, vector<80x80xf32>
    %select_n3A_1745 = arith.select %eq3A_1738, %mul3A_1729, %select_n3A_1744 : vector<80x80xi1>, vector<80x80xf32>
    %select_n3A_1746 = arith.select %eq3A_1735, %add3A_1731, %select_n3A_1745 : vector<80x80xi1>, vector<80x80xf32>
    %sub3A_1747 = arith.subf %add3A_1706, %select_n3A_1746 : vector<80x80xf32>
    %add3A_1748 = arith.addf %add3A_1673, %sub3A_1747 : vector<80x80xf32>
    %get3A_1749 = arith.constant 1 : index
    %get3A_1750 = arith.constant 11 : index
    %get3A_1751 = arith.constant 0 : index
    %get3A_1752 = arith.constant 0 : index
    %get3A_1753 = vector.load %arg1[%get3A_1749, %get3A_1750, %get3A_1751, %get3A_1752] : memref<2x12x80x80xf32, #tpu.memory_space<vmem>>, vector<1x1x80x80xf32>
    %get3A_1754 = vector.shape_cast %get3A_1753 : vector<1x1x80x80xf32> to vector<80x80xf32>
    %get3A_1755 = arith.constant 1 : index
    %get3A_1756 = arith.constant 11 : index
    %get3A_1757 = arith.constant 0 : index
    %get3A_1758 = arith.constant 0 : index
    %get3A_1759 = vector.load %arg2[%get3A_1755, %get3A_1756, %get3A_1757, %get3A_1758] : memref<2x12x80x80xf32, #tpu.memory_space<vmem>>, vector<1x1x80x80xf32>
    %get3A_1760 = vector.shape_cast %get3A_1759 : vector<1x1x80x80xf32> to vector<80x80xf32>
    %mul3A_1761 = arith.constant 1.500000e+01 : f32
    %mul3A_1762 = vector.broadcast %mul3A_1761 : f32 to vector<80x80xf32>
    %mul3A_1763 = arith.mulf %get3A_1754, %mul3A_1762 : vector<80x80xf32>
    %floor3A_1764 = math.floor %mul3A_1763 : vector<80x80xf32>
    %sub3A_1765 = arith.subf %mul3A_1763, %floor3A_1764 : vector<80x80xf32>
    %mul3A_1766 = arith.constant 1.500000e+01 : f32
    %mul3A_1767 = vector.broadcast %mul3A_1766 : f32 to vector<80x80xf32>
    %mul3A_1768 = arith.mulf %get3A_1760, %mul3A_1767 : vector<80x80xf32>
    %floor3A_1769 = math.floor %mul3A_1768 : vector<80x80xf32>
    %sub3A_1770 = arith.subf %mul3A_1768, %floor3A_1769 : vector<80x80xf32>
    %sub3A_1771 = arith.subf %floor3A_1769, %floor3A_1764 : vector<80x80xf32>
    %sub3A_1772 = arith.constant 5.000000e-01 : f32
    %sub3A_1773 = vector.broadcast %sub3A_1772 : f32 to vector<80x80xf32>
    %sub3A_1774 = arith.subf %sub3A_1765, %sub3A_1773 : vector<80x80xf32>
    %mul3A_1775 = arith.mulf %sub3A_1774, %sub3A_1774 : vector<80x80xf32>
    %mul3A_1776 = arith.constant -0.0240230989 : f32
    %mul3A_1777 = vector.broadcast %mul3A_1776 : f32 to vector<80x80xf32>
    %mul3A_1778 = arith.mulf %mul3A_1777, %mul3A_1775 : vector<80x80xf32>
    %add3A_1779 = arith.constant 15.2411489 : f32
    %add3A_1780 = vector.broadcast %add3A_1779 : f32 to vector<80x80xf32>
    %add3A_1781 = arith.addf %mul3A_1778, %add3A_1780 : vector<80x80xf32>
    %mul3A_1782 = arith.constant -0.055733446 : f32
    %mul3A_1783 = vector.broadcast %mul3A_1782 : f32 to vector<80x80xf32>
    %mul3A_1784 = arith.mulf %mul3A_1783, %mul3A_1775 : vector<80x80xf32>
    %add3A_1785 = arith.constant 0.244873464 : f32
    %add3A_1786 = vector.broadcast %add3A_1785 : f32 to vector<80x80xf32>
    %add3A_1787 = arith.addf %mul3A_1784, %add3A_1786 : vector<80x80xf32>
    %mul3A_1788 = arith.constant -0.0157493595 : f32
    %mul3A_1789 = vector.broadcast %mul3A_1788 : f32 to vector<80x80xf32>
    %mul3A_1790 = arith.mulf %mul3A_1789, %sub3A_1765 : vector<80x80xf32>
    %add3A_1791 = arith.constant -0.00424268609 : f32
    %add3A_1792 = vector.broadcast %add3A_1791 : f32 to vector<80x80xf32>
    %add3A_1793 = arith.addf %mul3A_1790, %add3A_1792 : vector<80x80xf32>
    %mul3A_1794 = arith.mulf %add3A_1793, %sub3A_1765 : vector<80x80xf32>
    %add3A_1795 = arith.constant 0.251041859 : f32
    %add3A_1796 = vector.broadcast %add3A_1795 : f32 to vector<80x80xf32>
    %add3A_1797 = arith.addf %mul3A_1794, %add3A_1796 : vector<80x80xf32>
    %mul3A_1798 = arith.mulf %add3A_1797, %sub3A_1765 : vector<80x80xf32>
    %add3A_1799 = arith.constant -5.48610624E-5 : f32
    %add3A_1800 = vector.broadcast %add3A_1799 : f32 to vector<80x80xf32>
    %add3A_1801 = arith.addf %mul3A_1798, %add3A_1800 : vector<80x80xf32>
    %sub3A_1802 = arith.subf %add3A_1787, %add3A_1801 : vector<80x80xf32>
    %mul3A_1803 = arith.mulf %sub3A_1770, %add3A_1801 : vector<80x80xf32>
    %mul3A_1804 = arith.mulf %sub3A_1770, %sub3A_1802 : vector<80x80xf32>
    %sub3A_1805 = arith.subf %mul3A_1803, %mul3A_1804 : vector<80x80xf32>
    %add3A_1806 = arith.addf %sub3A_1805, %sub3A_1802 : vector<80x80xf32>
    %sub3A_1807 = arith.subf %add3A_1801, %mul3A_1803 : vector<80x80xf32>
    %eq3A_1808 = arith.constant 0.000000e+00 : f32
    %eq3A_1809 = vector.broadcast %eq3A_1808 : f32 to vector<80x80xf32>
    %eq3A_1810 = arith.cmpf oeq, %sub3A_1771, %eq3A_1809 : vector<80x80xf32>
    %eq3A_1811 = arith.constant 1.000000e+00 : f32
    %eq3A_1812 = vector.broadcast %eq3A_1811 : f32 to vector<80x80xf32>
    %eq3A_1813 = arith.cmpf oeq, %sub3A_1771, %eq3A_1812 : vector<80x80xf32>
    %eq3A_1814 = arith.constant -1.000000e+00 : f32
    %eq3A_1815 = vector.broadcast %eq3A_1814 : f32 to vector<80x80xf32>
    %eq3A_1816 = arith.cmpf oeq, %sub3A_1771, %eq3A_1815 : vector<80x80xf32>
    %jit3A_1817 = arith.constant 0.000000e+00 : f32
    %broadcast_in_dim3A_1818 = vector.broadcast %jit3A_1817 : f32 to vector<80x80xf32>
    %select_n3A_1819 = arith.select %eq3A_1816, %sub3A_1807, %broadcast_in_dim3A_1818 : vector<80x80xi1>, vector<80x80xf32>
    %select_n3A_1820 = arith.select %eq3A_1813, %mul3A_1804, %select_n3A_1819 : vector<80x80xi1>, vector<80x80xf32>
    %select_n3A_1821 = arith.select %eq3A_1810, %add3A_1806, %select_n3A_1820 : vector<80x80xi1>, vector<80x80xf32>
    %sub3A_1822 = arith.subf %add3A_1781, %select_n3A_1821 : vector<80x80xf32>
    %add3A_1823 = arith.addf %add3A_1748, %sub3A_1822 : vector<80x80xf32>
    %get3A_1824 = arith.constant 1 : index
    %get3A_1825 = arith.constant 2 : index
    %get3A_1826 = arith.constant 0 : index
    %get3A_1827 = arith.constant 0 : index
    %get3A_1828 = vector.load %arg3[%get3A_1824, %get3A_1825, %get3A_1826, %get3A_1827] : memref<2x3x80x80xf32, #tpu.memory_space<vmem>>, vector<1x1x80x80xf32>
    %get3A_1829 = vector.shape_cast %get3A_1828 : vector<1x1x80x80xf32> to vector<80x80xf32>
    %mul3A_1830 = arith.mulf %add3A_1823, %get3A_1829 : vector<80x80xf32>
    %add3A_1831 = arith.addf %add3A_1524, %mul3A_1830 : vector<80x80xf32>
    %eq3A_1832 = arith.constant 0 : i32
    %eq3A_1833 = arith.cmpi eq, %arg0, %eq3A_1832 : i32
    %convert_element_type3A = arith.extui %eq3A_1833 : i1 to i32
    %cond3A = arith.constant 0 : i32
    %cond3A_1834 = arith.cmpi ne, %convert_element_type3A, %cond3A : i32
    scf.if %cond3A_1834 {
      %swap3A = arith.constant 0 : index
      %swap3A_1844 = arith.constant 0 : index
      %swap3A_1845 = vector.load %arg5[%swap3A, %swap3A_1844] : memref<80x80xf32, #tpu.memory_space<vmem>>, vector<80x80xf32>
      tpu.vector_store %arg5[%swap3A, %swap3A_1844], %add3A_1831 {strides = array<i32>} : memref<80x80xf32, #tpu.memory_space<vmem>>, vector<80x80xf32>,
    } else {
    }
    %gt3A = arith.constant 0 : i32
    %gt3A_1835 = arith.cmpi sgt, %arg0, %gt3A : i32
    %convert_element_type3A_1836 = arith.extui %gt3A_1835 : i1 to i32
    %cond3A_1837 = arith.constant 0 : i32
    %cond3A_1838 = arith.cmpi ne, %convert_element_type3A_1836, %cond3A_1837 : i32
    scf.if %cond3A_1838 {
      %get3A_1844 = arith.constant 0 : index
      %get3A_1845 = arith.constant 0 : index
      %get3A_1846 = vector.load %arg5[%get3A_1844, %get3A_1845] : memref<80x80xf32, #tpu.memory_space<vmem>>, vector<80x80xf32>
      %add3A_1847 = arith.addf %get3A_1846, %add3A_1831 : vector<80x80xf32>
      %swap3A = arith.constant 0 : index
      %swap3A_1848 = arith.constant 0 : index
      %swap3A_1849 = vector.load %arg5[%swap3A, %swap3A_1848] : memref<80x80xf32, #tpu.memory_space<vmem>>, vector<80x80xf32>
      tpu.vector_store %arg5[%swap3A, %swap3A_1848], %add3A_1847 {strides = array<i32>} : memref<80x80xf32, #tpu.memory_space<vmem>>, vector<80x80xf32>,
    } else {
    }
    %eq3A_1839 = arith.constant 6 : i32
    %eq3A_1840 = arith.cmpi eq, %arg0, %eq3A_1839 : i32
    %convert_element_type3A_1841 = arith.extui %eq3A_1840 : i1 to i32
    %cond3A_1842 = arith.constant 0 : i32
    %cond3A_1843 = arith.cmpi ne, %convert_element_type3A_1841, %cond3A_1842 : i32
    scf.if %cond3A_1843 {
      %get3A_1844 = arith.constant 0 : index
      %get3A_1845 = arith.constant 0 : index
      %get3A_1846 = vector.load %arg5[%get3A_1844, %get3A_1845] : memref<80x80xf32, #tpu.memory_space<vmem>>, vector<80x80xf32>
      %reduce_sum3A = vector.shape_cast %get3A_1846 : vector<80x80xf32> to vector<1x80x80xf32>
      %reduce_sum3A_1847 = arith.constant dense<0.000000e+00> : vector<1xf32>
      %reduce_sum3A_1848 = vector.multi_reduction <add>, %reduce_sum3A, %reduce_sum3A_1847 [1, 2] : vector<1x80x80xf32> to vector<1xf32>
      %reduce_sum3A_1849 = vector.shape_cast %reduce_sum3A_1848 : vector<1xf32> to vector<1x1x1xf32>
      %reduce_sum3A_1850 = vector.extract %reduce_sum3A_1849[0, 0, 0] : f32 from vector<1x1x1xf32>
      %swap3A = arith.constant 0 : index
      %swap3A_1851 = arith.constant 0 : index
      %swap3A_1852 = memref.load %arg4[%swap3A, %swap3A_1851] : memref<1x1xf32, #tpu.memory_space<smem>>
      memref.store %reduce_sum3A_1850, %arg4[%swap3A, %swap3A_1851] : memref<1x1xf32, #tpu.memory_space<smem>>
    } else {
    }
    return
  }
  func.func @transform_0(%arg0: i32) -> (i32, i32, i32, i32) {
    %c0_i32 = arith.constant 0 : i32
    %c0_i32_0 = arith.constant 0 : i32
    %c0_i32_1 = arith.constant 0 : i32
    %c0_i32_2 = arith.constant 0 : i32
    return %arg0, %c0_i32, %c0_i32_0, %c0_i32_1 : i32, i32, i32, i32
  }
  func.func @transform_1(%arg0: i32) -> (i32, i32, i32, i32) {
    %c0_i32 = arith.constant 0 : i32
    %c0_i32_0 = arith.constant 0 : i32
    %c0_i32_1 = arith.constant 0 : i32
    %c0_i32_2 = arith.constant 0 : i32
    return %arg0, %c0_i32, %c0_i32_0, %c0_i32_1 : i32, i32, i32, i32
  }
  func.func @transform_2(%arg0: i32) -> (i32, i32, i32, i32) {
    %c0_i32 = arith.constant 0 : i32
    %c0_i32_0 = arith.constant 0 : i32
    %c0_i32_1 = arith.constant 0 : i32
    %c0_i32_2 = arith.constant 0 : i32
    return %arg0, %c0_i32, %c0_i32_0, %c0_i32_1 : i32, i32, i32, i32
  }
  func.func @transform_3(%arg0: i32) -> (i32, i32) {
    %c0_i32 = arith.constant 0 : i32
    %c0_i32_0 = arith.constant 0 : i32
    %c0_i32_1 = arith.constant 0 : i32
    return %c0_i32, %c0_i32_0 : i32, i32
  }
}

</mosaic_0001>

<sc_bundles>
// kernel: kernel.4.cloned.1.call-start
scs
__scs_entry_jumppad:
0x0: {  	(pc) =	sbr.rel $0x88, $3  }
0x1: {  	(tag) =	ssettag $0x0;
	lr =	simm.s32 $0x1  }
0x2: {  	[smem:$0x3F9E] =	sst lr;
	_ =	strace $0xD0000000  }
0x3: {  	_ = 	snop  }
0x4: {  	_ = 	snop  }
0x5: {  	_ = 	snop  }
0x6: {  	_ = 	snop  }
0x7: {  	_ = 	snop  }
__scs_overlays_trampoline_lowered:
0x8: {  	[smem:$0x3FAD] =	sst s0  }
0x9: {  	[smem:$0x3FAE] =	sst s1  }
0xa: {  	[smem:$0x3FAF] =	sst s2  }
0xb: {  	[smem:$0x3FB0] =	sst s3  }
0xc: {  	[smem:$0x3FB1] =	sst s4  }
0xd: {  	[smem:$0x3FB2] =	sst s5  }
0xe: {  	[smem:$0x3FB3] =	sst s6  }
0xf: {  	[smem:$0x3FB4] =	sst s7  }
0x10: {  	[smem:$0x3FB5] =	sst s8  }
0x11: {  	[smem:$0x3FB6] =	sst s9;
	s0 =	simm.s32 @!p0 $0x0  }
0x12: {  	s1 =	sld [smem:$0x3F9C];
	s0 =	simm.s32 @p0 $0x1  }
0x13: {  	[smem:$0x3FB7] =	sst s0;
	s0 =	simm.s32 @!p1 $0x0  }
0x14: {  	s2 =	sld [smem:$0x3F9B];
	s0 =	simm.s32 @p1 $0x1  }
0x15: {  	[smem:$0x3FB8] =	sst s0;
	s0 =	simm.s32 @!p2 $0x0  }
0x16: {  	s3 =	sld [smem:$0x3FDB];
	s0 =	simm.s32 @p2 $0x1  }
0x17: {  	s4 =	simm.s32 $0x1BF5;
	[smem:$0x3FBA] =	sst s0  }
0x18: {  	s0 =	sld [smem:$0x3F9D];
	_ =	swait.ge [sflag:s4], $0x0  }
0x19: {  	s7 =	sld [smem:$0x3F9E]  }
0x1a: {  	s8 =	sadd.s32 $0xFFFFE003, lr  }
0x1b: {  	s9 =	sadd.s32 $0xFFFFFEF7, lr;
	s5 =	simm.s32 $0xFFFFFFFF;
	p2 =	slt.u32 s8, $0xFFFFF086  }
0x1c: {  	p1 =	slt.u32 s9, $0xF7A;
	s5 =	simm.s32 @!p2 $0x0  }
0x1d: {  	s5 =	simm.s32 @p1 $0x1;
	p0 =	seq.s32 s7, s2  }
0x1e: {  	s7 =	smul.u32 @!p0 $0xF7A, s2;
	p2 =	seq.s32 @!p0 s5, $0x0  }
0x1f: {  	s9 =	smul.u32 $0xF7A, s1;
	s8 =	simm.s32 @!p0 $0x1BF5;
	p2 =	por !p2, p0  }
0x20: {  	[sflag:s8] =	ssyncset.s32 @!p0 $0xFFFFF086;
	s6 =	sadd.s32 @!p0 s3, s7;
	s7 =	simm.s32 @!p0 $0x108  }
0x21: {  	s3 =	sadd.s32 s3, s9;
	s6 =	sadd.s32 @!p0 $0x88, s6;
	s7 =	simm.s32 @p2 $0x1082  }
0x22: {  	[simem:s7], [sflag:s8] =	dma.local @!p0 [hbm:s6], $0xF7A  }
0x23: {  	s9 =	sor.u32 $0xD0000000, s2;
	s6 =	simm.s32 $0x108;
	_ =	swait.ge @!p0 [sflag:s8], $0x0  }
0x24: {  	s3 =	sadd.s32 $0x88, s3;
	s6 =	simm.s32 @!p1 $0x1082;
	[sflag:s4] =	ssyncset.s32 $0xFFFFF086  }
0x25: {  	[simem:s6], [sflag:s4] =	dma.local [hbm:s3], $0xF7A  }
0x26: {  	[smem:$0x3F9E] =	sst s1;
	(tag) =	ssettag s2;
	_ =	strace s9  }
0x27: {  	s1 =	sld [smem:$0x3FAE]  }
0x28: {  	s2 =	sld [smem:$0x3FAF]  }
0x29: {  	s4 =	sld [smem:$0x3FB1]  }
0x2a: {  	p0 =	seq.s32 s5, $0x0;
	s5 =	sld [smem:$0x3FB2]  }
0x2b: {  	s6 =	sld [smem:$0x3FB3]  }
0x2c: {  	s7 =	sld [smem:$0x3FB4]  }
0x2d: {  	s3 =	simm.s32 $0x108;
	s8 =	sld [smem:$0x3FB5]  }
0x2e: {  	s3 =	simm.s32 @!p0 $0x1082;
	s9 =	sld [smem:$0x3FB6]  }
0x2f: {  	lr =	sadd.s32 s0, s3;
	s0 =	sld [smem:$0x3FAD]  }
0x30: {  	s3 =	sld [smem:$0x3FB0]  }
0x31: {  	[smem:$0x3FB9] =	sst s10  }
0x32: {  	s10 =	sld [smem:$0x3FB7];
	_ =	sdelay $0x3  }
0x33: {  	p0 =	seq.s32 s10, $0x1;
	s10 =	sld [smem:$0x3FB9];
	_ =	sdelay $0x3  }
0x34: {  	[smem:$0x3FB9] =	sst s10  }
0x35: {  	s10 =	sld [smem:$0x3FB8];
	_ =	sdelay $0x3  }
0x36: {  	p1 =	seq.s32 s10, $0x1;
	s10 =	sld [smem:$0x3FB9];
	_ =	sdelay $0x3  }
0x37: {  	[smem:$0x3FB9] =	sst s10  }
0x38: {  	s10 =	sld [smem:$0x3FBA]  }
0x39: {  	_ = 	snop;
	(pc) =	sbr.ind lr, $3  }
0x3a: {  	_ = 	snop  }
0x3b: {  	_ = 	snop  }
0x3c: {  	p2 =	seq.s32 s10, $0x1;
	s10 =	sld [smem:$0x3FB9]  }
0x3d: {  	_ =	shalt  }
0x3e: {  	_ =	shalt  }
0x3f: {  	_ =	shalt  }
0x40: {  	_ =	shalt  }
0x41: {  	_ =	shalt  }
0x42: {  	_ =	shalt  }
0x43: {  	_ =	shalt  }
0x44: {  	_ =	shalt  }
0x45: {  	_ =	shalt  }
0x46: {  	_ =	shalt  }
0x47: {  	_ =	shalt  }
0x48: {  	_ =	shalt  }
0x49: {  	_ =	shalt  }
0x4a: {  	_ =	shalt  }
0x4b: {  	_ =	shalt  }
0x4c: {  	_ =	shalt  }
0x4d: {  	_ =	shalt  }
0x4e: {  	_ =	shalt  }
0x4f: {  	_ =	shalt  }
0x50: {  	_ =	shalt  }
0x51: {  	_ =	shalt  }
0x52: {  	_ =	shalt  }
0x53: {  	_ =	shalt  }
0x54: {  	_ =	shalt  }
0x55: {  	_ =	shalt  }
0x56: {  	_ =	shalt  }
0x57: {  	_ =	shalt  }
0x58: {  	_ =	shalt  }
0x59: {  	_ =	shalt  }
0x5a: {  	_ =	shalt  }
0x5b: {  	_ =	shalt  }
0x5c: {  	_ =	shalt  }
0x5d: {  	_ =	shalt  }
0x5e: {  	_ =	shalt  }
0x5f: {  	_ =	shalt  }
0x60: {  	_ =	shalt  }
0x61: {  	_ =	shalt  }
0x62: {  	_ =	shalt  }
0x63: {  	_ =	shalt  }
0x64: {  	_ =	shalt  }
0x65: {  	_ =	shalt  }
0x66: {  	_ =	shalt  }
0x67: {  	_ =	shalt  }
0x68: {  	_ =	shalt  }
0x69: {  	_ =	shalt  }
0x6a: {  	_ =	shalt  }
0x6b: {  	_ =	shalt  }
0x6c: {  	_ =	shalt  }
0x6d: {  	_ =	shalt  }
0x6e: {  	_ =	shalt  }
0x6f: {  	_ =	shalt  }
0x70: {  	_ =	shalt  }
0x71: {  	_ =	shalt  }
0x72: {  	_ =	shalt  }
0x73: {  	_ =	shalt  }
0x74: {  	_ =	shalt  }
0x75: {  	_ =	shalt  }
0x76: {  	_ =	shalt  }
0x77: {  	_ =	shalt  }
0x78: {  	_ =	shalt  }
0x79: {  	_ =	shalt  }
0x7a: {  	_ =	shalt  }
0x7b: {  	_ =	shalt  }
0x7c: {  	_ =	shalt  }
0x7d: {  	_ =	shalt  }
0x7e: {  	_ =	shalt  }
0x7f: {  	_ =	shalt  }
0x80: {  	_ =	shalt  }
0x81: {  	_ =	shalt  }
0x82: {  	_ =	shalt  }
0x83: {  	_ =	shalt  }
0x84: {  	_ =	shalt  }
0x85: {  	_ =	shalt  }
0x86: {  	_ =	shalt  }
0x87: {  	_ =	shalt  }
.Lfunc_end0:
.L_simem_size_0:
called_computation_lowered:
.L_overlay_start_0:
0x88: {  	s2 =	sld [smem:$0x3FD9]  }
0x89: {  	s3 =	sld [smem:$0x3FFE];
	_ =	sdelay $0x1  }
0x8a: {  	s1 =	srdreg.scid  }
0x8b: {  	s0 =	sand.u32 $0x1, s1  }
0x8c: {  	s17 =	sshll.u32 s0, $0xA;
	s2 =	sadd.s32 s3, s2  }
0x8d: {  	s2 =	sadd.s32 s2, s17  }
0x8e: {  	[smem:$0x3FC5] =	sst s2  }
0x8f: {  	_ = 	snop  }
0x90: {  	s2 =	sld [smem:$0x3FC9]  }
0x91: {  	s18 =	sld [smem:$0x3FC8]  }
0x92: {  	s4 =	sld [smem:$0x3FC7];
	(tm) =	ssettm $0x1  }
0x93: {  	s5 =	sld [smem:$0x3FFB];
	_ =	sdelay $0x3  }
0x94: {  	_ =	strace s5  }
0x95: {  	s5 =	sld [smem:$0x3FFC];
	_ =	sdelay $0x3  }
0x96: {  	_ =	strace s5  }
0x97: {  	s5 =	sld [smem:$0x3FFD];
	_ =	sdelay $0x3  }
0x98: {  	_ =	strace s5  }
0x99: {  	_ =	strace $0x8FFFFFFF  }
0x9a: {  	s19 =	sld [smem:$0x3FDB];
	_ =	sdelay $0x1  }
0x9b: {  	s6 =	simm.s32 $_scs_section_size  }
0x9c: {  	s7 =	simm.s32 $_size__tile_overlayer_lowered;
	s8 =	simm.s32 $_tile_overlayer_lowered  }
0x9d: {  	s22 =	simm.s32 $0x1BFF;
	s21 =	sshll.u32 s8, $0x1;
	s5 =	sadd.s32 s6, s19  }
0x9e: {  	s9 =	simm.s32 $0x0;
	s20 =	sshll.u32 s7, $0x1;
	s7 =	sadd.s32 s21, s5  }
0x9f: {  	[timem:s9], [sflag:s22] =	dma.local [hbm:s7], s20  }
0xa0: {  	_ =	swait.ge [sflag:s22], s20  }
0xa1: {  	s6 =	ssub.s32 $0x0, s20;
	[sflag:s22] =	ssyncset.done $0x0  }
0xa2: {  	[sflag:s22] =	ssyncadd.s32 s6;
	_ =	sdelay $0x1  }
0xa3: {  	s23 =	simm.s32 $0x1B8B  }
0xa4: {  	_ =	swait.ge [sflag:s23], $0x1  }
0xa5: {  	[sflag:s23] =	ssyncset.done $0x0  }
0xa6: {  	s25 =	simm.s32 $0x1B8E;
	s24 =	sld [smem:$0x3FFE];
	[sflag:s23] =	ssyncadd.s32 $0xFFFFFFFF  }
0xa7: {  	s26 =	simm.s32 $execute0_lowered;
	[smem:$0x3FD2] =	sst s25  }
0xa8: {  	s7 =	sshll.u32 s26, $0x1;
	_ =	strace $0x80000046;
	[dreg:$0x1] =	wrdreg $0xFFFFFFFF  }
0xa9: {  	s28 =	simm.s32 $_size_execute0_lowered;
	s5 =	sadd.s32 s5, s7;
	[dreg:$0x0] =	wrdreg $0x0  }
0xaa: {  	s7 =	sshll.u32 s28, $0x1;
	[dreg:$0x2] =	wrdreg s5  }
0xab: {  	[dreg:$0x3] =	wrdreg s7  }
0xac: {  	[dreg:$0x4] =	wrdreg $0xC0  }
0xad: {  	_ =	task [dreg:s9], $0x5FFFF  }
0xae: {  	[dreg:$0x1] =	wrdreg $0xFFFFFFFF  }
0xaf: {  	[dreg:$0x0] =	wrdreg $0x60  }
0xb0: {  	[dreg:$0x2] =	wrdreg s2  }
0xb1: {  	[dreg:$0x3] =	wrdreg s18  }
0xb2: {  	[dreg:$0x4] =	wrdreg s4  }
0xb3: {  	[dreg:$0x5] =	wrdreg s24  }
0xb4: {  	[dreg:$0x6] =	wrdreg $0x9  }
0xb5: {  	_ =	task.clear_ibuf [dreg:s9], $0x7FFFF;
	_ =	strace $0x90000046  }
0xb6: {  	s29 =	simm.s32 $0x9;
	_ =	strace $0x80000048  }
0xb7: {  	_ =	swait.ge [sflag:s29], $0x1  }
0xb8: {  	[sflag:s29] =	ssyncadd.s32 $0xFFFFFFFF  }
0xb9: {  	_ =	strace $0x90000048  }
0xba: {  	_ =	sfence  }
0xbb: {  	s30 =	sld [smem:$0x0];
	_ =	sdelay $0x2  }
0xbc: {  	s31 =	sshll.u32 s1, $0xD;
	s1 =	sshrl.u32 s1, $0x2  }
0xbd: {  	s3 =	sand.u32 $0x4000, s31;
	s1 =	sadd.s32 s1, s30  }
0xbe: {  	s0 =	sor.u32 s3, s0;
	s1 =	sshll.u32 s1, $0x11  }
0xbf: {  	s0 =	sor.u32 s1, s0  }
0xc0: {  	s0 =	sadd.s32 $0x8F2B, s0  }
0xc1: {  	[sflag:s0] =	ssyncadd.remote.s32 $0x1  }
0xc2: {  	_ =	sfence.sel $0xFFFF  }
0xc3: {  	[dreg:$0x0] =	wrdreg $0xFFFFFFFF;
	(pc) =	sbr.abs _section_cstart, $3  }
0xc4: {  	[dreg:$0x1] =	wrdreg $0xFFFFFFFF  }
0xc5: {  	_ =	task.clear_ibuf [dreg:s9], $0x2FFFF;
	_ =	strace $0x9FFFFFFF  }
0xc6: {  	(tm) =	ssettm $0x7FFFFFFF  }
0xc7: {  	_ =	shalt  }
tec
execute0_lowered:
.L_overlay_start_1:
0x0: {  	(tag) =	ssettag $0x1  }
0x1: {  	s4 =	rddreg [dreg:$0x0]  }
0x2: {  	s5 =	rddreg [dreg:$0x1]  }
0x3: {  	s6 =	rddreg [dreg:$0x2]  }
0x4: {  	s1 =	srdreg.scid;
	s3 =	rddreg [dreg:$0x3]  }
0x5: {  	s0 =	stileid.u32;
	s8 =	simm.s32 $0xFFFFFFF4;
	s10 =	simm.s32 $0xF  }
0x6: {  	s7 =	sand.u32 $0x1, s1;
	s2 =	sshll.u32 s0, $0x1;
	p0 =	sgt.u32 s0, $0x5  }
0x7: {  	s1 =	rddreg [dreg:$0x4];
	s9 =	sor.u32 s7, s2;
	s8 =	simm.s32 @!p0 $0x0  }
0x8: {  	s2 =	simm.s32 $0x0;
	s10 =	simm.s32 @!p0 $0xE;
	s7 =	ssub.s32 $0x2, s7  }
0x9: {  	s8 =	sadd.s32 s9, s8;
	s12 =	sand.u32 $0x3, s9;
	s13 =	smul.u32 $0x1E000, s10  }
0xa: {  	[smem:$0x7FF] =	sst s2;
	s10 =	smul.u32 $0x7800, s10;
	s9 =	sshll.u32 s9, $0x4  }
0xb: {  	s11 =	sand.u32 $0xC0, s8;
	p6 =	slt.s32 s8, $0x1;
	p1 =	sne.s32 s12, $0x0  }
0xc: {  	s28 =	sshrl.u32 s7, $0x1;
	s11 =	sshrl.u32 s11, $0x6;
	p0 =	por !p6, !p1  }
0xd: {  	s12 =	simm.s32 $0x1;
	s11 =	sadd.s32 s11, s8;
	p0 =	por !p0, !p0  }
0xe: {  	_ =	strace $0x80000047;
	s11 =	sshrl.u32 s11, $0x2;
	s12 =	simm.s32 @!p0 $0x0  }
0xf: {  	s9 =	sadd.s32 s9, s3;
	s8 =	smul.u32 $0x2800, s8;
	s11 =	ssub.s32 s11, s12  }
0x10: {  	s29 =	ssub.s32 s7, s28;
	s3 =	simm.s32 $0x1;
	s11 =	smul.u32 $0x2800, s11  }
.Ltmp0:
0x11: {  	s7 =	sadd.s32 $0x600, s9;
	s8 =	sadd.s32 s13, s8;
	(pc) =	sbr.rel .LBB2_1-.Ltmp0, $4  }
0x12: {  	s9 =	simm.s32 $0x2800;
	p0 =	sgt.u32 s0, $0xB;
	s30 =	sshrl.u32 s8, $0x3  }
0x13: {  	s12 =	simm.s32 $0x0;
	s4 =	sadd.s32 s4, s30;
	s31 =	sadd.s32 s10, s11  }
0x14: {  	s5 =	sadd.s32 s5, s30;
	s10 =	simm.s32 $0x5000;
	s8 =	sshrl.u32 s31, $0x3  }
0x15: {  	v0 =	vimm.f32 $0.0e+00;
	s11 =	simm.s32 $0x7800;
	s6 =	sadd.s32 s6, s8;
	s8 =	smax.u32 s29, $0x1  }
.LBB2_4:
0x16: {  	v23 =	vsub.f32 v23, v22  }
0x17: {  	v11 =	vmul.f32 $2.402309890e-02, v11  }
0x18: {  	v30 =	vsub.f32 v21, v19;
	v48 =	vsub.f32 v22, v20;
	v6 =	vmul.f32 v23, v6  }
0x19: {  	v29 =	vsub.f32 $1.524114890e+01, v29;
	vm8 =	veq.s32 v7, $0x1;
	v17 =	vsub.f32 v17, v21  }
0x1a: {  	vm9 =	veq.s32 v9, $0xFFFFFFFF;
	vm10 =	veq.s32 v9, $0x1;
	v50 =	vsub.f32 v20, v6  }
0x1b: {  	v8 =	vsub.f32 $1.524114890e+01, v8;
	v52 =	vld [tilespmem:s13+$0x5010];
	v49 =	vsub.f32 $1.524114890e+01, v11;
	v51 =	vnsel vm9, $0x0, v48  }
0x1c: {  	v53 =	vld [tilespmem:s13+$0x5000];
	v18 =	vadd.f32 v30, v18;
	v17 =	vnsel vm4, $0x0, v17;
	v11 =	vadd.f32 v50, v23  }
0x1d: {  	v15 =	vadd.f32 v27, v15;
	v54 =	vsel vm3, v19, v17;
	v6 =	vsel vm10, v6, v51  }
0x1e: {  	v16 =	vnsel vm6, $0x0, v16;
	v55 =	vld [tilespmem:s13+$0x5020];
	v9 =	vsel vm5, v18, v54;
	v6 =	vsel vm0, v11, v6  }
0x1f: {  	v56 =	vsel vm7, v13, v16;
	v8 =	vsub.f32 v8, v9;
	v6 =	vsub.f32 v49, v6  }
0x20: {  	v57 =	vadd.f32 v28, v12;
	v58 =	vsel vm8, v14, v25;
	v9 =	vsel vm2, v15, v56  }
0x21: {  	v9 =	vsub.f32 v29, v9;
	v8 =	vmul.f32 v8, v52;
	v6 =	vmul.f32 v6, v53  }
0x22: {  	v59 =	vld [tilespmem:s13+$0x5040];
	v7 =	vsel vm1, v57, v58  }
0x23: {  	v9 =	vmul.f32 v9, v55;
	v3 =	vadd.f32 v8, v3;
	v5 =	vadd.f32 v6, v5  }
0x24: {  	v60 =	vsub.f32 v10, v7  }
0x25: {  	v61 =	vmul.f32 v26, v24;
	v4 =	vadd.f32 v9, v4;
	v3 =	vadd.f32 v3, v5;
	_ =	sdelay $0x1  }
0x26: {  	v1 =	vadd.f32 v61, v1;
	v62 =	vmul.f32 v60, v59;
	v3 =	vadd.f32 v4, v3  }
0x27: {  	v63 =	vld [tilespmem:$0x7800]  }
0x28: {  	v2 =	vadd.f32 v62, v2;
	v1 =	vadd.f32 v1, v3;
	_ =	sdelay $0x1  }
0x29: {  	v1 =	vadd.f32 v2, v1;
	_ =	sdelay $0x1  }
0x2a: {  	v1 =	vadd.f32 v63, v1;
	_ =	sdelay $0x1  }
0x2b: {  	[tilespmem:$0x7800] =	vst v1  }
.LBB2_5:
0x2c: {  	s12 =	sadd.s32 $0x1, s12  }
0x2d: {  	p1 =	sne.s32 s12, s8  }
.Ltmp1:
0x2e: {  	_ = 	snop;
	(pc) =	sbr.rel @!p1 .LBB2_6-.Ltmp1, $4  }
0x2f: {  	[hbm4b:s7+s2] =	stream.linear.scatter [tilespmem:s11], [sflag:$0x1], $0x80, $0x38;
	[tilespmem:$0x7880] =	vst v63  }
0x30: {  	_ =	swait.ge [sflag:s3], $0x80  }
0x31: {  	[sflag:s3] =	ssyncset.done $0x0  }
0x32: {  	[sflag:s3] =	ssyncadd.s32 $0xFFFFFF80  }
.LBB2_1:
.Ltmp2:
0x33: {  	(pc) =	sbr.rel @p0 .LBB2_5-.Ltmp2, $2  }
0x34: {  	_ =	sdelay $0x2  }
0x35: {  	[tilespmem:$0x7800] =	vst v0  }
0x36: {  	s13 =	simm.s32 $0x0  }
0x37: {  	[tilespmem:s13], [sflag:$0x1] =	stream.linear.gather [hbm4b:s4+s13], $0x2800, $0x38;
	[tilespmem:$0x7880] =	vst v63  }
0x38: {  	_ =	swait.ge [sflag:s3], $0x2800  }
0x39: {  	[sflag:s3] =	ssyncset.done $0x0  }
0x3a: {  	[sflag:s3] =	ssyncadd.s32 $0xFFFFD800  }
0x3b: {  	[tilespmem:s9], [sflag:$0x1] =	stream.linear.gather [hbm4b:s5+s13], $0x2800, $0x38;
	[tilespmem:$0x7880] =	vst v63  }
0x3c: {  	_ =	swait.ge [sflag:s3], $0x2800  }
0x3d: {  	[sflag:s3] =	ssyncset.done $0x0  }
0x3e: {  	[sflag:s3] =	ssyncadd.s32 $0xFFFFD800  }
0x3f: {  	[tilespmem:s10], [sflag:$0x1] =	stream.linear.gather [hbm4b:s6+s13], $0x2800, $0x38;
	[tilespmem:$0x7880] =	vst v63  }
0x40: {  	_ =	swait.ge [sflag:s3], $0x2800  }
0x41: {  	[sflag:s3] =	ssyncset.done $0x0  }
0x42: {  	s13 =	simm.s32 $0x0;
	[sflag:s3] =	ssyncadd.s32 $0xFFFFD800  }
0x43: {  	v1 =	vld [tilespmem:s13+$0x2800]  }
0x44: {  	v2 =	vld [tilespmem:s13+$0x2820]  }
0x45: {  	v3 =	vld [tilespmem:s13+$0x2810]  }
0x46: {  	v4 =	vld [tilespmem:s13+$0x40]  }
0x47: {  	v5 =	vld [tilespmem:s13+$0x0]  }
0x48: {  	v7 =	vld [tilespmem:s13+$0x2840]  }
0x49: {  	v9 =	vld [tilespmem:s13+$0x20]  }
0x4a: {  	v12 =	vld [tilespmem:s13+$0x30];
	_ =	sdelay $0x1  }
0x4b: {  	v6 =	vmul.f32 $1.500000000e+01, v1;
	v2 =	vmul.f32 $1.500000000e+01, v2  }
0x4c: {  	v3 =	vmul.f32 $1.500000000e+01, v3;
	v4 =	vmul.f32 $1.500000000e+01, v4  }
0x4d: {  	v5 =	vmul.f32 $1.500000000e+01, v5;
	v14 =	vmul.f32 $1.500000000e+01, v7  }
0x4e: {  	v9 =	vmul.f32 $1.500000000e+01, v9;
	v12 =	vmul.f32 $1.500000000e+01, v12  }
0x4f: {  	v8 =	vtrunc.f32 v6;
	v10 =	vtrunc.f32 v2  }
0x50: {  	v1 =	vld [tilespmem:s13+$0x10];
	v11 =	vtrunc.f32 v3;
	v17 =	vtrunc.f32 v9  }
0x51: {  	v7 =	vld [tilespmem:s13+$0x2830];
	v19 =	vtrunc.f32 v12;
	v20 =	vtrunc.f32 v5  }
0x52: {  	v10 =	vcvt.f32.s32 v10;
	v15 =	vcvt.f32.s32 v11  }
0x53: {  	v22 =	vcvt.f32.s32 v8;
	v20 =	vcvt.f32.s32 v20  }
0x54: {  	v19 =	vcvt.f32.s32 v19;
	v17 =	vcvt.f32.s32 v17  }
0x55: {  	v1 =	vmul.f32 $1.500000000e+01, v1;
	v13 =	vcvt.s32.f32 v10  }
0x56: {  	v21 =	vmul.f32 $1.500000000e+01, v7;
	v7 =	vtrunc.f32 v14  }
0x57: {  	v24 =	vcvt.s32.f32 v22;
	v26 =	vcvt.s32.f32 v20;
	vm0 =	veq.s32 v22, v20  }
0x58: {  	v27 =	vcvt.s32.f32 v19;
	vm2 =	veq.s32 v10, v17;
	v10 =	vsub.s32 v10, v17  }
0x59: {  	v29 =	vcvt.s32.f32 v15;
	vm6 =	veq.s32 v10, $0xFFFFFFFF;
	vm7 =	veq.s32 v10, $0x1  }
0x5a: {  	v11 =	vtrunc.f32 v1;
	v23 =	vtrunc.f32 v21;
	v6 =	vsub.f32 v6, v24  }
0x5b: {  	v24 =	vcvt.f32.s32 v7;
	v5 =	vsub.f32 v5, v26;
	v3 =	vsub.f32 v3, v29  }
0x5c: {  	v12 =	vsub.f32 v12, v27;
	v16 =	vcvt.f32.s32 v11;
	v11 =	vtrunc.f32 v4  }
0x5d: {  	v2 =	vsub.f32 v2, v13;
	v23 =	vcvt.f32.s32 v23;
	v11 =	vcvt.f32.s32 v11  }
0x5e: {  	v30 =	vcvt.s32.f32 v24;
	v34 =	vadd.f32 $-5.000000000e-01, v12;
	v18 =	vcvt.s32.f32 v16  }
0x5f: {  	v25 =	vsub.s32 v15, v16;
	v13 =	vcvt.s32.f32 v23;
	vm5 =	veq.s32 v15, v16  }
0x60: {  	vm8 =	veq.s32 v23, v19;
	v28 =	vcvt.s32.f32 v11;
	v7 =	vsub.s32 v24, v11  }
0x61: {  	vm1 =	veq.s32 v24, v11;
	v11 =	vcvt.s32.f32 v17;
	v24 =	vmul.f32 $1.574935950e-02, v5  }
0x62: {  	vm3 =	veq.s32 v25, $0x1;
	vm4 =	veq.s32 v25, $0xFFFFFFFF;
	v14 =	vsub.f32 v14, v30  }
0x63: {  	v18 =	vsub.f32 v1, v18;
	v1 =	vimm.f32 $0.0e+00;
	v13 =	vsub.f32 v21, v13  }
0x64: {  	vm10 =	veq.s32 v7, $0xFFFFFFFF;
	v4 =	vsub.f32 v4, v28;
	v29 =	vsub.f32 v9, v11  }
0x65: {  	v24 =	vsub.f32 $-4.242686090e-03, v24;
	v8 =	vadd.f32 $-5.000000000e-01, v18;
	v31 =	vmul.f32 $1.574935950e-02, v18  }
0x66: {  	v27 =	vmul.f32 $1.574935950e-02, v4;
	v32 =	vadd.f32 $-5.000000000e-01, v4;
	v33 =	vadd.f32 $-5.000000000e-01, v29  }
0x67: {  	v24 =	vmul.f32 v24, v5;
	v8 =	vmul.f32 v8, v8;
	v28 =	vsub.f32 $-4.242686090e-03, v31  }
0x68: {  	v31 =	vmul.f32 $1.574935950e-02, v12;
	v11 =	vsub.f32 $-4.242686090e-03, v27;
	v27 =	vmul.f32 $1.574935950e-02, v29  }
0x69: {  	v9 =	vadd.f32 $-5.000000000e-01, v5;
	v33 =	vmul.f32 v33, v33;
	v21 =	vmul.f32 v32, v32  }
0x6a: {  	v24 =	vadd.f32 $2.510418590e-01, v24;
	v26 =	vmul.f32 $5.573344600e-02, v8;
	v28 =	vmul.f32 v28, v18  }
0x6b: {  	v8 =	vmul.f32 $2.402309890e-02, v8;
	v35 =	vmul.f32 v11, v4;
	v25 =	vsub.f32 $-4.242686090e-03, v27  }
0x6c: {  	v27 =	vsub.f32 $-4.242686090e-03, v31;
	v11 =	vmul.f32 v9, v9;
	v31 =	vmul.f32 v34, v34  }
0x6d: {  	v9 =	vsub.s32 v22, v20;
	v15 =	vmul.f32 $5.573344600e-02, v33;
	v5 =	vmul.f32 v24, v5  }
0x6e: {  	v10 =	vmul.f32 $2.402309890e-02, v21;
	v26 =	vsub.f32 $2.448734640e-01, v26;
	v20 =	vmul.f32 v25, v29  }
0x6f: {  	v63 =	vadd.f32 $2.510418590e-01, v35;
	v16 =	vmul.f32 $5.573344600e-02, v31;
	v22 =	vmul.f32 v27, v12  }
0x70: {  	v25 =	vmul.f32 $5.573344600e-02, v11;
	v15 =	vsub.f32 $2.448734640e-01, v15;
	v27 =	vsub.s32 v23, v19  }
0x71: {  	v10 =	vsub.f32 $1.524114890e+01, v10;
	vm9 =	veq.s32 v27, $0x1;
	v22 =	vadd.f32 $2.510418590e-01, v22  }
0x72: {  	v20 =	vadd.f32 $2.510418590e-01, v20;
	v4 =	vmul.f32 v63, v4;
	v16 =	vsub.f32 $2.448734640e-01, v16  }
0x73: {  	v23 =	vsub.f32 $2.448734640e-01, v25;
	v25 =	vmul.f32 $2.402309890e-02, v31;
	v12 =	vmul.f32 v22, v12  }
0x74: {  	v20 =	vmul.f32 v20, v29;
	v29 =	vmul.f32 $5.573344600e-02, v21;
	v4 =	vadd.f32 $-5.486106240e-05, v4  }
0x75: {  	vm11 =	veq.s32 v27, $0xFFFFFFFF;
	v22 =	vadd.f32 $2.510418590e-01, v28;
	v19 =	vadd.f32 $-5.486106240e-05, v12  }
0x76: {  	v25 =	vsub.f32 $1.524114890e+01, v25;
	v17 =	vsub.f32 $2.448734640e-01, v29;
	v24 =	vmul.f32 v4, v14  }
0x77: {  	v27 =	vadd.f32 $-5.486106240e-05, v20;
	v29 =	vmul.f32 $2.402309890e-02, v33;
	v16 =	vsub.f32 v16, v19  }
0x78: {  	v12 =	vsub.f32 v17, v4;
	v17 =	vmul.f32 v22, v18;
	v21 =	vmul.f32 v19, v13  }
0x79: {  	v22 =	vadd.f32 $-5.486106240e-05, v5;
	v15 =	vsub.f32 v15, v27;
	v5 =	vmul.f32 v16, v13  }
0x7a: {  	v4 =	vsub.f32 v4, v24;
	v17 =	vadd.f32 $-5.486106240e-05, v17;
	v14 =	vmul.f32 v12, v14  }
0x7b: {  	v20 =	vmul.f32 v22, v6;
	v19 =	vsub.f32 v19, v21;
	v28 =	vsub.f32 v21, v5  }
0x7c: {  	v13 =	vmul.f32 v15, v2;
	v2 =	vmul.f32 v27, v2;
	v18 =	vsub.f32 v26, v17  }
0x7d: {  	v21 =	vmul.f32 v17, v3;
	v19 =	vnsel vm11, $0x0, v19;
	v26 =	vadd.f32 v28, v16  }
0x7e: {  	v5 =	vsel vm9, v5, v19;
	v16 =	vsub.f32 v27, v2;
	v28 =	vsub.f32 v24, v14;
	v24 =	vld [tilespmem:s13+$0x5030]  }
0x7f: {  	v19 =	vmul.f32 v18, v3;
	v27 =	vsub.f32 v2, v13;
	v3 =	vsel vm8, v26, v5  }
0x80: {  	v2 =	vimm.f32 $0.0e+00;
	v5 =	vimm.f32 $0.0e+00;
	v26 =	vsub.f32 v25, v3  }
0x81: {  	s14 =	simm.s32 $0x200;
	v25 =	vnsel vm10, $0x0, v4;
	v3 =	vimm.f32 $0.0e+00;
	v4 =	vimm.f32 $0.0e+00  }
.LBB2_3:
0x82: {  	s15 =	sshra.s32 s14, $0x2;
	p1 =	sne.s32 s14, $0x9E00;
	s14 =	sadd.s32 $0x200, s14;
	v11 =	vmul.f32 $2.402309890e-02, v11;
	v23 =	vsub.f32 v23, v22;
	v30 =	vsub.f32 v21, v19  }
0x83: {  	v22 =	vsub.f32 v22, v20;
	v29 =	vsub.f32 $1.524114890e+01, v29;
	v24 =	vmul.f32 v26, v24;
	v31 =	vld [tilespmem:s15+$0x2800]  }
0x84: {  	v28 =	vadd.f32 v28, v12;
	vm8 =	veq.s32 v7, $0x1;
	v26 =	vld [tilespmem:s15+$0x2820];
	v6 =	vmul.f32 v23, v6  }
0x85: {  	vm9 =	veq.s32 v9, $0x1;
	v11 =	vsub.f32 $1.524114890e+01, v11;
	v1 =	vadd.f32 v24, v1;
	v7 =	vld [tilespmem:s15+$0x2810]  }
0x86: {  	vm10 =	veq.s32 v9, $0xFFFFFFFF;
	v9 =	vsel vm8, v14, v25;
	v12 =	vld [tilespmem:s15+$0x40];
	v20 =	vsub.f32 v20, v6  }
0x87: {  	v8 =	vsub.f32 $1.524114890e+01, v8;
	v15 =	vadd.f32 v27, v15;
	v22 =	vnsel vm10, $0x0, v22;
	v24 =	vld [tilespmem:s15+$0x2840]  }
0x88: {  	v17 =	vsub.f32 v17, v21;
	v25 =	vld [tilespmem:s15+$0x0];
	v27 =	vmul.f32 $1.500000000e+01, v31;
	v20 =	vadd.f32 v20, v23  }
0x89: {  	v18 =	vadd.f32 v30, v18;
	v6 =	vsel vm9, v6, v22;
	v14 =	vmul.f32 $1.500000000e+01, v26;
	v21 =	vld [tilespmem:s15+$0x2830]  }
0x8a: {  	v17 =	vnsel vm4, $0x0, v17;
	v22 =	vtrunc.f32 v27;
	v23 =	vmul.f32 $1.500000000e+01, v7;
	v7 =	vld [tilespmem:s15+$0x20]  }
0x8b: {  	v17 =	vsel vm3, v19, v17;
	v26 =	vld [tilespmem:s15+$0x10];
	v30 =	vtrunc.f32 v14;
	v31 =	vmul.f32 $1.500000000e+01, v12  }
0x8c: {  	v19 =	vtrunc.f32 v23;
	v12 =	vcvt.f32.s32 v30;
	v30 =	vld [tilespmem:s15+$0x30]  }
0x8d: {  	v16 =	vnsel vm6, $0x0, v16;
	v17 =	vsel vm5, v18, v17;
	v25 =	vmul.f32 $1.500000000e+01, v25;
	v32 =	vld [tilespmem:s13+$0x5010]  }
0x8e: {  	v8 =	vsub.f32 v8, v17;
	v24 =	vmul.f32 $1.500000000e+01, v24;
	v18 =	vcvt.s32.f32 v12  }
0x8f: {  	v13 =	vsel vm7, v13, v16;
	v17 =	vcvt.f32.s32 v19;
	v19 =	vmul.f32 $1.500000000e+01, v7;
	v7 =	vld [tilespmem:s13+$0x5000]  }
0x90: {  	v13 =	vsel vm2, v15, v13;
	v16 =	vmul.f32 $1.500000000e+01, v26;
	v26 =	vtrunc.f32 v31;
	v33 =	vld [tilespmem:s13+$0x5020]  }
0x91: {  	v6 =	vsel vm0, v20, v6;
	v15 =	vtrunc.f32 v19;
	v30 =	vmul.f32 $1.500000000e+01, v30;
	v20 =	vld [tilespmem:s13+$0x5040];
	s13 =	smov.u32 s15  }
0x92: {  	v6 =	vsub.f32 v11, v6;
	v34 =	vtrunc.f32 v16;
	v8 =	vmul.f32 v8, v32  }
0x93: {  	v9 =	vsel vm1, v28, v9;
	v11 =	vsub.f32 v29, v13;
	v32 =	vcvt.f32.s32 v34  }
0x94: {  	v13 =	vtrunc.f32 v30;
	v6 =	vmul.f32 v6, v7;
	v7 =	vsub.f32 v10, v9  }
0x95: {  	v9 =	vcvt.s32.f32 v32;
	v28 =	vsub.s32 v17, v32;
	v11 =	vmul.f32 v11, v33  }
0x96: {  	v26 =	vcvt.f32.s32 v26;
	v3 =	vadd.f32 v8, v3;
	v7 =	vmul.f32 v7, v20  }
0x97: {  	v8 =	vtrunc.f32 v25;
	v10 =	vsub.f32 v16, v9;
	v16 =	vmul.f32 $1.500000000e+01, v21  }
0x98: {  	v5 =	vadd.f32 v6, v5;
	v9 =	vtrunc.f32 v24;
	v4 =	vadd.f32 v11, v4  }
0x99: {  	v8 =	vcvt.f32.s32 v8;
	v20 =	vcvt.f32.s32 v22;
	v6 =	vadd.f32 $-5.000000000e-01, v10  }
0x9a: {  	v13 =	vcvt.f32.s32 v13;
	v2 =	vadd.f32 v7, v2;
	v11 =	vtrunc.f32 v16  }
0x9b: {  	v7 =	vcvt.s32.f32 v20;
	v21 =	vmul.f32 v6, v6  }
0x9c: {  	v29 =	vcvt.s32.f32 v13;
	v22 =	vcvt.s32.f32 v8;
	vm0 =	veq.s32 v20, v8  }
0x9d: {  	v9 =	vcvt.f32.s32 v9;
	v6 =	vsub.f32 v27, v7;
	v27 =	vcvt.s32.f32 v26  }
0x9e: {  	v15 =	vcvt.f32.s32 v15;
	v22 =	vsub.f32 v25, v22;
	v25 =	vcvt.s32.f32 v17  }
0x9f: {  	v34 =	vcvt.s32.f32 v9;
	v7 =	vsub.s32 v9, v26;
	v33 =	vmul.f32 $5.573344600e-02, v21  }
0xa0: {  	v35 =	vmul.f32 $1.574935950e-02, v10;
	vm1 =	veq.s32 v9, v26;
	v27 =	vsub.f32 v31, v27  }
0xa1: {  	v25 =	vsub.f32 v23, v25;
	v9 =	vcvt.s32.f32 v15;
	v23 =	vcvt.f32.s32 v11  }
0xa2: {  	vm2 =	veq.s32 v12, v15;
	v11 =	vmul.f32 $1.574935950e-02, v22;
	v26 =	vsub.f32 $2.448734640e-01, v33  }
0xa3: {  	v29 =	vsub.f32 v30, v29;
	v31 =	vsub.f32 $-4.242686090e-03, v35;
	v30 =	vmul.f32 $1.574935950e-02, v27  }
0xa4: {  	vm3 =	veq.s32 v28, $0x1;
	v19 =	vsub.f32 v19, v9;
	v33 =	vsub.f32 $-4.242686090e-03, v11  }
0xa5: {  	v9 =	vadd.f32 $-5.000000000e-01, v22;
	v31 =	vmul.f32 v31, v10;
	v11 =	vsub.f32 $-4.242686090e-03, v30  }
0xa6: {  	v35 =	vmul.f32 $1.574935950e-02, v29;
	v36 =	vadd.f32 $-5.000000000e-01, v27;
	v30 =	vmul.f32 $1.574935950e-02, v19  }
0xa7: {  	v38 =	vadd.f32 $-5.000000000e-01, v29;
	v37 =	vadd.f32 $-5.000000000e-01, v19;
	v39 =	vmul.f32 v11, v27  }
0xa8: {  	vm4 =	veq.s32 v28, $0xFFFFFFFF;
	v28 =	vsub.f32 $-4.242686090e-03, v30;
	v30 =	vsub.f32 $-4.242686090e-03, v35  }
0xa9: {  	v11 =	vmul.f32 v9, v9;
	v35 =	vmul.f32 v38, v38;
	v38 =	vadd.f32 $2.510418590e-01, v39  }
0xaa: {  	v37 =	vmul.f32 v37, v37;
	v9 =	vsub.s32 v20, v8;
	v8 =	vmul.f32 $2.402309890e-02, v21  }
0xab: {  	v39 =	vsub.f32 v14, v18;
	v14 =	vmul.f32 v28, v19;
	v18 =	vcvt.s32.f32 v23  }
0xac: {  	vm5 =	veq.s32 v17, v32;
	v17 =	vmul.f32 $5.573344600e-02, v37;
	v20 =	vmul.f32 $5.573344600e-02, v35  }
0xad: {  	v24 =	vsub.f32 v24, v34;
	v21 =	vmul.f32 v30, v29;
	v14 =	vadd.f32 $2.510418590e-01, v14  }
0xae: {  	v28 =	vmul.f32 v33, v22;
	v16 =	vsub.f32 v16, v18;
	v18 =	vmul.f32 v36, v36  }
0xaf: {  	v14 =	vmul.f32 v14, v19;
	v19 =	vadd.f32 $2.510418590e-01, v21;
	v21 =	vmul.f32 v38, v27  }
0xb0: {  	v30 =	vsub.f32 $2.448734640e-01, v17;
	v28 =	vadd.f32 $2.510418590e-01, v28;
	v27 =	vmul.f32 $5.573344600e-02, v11  }
0xb1: {  	v17 =	vsub.s32 v23, v13;
	v32 =	vmul.f32 $5.573344600e-02, v18;
	v33 =	vadd.f32 $-5.486106240e-05, v21  }
0xb2: {  	v12 =	vsub.s32 v12, v15;
	vm8 =	veq.s32 v23, v13;
	v15 =	vmul.f32 v19, v29  }
0xb3: {  	vm6 =	veq.s32 v12, $0xFFFFFFFF;
	vm9 =	veq.s32 v17, $0x1;
	v13 =	vsub.f32 $2.448734640e-01, v32  }
0xb4: {  	v19 =	vmul.f32 v28, v22;
	v21 =	vadd.f32 $-5.486106240e-05, v15;
	v28 =	vmul.f32 v33, v24  }
0xb5: {  	vm10 =	veq.s32 v7, $0xFFFFFFFF;
	vm11 =	veq.s32 v17, $0xFFFFFFFF;
	v15 =	vsub.f32 $2.448734640e-01, v20  }
0xb6: {  	vm7 =	veq.s32 v12, $0x1;
	v17 =	vadd.f32 $2.510418590e-01, v31;
	v12 =	vsub.f32 v13, v33  }
0xb7: {  	v31 =	vadd.f32 $-5.486106240e-05, v14;
	v13 =	vmul.f32 $2.402309890e-02, v18;
	v32 =	vsub.f32 v15, v21  }
0xb8: {  	v23 =	vsub.f32 $2.448734640e-01, v27;
	v14 =	vmul.f32 v17, v10;
	v27 =	vmul.f32 v21, v16  }
0xb9: {  	v22 =	vadd.f32 $-5.486106240e-05, v19;
	v10 =	vsub.f32 $1.524114890e+01, v13;
	v19 =	vmul.f32 v32, v16  }
0xba: {  	v17 =	vadd.f32 $-5.486106240e-05, v14;
	v15 =	vsub.f32 v30, v31;
	v14 =	vmul.f32 v12, v24  }
0xbb: {  	v20 =	vmul.f32 v22, v6;
	v16 =	vmul.f32 $2.402309890e-02, v35;
	v30 =	vsub.f32 v27, v19  }
0xbc: {  	v18 =	vsub.f32 v26, v17;
	v13 =	vmul.f32 v15, v39;
	v26 =	vsub.f32 v21, v27  }
.Ltmp3:
0xbd: {  	v21 =	vmul.f32 v17, v25;
	v27 =	vmul.f32 v31, v39;
	v34 =	vsub.f32 $1.524114890e+01, v16;
	(pc) =	sbr.rel @p1 .LBB2_3-.Ltmp3, $4  }
0xbe: {  	v29 =	vmul.f32 $2.402309890e-02, v37;
	v26 =	vnsel vm11, $0x0, v26;
	v30 =	vadd.f32 v30, v32;
	v24 =	vld [tilespmem:s13+$0x5030]  }
0xbf: {  	v26 =	vsel vm9, v19, v26;
	v16 =	vsub.f32 v31, v27;
	v31 =	vsub.f32 v33, v28  }
0xc0: {  	v19 =	vmul.f32 v18, v25;
	v28 =	vsub.f32 v28, v14;
	v25 =	vsel vm8, v30, v26  }
0xc1: {  	v27 =	vsub.f32 v27, v13;
	v26 =	vsub.f32 v34, v25;
	v25 =	vnsel vm10, $0x0, v31  }
.Ltmp4:
0xc2: {  	_ = 	snop;
	(pc) =	sbr.rel .LBB2_4-.Ltmp4, $1  }
0xc3: {  	_ =	sdelay $0x3  }
.LBB2_6:
0xc4: {  	_ =	sfence.sel $0x180000  }
0xc5: {  	[bflag:$0x0] =	sbarrier.arrive $0xFFFF  }
0xc6: {  	p0 =	sne.s32 s0, $0x0;
	_ =	strace $0x90000047  }
0xc7: {  	s0 =	sadd.s32 @!p0 $0x100000, s1;
	[bflag:$0x2] =	sbarrier.arrive $0xFFFF  }
0xc8: {  	[sflag:s0] =	ssyncadd.tile.s32 @!p0 $0x1;
	_ =	shalt  }
.Lfunc_end2:
_tile_overlayer_lowered:
.L_overlay_start_2:
0xc9: {  	(tag) =	ssettag $0x2  }
0xca: {  	s0 =	rddreg [dreg:$0x0];
	s2 =	stileid.u32  }
0xcb: {  	s1 =	rddreg [dreg:$0x1];
	p0 =	sne.s32 s2, $0x0  }
0xcc: {  	s3 =	rddreg [dreg:$0x2];
	[bflag:$0x3] =	sbarrier.arrive $0xFFFF;
	s2 =	simm.s32 @!p0 $0x1C01  }
0xcd: {  	[timem:s3], [sflag:s2] =	dma.local @!p0 [hbm:s0], s1  }
0xce: {  	s0 =	simm.s32 @!p0 $0x1  }
0xcf: {  	_ =	swait.ge @!p0 [sflag:s0], s1  }
0xd0: {  	s1 =	ssub.s32 @!p0 $0x0, s1;
	[sflag:s0] =	ssyncset.done @!p0 $0x0  }
0xd1: {  	[sflag:s0] =	ssyncadd.s32 @!p0 s1  }
0xd2: {  	[bflag:$0x3] =	sbarrier.arrive $0xFFFF  }
0xd3: {  	_ =	shalt  }

</sc_bundles>
